<compile_context>
chip_gen: v7x
topology: tpu7x:2x2x1
jax: 0.10.2.dev20260603
libtpu: 0.0.44.dev20260713+nightly
codegen_flags: <defaults>
</compile_context>

<pallas_src>
import functools

import jax
import jax.numpy as jnp
from jax import lax
from jax.experimental import pallas as pl
from jax.experimental.pallas import tpu as pltpu
from jax.experimental.pallas import tpu_sc as plsc

N = 10000
NP = 10240
E = 320000
EP = 327680
NC, NS = 2, 16
EPC = EP // NC
BLK = 4096
NB = EPC // BLK
CPT = 4
NCHUNK = 80
CL = 128
RPT = NP // NS
IN_CH, HID, OUT_CH, NG = 128, 64, 128, 16

_MESH = plsc.VectorSubcoreMesh(
    core_axis_name="c", subcore_axis_name="s", num_cores=NC, num_subcores=NS)
_SC_PARAMS = pltpu.CompilerParams(
    use_tc_tiling_on_sc=False, needs_layout_passes=False)



@functools.partial(
    pl.kernel,
    out_type=jax.ShapeDtypeStruct((NC, NP), jnp.float32),
    mesh=_MESH,
    compiler_params=_SC_PARAMS,
    scratch_types=[
        pltpu.VMEM((NCHUNK, CL), jnp.int32),
        pltpu.VMEM((RPT,), jnp.float32),
        pltpu.VMEM((CL,), jnp.float32),
        pltpu.VMEM_SHARED((NP,), jnp.float32),
    ],
)
def _deg_kernel(dst_hbm, out_hbm, dst_v, zb, ones_v, acc):
    c = lax.axis_index("c")
    s = lax.axis_index("s")
    w = c * NS + s

    def zb_body(i, _):
        zb[pl.ds(i * 16, 16)] = jnp.zeros((16,), jnp.float32)
        return 0
    lax.fori_loop(0, RPT // 16, zb_body, 0)

    def ones_body(i, _):
        ones_v[pl.ds(i * 16, 16)] = jnp.ones((16,), jnp.float32)
        return 0
    lax.fori_loop(0, CL // 16, ones_body, 0)

    pltpu.sync_copy(zb, acc.at[pl.ds(s * RPT, RPT)])
    pltpu.sync_copy(dst_hbm.at[w], dst_v)
    plsc.subcore_barrier()

    def body(j, _):
        pltpu.sync_copy(ones_v, acc.at[dst_v.at[j]], add=True)
        return 0
    lax.fori_loop(0, NCHUNK, body, 0)

    plsc.subcore_barrier()
    pltpu.sync_copy(acc.at[pl.ds(s * RPT, RPT)],
                    out_hbm.at[c, pl.ds(s * RPT, RPT)])


@functools.partial(
    pl.kernel,
    out_type=jax.ShapeDtypeStruct((NC, HID, NP), jnp.float32),
    mesh=_MESH,
    compiler_params=_SC_PARAMS,
    scratch_types=[
        pltpu.VMEM((CPT, NP), jnp.float32),
        pltpu.VMEM((CPT, NP), jnp.float32),
        pltpu.VMEM((BLK,), jnp.int32),
        pltpu.VMEM((BLK,), jnp.int32),
        pltpu.VMEM((BLK,), jnp.int32),
        pltpu.VMEM((BLK,), jnp.int32),
        pltpu.SemaphoreType.DMA,
        pltpu.SemaphoreType.DMA,
    ],
)
def _aggT(table_hbm, src_hbm, dst_hbm, out_hbm, tab_v, acc_v,
          sbufa, dbufa, sbufb, dbufb, sema, semb):
    c = lax.axis_index("c")
    s = lax.axis_index("s")

    pltpu.sync_copy(table_hbm.at[pl.ds(s * CPT, CPT)], tab_v)
    pltpu.sync_copy(table_hbm.at[pl.ds(s * CPT, CPT)], acc_v)

    def start_load(b, sb, db, sem):
        pltpu.async_copy(src_hbm.at[c, b], sb, sem)
        pltpu.async_copy(dst_hbm.at[c, b], db, sem)

    def wait_load(sb, db, sem):
        pltpu.make_async_copy(src_hbm.at[c, 0], sb, sem).wait()
        pltpu.make_async_copy(src_hbm.at[c, 0], db, sem).wait()

    def compute(sb, db):
        @plsc.parallel_loop(0, BLK, step=16, unroll=4)
        def _(i):
            s16 = sb[pl.ds(i, 16)]
            d16 = db[pl.ds(i, 16)]
            for cc in range(CPT):
                cv = jnp.full((16,), cc, jnp.int32)
                v = plsc.load_gather(tab_v, [cv, s16])
                plsc.addupdate_scatter(acc_v, [cv, d16], v)

    start_load(0, sbufa, dbufa, sema)

    def body(k, _):
        b = 2 * k
        wait_load(sbufa, dbufa, sema)
        start_load(b + 1, sbufb, dbufb, semb)
        compute(sbufa, dbufa)
        wait_load(sbufb, dbufb, semb)

        @pl.when(k < NB // 2 - 1)
        def _():
            start_load(b + 2, sbufa, dbufa, sema)

        compute(sbufb, dbufb)
        return 0
    lax.fori_loop(0, NB // 2, body, 0)

    pltpu.sync_copy(acc_v, out_hbm.at[c, pl.ds(s * CPT, CPT)])


@functools.partial(
    pl.kernel,
    out_type=jax.ShapeDtypeStruct((OUT_CH, NP), jnp.float32),
    mesh=_MESH,
    compiler_params=_SC_PARAMS,
    scratch_types=[
        pltpu.VMEM((CPT, NP), jnp.float32),
        pltpu.VMEM((CPT, NP), jnp.float32),
        pltpu.VMEM((BLK,), jnp.int32),
        pltpu.VMEM((BLK,), jnp.int32),
        pltpu.VMEM((BLK,), jnp.int32),
        pltpu.VMEM((BLK,), jnp.int32),
        pltpu.SemaphoreType.DMA,
        pltpu.SemaphoreType.DMA,
    ],
)
def _aggT_wide(table_hbm, src_hbm, dst_hbm, out_hbm, tab_v, acc_v,
               sbufa, dbufa, sbufb, dbufb, sema, semb):
    c = lax.axis_index("c")
    s = lax.axis_index("s")
    row = c * (OUT_CH // NC) + s * CPT

    pltpu.sync_copy(table_hbm.at[pl.ds(row, CPT)], tab_v)
    pltpu.sync_copy(table_hbm.at[pl.ds(row, CPT)], acc_v)

    def start_load(b, sb, db, sem):
        pltpu.async_copy(src_hbm.at[b], sb, sem)
        pltpu.async_copy(dst_hbm.at[b], db, sem)

    def wait_load(sb, db, sem):
        pltpu.make_async_copy(src_hbm.at[0], sb, sem).wait()
        pltpu.make_async_copy(src_hbm.at[0], db, sem).wait()

    def compute(sb, db):
        @plsc.parallel_loop(0, BLK, step=16, unroll=4)
        def _(i):
            s16 = sb[pl.ds(i, 16)]
            d16 = db[pl.ds(i, 16)]
            for cc in range(CPT):
                cv = jnp.full((16,), cc, jnp.int32)
                v = plsc.load_gather(tab_v, [cv, s16])
                plsc.addupdate_scatter(acc_v, [cv, d16], v)

    NBW = EP // BLK
    start_load(0, sbufa, dbufa, sema)

    def body(k, _):
        b = 2 * k
        wait_load(sbufa, dbufa, sema)
        start_load(b + 1, sbufb, dbufb, semb)
        compute(sbufa, dbufa)
        wait_load(sbufb, dbufb, semb)

        @pl.when(k < NBW // 2 - 1)
        def _():
            start_load(b + 2, sbufa, dbufa, sema)

        compute(sbufb, dbufb)
        return 0
    lax.fori_loop(0, NBW // 2, body, 0)

    pltpu.sync_copy(acc_v, out_hbm.at[pl.ds(row, CPT)])



def _pre_body(degp_ref, xt_ref, wt_ref, h_ref, dis_ref):
    deg = degp_ref[0] + degp_ref[1] + 1.0
    dis = lax.rsqrt(deg)
    dis_ref[...] = dis
    h = jnp.dot(wt_ref[...], xt_ref[...], preferred_element_type=jnp.float32)
    h_ref[...] = h * dis


def _bn_relu(z, g_ref, be_ref):
    cols = lax.broadcasted_iota(jnp.int32, z.shape, 1)
    mask = cols < N
    zm = jnp.where(mask, z, 0.0)
    mean = jnp.sum(zm, axis=1, keepdims=True) / N
    var = jnp.sum(zm * zm, axis=1, keepdims=True) / N - mean * mean
    y = g_ref[...] * (z - mean) * lax.rsqrt(var + 1e-5) + be_ref[...]
    return jnp.where(mask, jnp.maximum(y, 0.0), 0.0)


def _mid_body(sp_ref, hp_ref, dis_ref, b_ref, g_ref, be_ref, wt_ref, out_ref):
    dis = dis_ref[...]
    z = dis * (sp_ref[0] + sp_ref[1] - hp_ref[...]) + b_ref[...]
    y = _bn_relu(z, g_ref, be_ref)
    out_ref[...] = jnp.dot(
        wt_ref[...], y, preferred_element_type=jnp.float32) * dis


def _final_body(s2_ref, dis_ref, b_ref, batch_ref, out_ref):
    z = dis_ref[...] * s2_ref[...] + b_ref[...]
    gid = lax.broadcasted_iota(jnp.int32, (NP, NG), 1)
    onehot = (batch_ref[...] == gid).astype(jnp.float32)
    cnt = jnp.maximum(jnp.sum(onehot, axis=0, keepdims=True), 1.0)
    p = jnp.dot(z, onehot, preferred_element_type=jnp.float32) / cnt
    out_ref[...] = 1.0 / (1.0 + jnp.exp(-p))


def _f32(*shape):
    return jax.ShapeDtypeStruct(shape, jnp.float32)


def kernel(x, edge_index, batch, W0, b0, W1, b1, W2, b2, g0, be0, g1, be1):
    src = edge_index[0].astype(jnp.int32)
    dst = edge_index[1].astype(jnp.int32)
    pad = jnp.full((EP - E,), N, jnp.int32)
    src_p = jnp.concatenate([src, pad])
    dst_p = jnp.concatenate([dst, pad])
    src_r = src_p.reshape(NC, NB, BLK)
    dst_r = dst_p.reshape(NC, NB, BLK)
    src_w = src_p.reshape(EP // BLK, BLK)
    dst_w = dst_p.reshape(EP // BLK, BLK)
    dst_deg = dst_p.reshape(NC * NS, NCHUNK, CL)
    xt_p = jnp.pad(x, ((0, NP - N), (0, 0))).T
    batch_p = jnp.concatenate(
        [batch.astype(jnp.int32),
         jnp.full((NP - N,), NG, jnp.int32)]).reshape(NP, 1)

    degp = _deg_kernel(dst_deg).reshape(NC, 1, NP)

    h0, dis = pl.pallas_call(
        _pre_body, out_shape=(_f32(HID, NP), _f32(1, NP)))(degp, xt_p, W0.T)

    s0 = _aggT(h0, src_r, dst_r)
    h1 = pl.pallas_call(_mid_body, out_shape=_f32(HID, NP))(
        s0, h0, dis, b0.reshape(-1, 1), g0.reshape(-1, 1),
        be0.reshape(-1, 1), W1.T)

    s1 = _aggT(h1, src_r, dst_r)
    h2 = pl.pallas_call(_mid_body, out_shape=_f32(OUT_CH, NP))(
        s1, h1, dis, b1.reshape(-1, 1), g1.reshape(-1, 1),
        be1.reshape(-1, 1), W2.T)

    s2 = _aggT_wide(h2, src_w, dst_w)
    outT = pl.pallas_call(_final_body, out_shape=_f32(OUT_CH, NG))(
        s2, dis, b2.reshape(-1, 1), batch_p)
    return outT.T

# --- scband reference (transcript-rebuilt; emitter-appended) ---
"""Pipeline reference for scband-gcnnet-38508676776214 (READ-ONLY COPY).

The authoritative reference and input builder live on the scoring server;
editing this copy changes nothing except your own understanding.
"""

import jax, jax.numpy as jnp
import numpy as np

N_NODES = 10000
N_EDGES = 320000
IN_CH = 128
HID = 64
OUT_CH = 128
N_GRAPHS = 16


def setup_inputs(seed: int = 0) -> dict:
    key = jax.random.key(seed)
    ks = jax.random.split(key, 12)
    x = jax.random.normal(ks[0], (N_NODES, IN_CH), dtype=jnp.float32)
    edge_index = jax.random.randint(ks[1], (2, N_EDGES), 0, N_NODES, dtype=jnp.int64)
    batch = jnp.sort(jax.random.randint(ks[2], (N_NODES,), 0, N_GRAPHS, dtype=jnp.int64))
    def glorot(k, fan_in, fan_out):
        lim = jnp.sqrt(6.0 / (fan_in + fan_out))
        return jax.random.uniform(k, (fan_in, fan_out), dtype=jnp.float32, minval=-lim, maxval=lim)
    W0 = glorot(ks[3], IN_CH, HID)
    b0 = jnp.zeros((HID,), dtype=jnp.float32)
    W1 = glorot(ks[4], HID, HID)
    b1 = jnp.zeros((HID,), dtype=jnp.float32)
    W2 = glorot(ks[5], HID, OUT_CH)
    b2 = jnp.zeros((OUT_CH,), dtype=jnp.float32)
    g0 = jnp.ones((HID,), dtype=jnp.float32)
    be0 = jnp.zeros((HID,), dtype=jnp.float32)
    g1 = jnp.ones((HID,), dtype=jnp.float32)
    be1 = jnp.zeros((HID,), dtype=jnp.float32)
    return {"x": x, "edge_index": edge_index, "batch": batch,
            "W0": W0, "b0": b0, "W1": W1, "b1": b1, "W2": W2, "b2": b2,
            "g0": g0, "be0": be0, "g1": g1, "be1": be1}


def _gcn_conv(x, edge_index, W, b):
    # PyG GCNConv: x' = D^{-1/2} (A + I) D^{-1/2} (X W) + b
    n = x.shape[0]
    h = x @ W
    loop = jnp.arange(n, dtype=edge_index.dtype)
    src = jnp.concatenate([edge_index[0], loop])
    dst = jnp.concatenate([edge_index[1], loop])
    deg = jax.ops.segment_sum(jnp.ones_like(dst, dtype=h.dtype), dst, num_segments=n)
    deg_inv_sqrt = deg ** -0.5  # deg >= 1 due to self-loops
    norm = deg_inv_sqrt[src] * deg_inv_sqrt[dst]
    msg = h[src] * norm[:, None]
    out = jax.ops.segment_sum(msg, dst, num_segments=n)
    return out + b


def _batch_norm(x, gamma, beta, eps=1e-5):
    mean = jnp.mean(x, axis=0)
    var = jnp.var(x, axis=0)
    return gamma * (x - mean) / jnp.sqrt(var + eps) + beta


def reference(x, edge_index, batch, W0, b0, W1, b1, W2, b2, g0, be0, g1, be1):
    h = _gcn_conv(x, edge_index, W0, b0)
    h = _batch_norm(h, g0, be0)
    h = jax.nn.relu(h)
    h = _gcn_conv(h, edge_index, W1, b1)
    h = _batch_norm(h, g1, be1)
    h = jax.nn.relu(h)
    h = _gcn_conv(h, edge_index, W2, b2)
    sums = jax.ops.segment_sum(h, batch, num_segments=N_GRAPHS)
    cnts = jax.ops.segment_sum(jnp.ones((h.shape[0],), dtype=h.dtype), batch, num_segments=N_GRAPHS)
    pooled = sums / jnp.maximum(cnts, 1.0)[:, None]
    return jax.nn.sigmoid(pooled)

if __name__ == "__main__":
    import jax
    _d = setup_inputs()
    print(jax.jit(kernel)(*tuple(_d.values())))

</pallas_src>

<mosaic_0001>
#map = affine_map<(d0, d1) -> (0, 0)>
module attributes {stable_mosaic.version = 14 : i64} {
  func.func @_aggT_wide(%arg0: i32, %arg1: i32, %arg2: memref<128x10240xf32, #tpu.memory_space<hbm>>, %arg3: memref<80x4096xi32, #tpu.memory_space<hbm>>, %arg4: memref<80x4096xi32, #tpu.memory_space<hbm>>, %arg5: memref<128x10240xf32, #tpu.memory_space<hbm>>, %arg6: memref<4x10240xf32, #tpu.memory_space<vmem>>, %arg7: memref<4x10240xf32, #tpu.memory_space<vmem>>, %arg8: memref<4096xi32, #tpu.memory_space<vmem>>, %arg9: memref<4096xi32, #tpu.memory_space<vmem>>, %arg10: memref<4096xi32, #tpu.memory_space<vmem>>, %arg11: memref<4096xi32, #tpu.memory_space<vmem>>, %arg12: memref<!tpu.dma_semaphore, #tpu.memory_space<semaphore_mem>>, %arg13: memref<!tpu.dma_semaphore, #tpu.memory_space<semaphore_mem>>) attributes {dimension_semantics = [#tpu.dimension_semantics<core_parallel>, #tpu.dimension_semantics<subcore_parallel>], iteration_bounds = array<i64: 2, 16>, scalar_prefetch = 0 : i64, scratch_operands = 8 : i64, tpu.core_type = #tpu.core_type<sc_vector_subcore>, window_params = [{transform_indices = #map}, {transform_indices = #map}, {transform_indices = #map}, {transform_indices = #map}]} {
    %mul3A = arith.constant 64 : i32
    %mul3A_0 = arith.muli %arg0, %mul3A : i32
    %mul3A_1 = arith.constant 4 : i32
    %mul3A_2 = arith.muli %arg1, %mul3A_1 : i32
    %add3A = arith.addi %mul3A_0, %mul3A_2 : i32
    "tpu.region"() ({
      %run_scoped3A = tpu.sem_alloc : memref<!tpu.dma_semaphore, #tpu.memory_space<semaphore_mem>>
      %dma_start3A_22 = arith.constant 0 : i32
      %dma_start3A_23 = tpu.memref_slice %arg2[%add3A, %dma_start3A_22] : memref<128x10240xf32, #tpu.memory_space<hbm>> -> memref<4x10240xf32, #tpu.memory_space<hbm>>
      %dma_start3A_24 = arith.constant 0 : i32
      %dma_start3A_25 = tpu.memref_slice %arg2[%add3A, %dma_start3A_24] : memref<128x10240xf32, #tpu.memory_space<hbm>> -> memref<4x10240xf32, #tpu.memory_space<hbm>>
      tpu.enqueue_dma source(%dma_start3A_25 : memref<4x10240xf32, #tpu.memory_space<hbm>>) target(%arg6 : memref<4x10240xf32, #tpu.memory_space<vmem>>) target_semaphore(%run_scoped3A : memref<!tpu.dma_semaphore, #tpu.memory_space<semaphore_mem>>)
      %dma_wait3A = arith.constant 0 : i32
      %dma_wait3A_26 = tpu.memref_slice %arg2[%add3A, %dma_wait3A] : memref<128x10240xf32, #tpu.memory_space<hbm>> -> memref<4x10240xf32, #tpu.memory_space<hbm>>
      %dma_wait3A_27 = arith.constant 0 : i32
      %dma_wait3A_28 = tpu.memref_slice %arg2[%add3A, %dma_wait3A_27] : memref<128x10240xf32, #tpu.memory_space<hbm>> -> memref<4x10240xf32, #tpu.memory_space<hbm>>
      tpu.wait_dma2 semaphore(%run_scoped3A : memref<!tpu.dma_semaphore, #tpu.memory_space<semaphore_mem>>) src(%dma_wait3A_28 : memref<4x10240xf32, #tpu.memory_space<hbm>>) dst(%arg6 : memref<4x10240xf32, #tpu.memory_space<vmem>>)
      tpu.yield
    }) : () -> ()
    "tpu.region"() ({
      %run_scoped3A = tpu.sem_alloc : memref<!tpu.dma_semaphore, #tpu.memory_space<semaphore_mem>>
      %dma_start3A_22 = arith.constant 0 : i32
      %dma_start3A_23 = tpu.memref_slice %arg2[%add3A, %dma_start3A_22] : memref<128x10240xf32, #tpu.memory_space<hbm>> -> memref<4x10240xf32, #tpu.memory_space<hbm>>
      %dma_start3A_24 = arith.constant 0 : i32
      %dma_start3A_25 = tpu.memref_slice %arg2[%add3A, %dma_start3A_24] : memref<128x10240xf32, #tpu.memory_space<hbm>> -> memref<4x10240xf32, #tpu.memory_space<hbm>>
      tpu.enqueue_dma source(%dma_start3A_25 : memref<4x10240xf32, #tpu.memory_space<hbm>>) target(%arg7 : memref<4x10240xf32, #tpu.memory_space<vmem>>) target_semaphore(%run_scoped3A : memref<!tpu.dma_semaphore, #tpu.memory_space<semaphore_mem>>)
      %dma_wait3A = arith.constant 0 : i32
      %dma_wait3A_26 = tpu.memref_slice %arg2[%add3A, %dma_wait3A] : memref<128x10240xf32, #tpu.memory_space<hbm>> -> memref<4x10240xf32, #tpu.memory_space<hbm>>
      %dma_wait3A_27 = arith.constant 0 : i32
      %dma_wait3A_28 = tpu.memref_slice %arg2[%add3A, %dma_wait3A_27] : memref<128x10240xf32, #tpu.memory_space<hbm>> -> memref<4x10240xf32, #tpu.memory_space<hbm>>
      tpu.wait_dma2 semaphore(%run_scoped3A : memref<!tpu.dma_semaphore, #tpu.memory_space<semaphore_mem>>) src(%dma_wait3A_28 : memref<4x10240xf32, #tpu.memory_space<hbm>>) dst(%arg7 : memref<4x10240xf32, #tpu.memory_space<vmem>>)
      tpu.yield
    }) : () -> ()
    %dma_start3A = arith.constant 0 : i32
    %dma_start3A_3 = arith.constant 0 : i32
    %dma_start3A_4 = tpu.memref_slice %arg3[%dma_start3A, %dma_start3A_3] : memref<80x4096xi32, #tpu.memory_space<hbm>> -> memref<1x4096xi32, #tpu.memory_space<hbm>>
    %dma_start3A_5 = tpu.memref_squeeze %dma_start3A_4 : memref<1x4096xi32, #tpu.memory_space<hbm>> -> memref<4096xi32, #tpu.memory_space<hbm>>
    %dma_start3A_6 = arith.constant 0 : i32
    %dma_start3A_7 = tpu.memref_slice %arg3[%dma_start3A, %dma_start3A_6] : memref<80x4096xi32, #tpu.memory_space<hbm>> -> memref<1x4096xi32, #tpu.memory_space<hbm>>
    %dma_start3A_8 = tpu.memref_squeeze %dma_start3A_7 : memref<1x4096xi32, #tpu.memory_space<hbm>> -> memref<4096xi32, #tpu.memory_space<hbm>>
    tpu.enqueue_dma source(%dma_start3A_8 : memref<4096xi32, #tpu.memory_space<hbm>>) target(%arg8 : memref<4096xi32, #tpu.memory_space<vmem>>) target_semaphore(%arg12 : memref<!tpu.dma_semaphore, #tpu.memory_space<semaphore_mem>>)
    %dma_start3A_9 = arith.constant 0 : i32
    %dma_start3A_10 = arith.constant 0 : i32
    %dma_start3A_11 = tpu.memref_slice %arg4[%dma_start3A_9, %dma_start3A_10] : memref<80x4096xi32, #tpu.memory_space<hbm>> -> memref<1x4096xi32, #tpu.memory_space<hbm>>
    %dma_start3A_12 = tpu.memref_squeeze %dma_start3A_11 : memref<1x4096xi32, #tpu.memory_space<hbm>> -> memref<4096xi32, #tpu.memory_space<hbm>>
    %dma_start3A_13 = arith.constant 0 : i32
    %dma_start3A_14 = tpu.memref_slice %arg4[%dma_start3A_9, %dma_start3A_13] : memref<80x4096xi32, #tpu.memory_space<hbm>> -> memref<1x4096xi32, #tpu.memory_space<hbm>>
    %dma_start3A_15 = tpu.memref_squeeze %dma_start3A_14 : memref<1x4096xi32, #tpu.memory_space<hbm>> -> memref<4096xi32, #tpu.memory_space<hbm>>
    tpu.enqueue_dma source(%dma_start3A_15 : memref<4096xi32, #tpu.memory_space<hbm>>) target(%arg9 : memref<4096xi32, #tpu.memory_space<vmem>>) target_semaphore(%arg12 : memref<!tpu.dma_semaphore, #tpu.memory_space<semaphore_mem>>)
    %scan3A = arith.constant 0 : i32
    %scan3A_16 = arith.constant 0 : i32
    %scan3A_17 = arith.constant 40 : i32
    %scan3A_18 = arith.addi %scan3A_16, %scan3A_17 : i32
    %scan3A_19 = arith.constant 1 : i32
    %scan3A_20 = scf.for %scan3A_22 = %scan3A_16 to %scan3A_18 step %scan3A_19 iter_args(%scan3A_23 = %scan3A) -> (i32)  : i32 {
      %mul3A_24 = arith.constant 2 : i32
      %mul3A_25 = arith.muli %mul3A_24, %scan3A_22 : i32
      %dma_wait3A = arith.constant 0 : i32
      %dma_wait3A_26 = arith.constant 0 : i32
      %dma_wait3A_27 = tpu.memref_slice %arg3[%dma_wait3A, %dma_wait3A_26] : memref<80x4096xi32, #tpu.memory_space<hbm>> -> memref<1x4096xi32, #tpu.memory_space<hbm>>
      %dma_wait3A_28 = tpu.memref_squeeze %dma_wait3A_27 : memref<1x4096xi32, #tpu.memory_space<hbm>> -> memref<4096xi32, #tpu.memory_space<hbm>>
      %dma_wait3A_29 = arith.constant 0 : i32
      %dma_wait3A_30 = tpu.memref_slice %arg3[%dma_wait3A, %dma_wait3A_29] : memref<80x4096xi32, #tpu.memory_space<hbm>> -> memref<1x4096xi32, #tpu.memory_space<hbm>>
      %dma_wait3A_31 = tpu.memref_squeeze %dma_wait3A_30 : memref<1x4096xi32, #tpu.memory_space<hbm>> -> memref<4096xi32, #tpu.memory_space<hbm>>
      tpu.wait_dma2 semaphore(%arg12 : memref<!tpu.dma_semaphore, #tpu.memory_space<semaphore_mem>>) src(%dma_wait3A_31 : memref<4096xi32, #tpu.memory_space<hbm>>) dst(%arg8 : memref<4096xi32, #tpu.memory_space<vmem>>)
      %dma_wait3A_32 = arith.constant 0 : i32
      %dma_wait3A_33 = arith.constant 0 : i32
      %dma_wait3A_34 = tpu.memref_slice %arg3[%dma_wait3A_32, %dma_wait3A_33] : memref<80x4096xi32, #tpu.memory_space<hbm>> -> memref<1x4096xi32, #tpu.memory_space<hbm>>
      %dma_wait3A_35 = tpu.memref_squeeze %dma_wait3A_34 : memref<1x4096xi32, #tpu.memory_space<hbm>> -> memref<4096xi32, #tpu.memory_space<hbm>>
      %dma_wait3A_36 = arith.constant 0 : i32
      %dma_wait3A_37 = tpu.memref_slice %arg3[%dma_wait3A_32, %dma_wait3A_36] : memref<80x4096xi32, #tpu.memory_space<hbm>> -> memref<1x4096xi32, #tpu.memory_space<hbm>>
      %dma_wait3A_38 = tpu.memref_squeeze %dma_wait3A_37 : memref<1x4096xi32, #tpu.memory_space<hbm>> -> memref<4096xi32, #tpu.memory_space<hbm>>
      tpu.wait_dma2 semaphore(%arg12 : memref<!tpu.dma_semaphore, #tpu.memory_space<semaphore_mem>>) src(%dma_wait3A_38 : memref<4096xi32, #tpu.memory_space<hbm>>) dst(%arg9 : memref<4096xi32, #tpu.memory_space<vmem>>)
      %add3A_39 = arith.constant 1 : i32
      %add3A_40 = arith.addi %mul3A_25, %add3A_39 : i32
      %dma_start3A_41 = arith.constant 0 : i32
      %dma_start3A_42 = tpu.memref_slice %arg3[%add3A_40, %dma_start3A_41] : memref<80x4096xi32, #tpu.memory_space<hbm>> -> memref<1x4096xi32, #tpu.memory_space<hbm>>
      %dma_start3A_43 = tpu.memref_squeeze %dma_start3A_42 : memref<1x4096xi32, #tpu.memory_space<hbm>> -> memref<4096xi32, #tpu.memory_space<hbm>>
      %dma_start3A_44 = arith.constant 0 : i32
      %dma_start3A_45 = tpu.memref_slice %arg3[%add3A_40, %dma_start3A_44] : memref<80x4096xi32, #tpu.memory_space<hbm>> -> memref<1x4096xi32, #tpu.memory_space<hbm>>
      %dma_start3A_46 = tpu.memref_squeeze %dma_start3A_45 : memref<1x4096xi32, #tpu.memory_space<hbm>> -> memref<4096xi32, #tpu.memory_space<hbm>>
      tpu.enqueue_dma source(%dma_start3A_46 : memref<4096xi32, #tpu.memory_space<hbm>>) target(%arg10 : memref<4096xi32, #tpu.memory_space<vmem>>) target_semaphore(%arg13 : memref<!tpu.dma_semaphore, #tpu.memory_space<semaphore_mem>>)
      %dma_start3A_47 = arith.constant 0 : i32
      %dma_start3A_48 = tpu.memref_slice %arg4[%add3A_40, %dma_start3A_47] : memref<80x4096xi32, #tpu.memory_space<hbm>> -> memref<1x4096xi32, #tpu.memory_space<hbm>>
      %dma_start3A_49 = tpu.memref_squeeze %dma_start3A_48 : memref<1x4096xi32, #tpu.memory_space<hbm>> -> memref<4096xi32, #tpu.memory_space<hbm>>
      %dma_start3A_50 = arith.constant 0 : i32
      %dma_start3A_51 = tpu.memref_slice %arg4[%add3A_40, %dma_start3A_50] : memref<80x4096xi32, #tpu.memory_space<hbm>> -> memref<1x4096xi32, #tpu.memory_space<hbm>>
      %dma_start3A_52 = tpu.memref_squeeze %dma_start3A_51 : memref<1x4096xi32, #tpu.memory_space<hbm>> -> memref<4096xi32, #tpu.memory_space<hbm>>
      tpu.enqueue_dma source(%dma_start3A_52 : memref<4096xi32, #tpu.memory_space<hbm>>) target(%arg11 : memref<4096xi32, #tpu.memory_space<vmem>>) target_semaphore(%arg13 : memref<!tpu.dma_semaphore, #tpu.memory_space<semaphore_mem>>)
      %parallel_loop3A = arith.constant 0 : i32
      %parallel_loop3A_53 = arith.constant 4096 : i32
      %parallel_loop3A_54 = arith.constant 16 : i32
      scf.for %parallel_loop3A_75 = %parallel_loop3A to %parallel_loop3A_53 step %parallel_loop3A_54  : i32 {
        %parallel_loop3A_76 = arith.index_cast %parallel_loop3A_75 : i32 to index
        %parallel_loop3A_77 = tpu.vector_load %arg8[%parallel_loop3A_76] {strides = array<i32>} : memref<4096xi32, #tpu.memory_space<vmem>>, vector<16xi32>,
        %parallel_loop3A_78 = arith.index_cast %parallel_loop3A_75 : i32 to index
        %parallel_loop3A_79 = tpu.vector_load %arg9[%parallel_loop3A_78] {strides = array<i32>} : memref<4096xi32, #tpu.memory_space<vmem>>, vector<16xi32>,
        %parallel_loop3A_80 = arith.constant 0 : i32
        %parallel_loop3A_81 = vector.broadcast %parallel_loop3A_80 : i32 to vector<16xi32>
        %parallel_loop3A_82 = tpu.vector_load_idx %arg6[%parallel_loop3A_81, %parallel_loop3A_77] : memref<4x10240xf32, #tpu.memory_space<vmem>>[vector<16xi32>, vector<16xi32>], vector<16xf32>,
        tpu.vector_store_idx %arg7[%parallel_loop3A_81, %parallel_loop3A_79], %parallel_loop3A_82 {add = true} : memref<4x10240xf32, #tpu.memory_space<vmem>>[vector<16xi32>, vector<16xi32>], vector<16xf32>,
        %parallel_loop3A_83 = arith.constant 1 : i32
        %parallel_loop3A_84 = vector.broadcast %parallel_loop3A_83 : i32 to vector<16xi32>
        %parallel_loop3A_85 = tpu.vector_load_idx %arg6[%parallel_loop3A_84, %parallel_loop3A_77] : memref<4x10240xf32, #tpu.memory_space<vmem>>[vector<16xi32>, vector<16xi32>], vector<16xf32>,
        tpu.vector_store_idx %arg7[%parallel_loop3A_84, %parallel_loop3A_79], %parallel_loop3A_85 {add = true} : memref<4x10240xf32, #tpu.memory_space<vmem>>[vector<16xi32>, vector<16xi32>], vector<16xf32>,
        %parallel_loop3A_86 = arith.constant 2 : i32
        %parallel_loop3A_87 = vector.broadcast %parallel_loop3A_86 : i32 to vector<16xi32>
        %parallel_loop3A_88 = tpu.vector_load_idx %arg6[%parallel_loop3A_87, %parallel_loop3A_77] : memref<4x10240xf32, #tpu.memory_space<vmem>>[vector<16xi32>, vector<16xi32>], vector<16xf32>,
        tpu.vector_store_idx %arg7[%parallel_loop3A_87, %parallel_loop3A_79], %parallel_loop3A_88 {add = true} : memref<4x10240xf32, #tpu.memory_space<vmem>>[vector<16xi32>, vector<16xi32>], vector<16xf32>,
        %parallel_loop3A_89 = arith.constant 3 : i32
        %parallel_loop3A_90 = vector.broadcast %parallel_loop3A_89 : i32 to vector<16xi32>
        %parallel_loop3A_91 = tpu.vector_load_idx %arg6[%parallel_loop3A_90, %parallel_loop3A_77] : memref<4x10240xf32, #tpu.memory_space<vmem>>[vector<16xi32>, vector<16xi32>], vector<16xf32>,
        tpu.vector_store_idx %arg7[%parallel_loop3A_90, %parallel_loop3A_79], %parallel_loop3A_91 {add = true} : memref<4x10240xf32, #tpu.memory_space<vmem>>[vector<16xi32>, vector<16xi32>], vector<16xf32>,
      } {sc.loop_unroll_factor = 4 : i64, sc.parallel_access}
      %dma_wait3A_55 = arith.constant 0 : i32
      %dma_wait3A_56 = arith.constant 0 : i32
      %dma_wait3A_57 = tpu.memref_slice %arg3[%dma_wait3A_55, %dma_wait3A_56] : memref<80x4096xi32, #tpu.memory_space<hbm>> -> memref<1x4096xi32, #tpu.memory_space<hbm>>
      %dma_wait3A_58 = tpu.memref_squeeze %dma_wait3A_57 : memref<1x4096xi32, #tpu.memory_space<hbm>> -> memref<4096xi32, #tpu.memory_space<hbm>>
      %dma_wait3A_59 = arith.constant 0 : i32
      %dma_wait3A_60 = tpu.memref_slice %arg3[%dma_wait3A_55, %dma_wait3A_59] : memref<80x4096xi32, #tpu.memory_space<hbm>> -> memref<1x4096xi32, #tpu.memory_space<hbm>>
      %dma_wait3A_61 = tpu.memref_squeeze %dma_wait3A_60 : memref<1x4096xi32, #tpu.memory_space<hbm>> -> memref<4096xi32, #tpu.memory_space<hbm>>
      tpu.wait_dma2 semaphore(%arg13 : memref<!tpu.dma_semaphore, #tpu.memory_space<semaphore_mem>>) src(%dma_wait3A_61 : memref<4096xi32, #tpu.memory_space<hbm>>) dst(%arg10 : memref<4096xi32, #tpu.memory_space<vmem>>)
      %dma_wait3A_62 = arith.constant 0 : i32
      %dma_wait3A_63 = arith.constant 0 : i32
      %dma_wait3A_64 = tpu.memref_slice %arg3[%dma_wait3A_62, %dma_wait3A_63] : memref<80x4096xi32, #tpu.memory_space<hbm>> -> memref<1x4096xi32, #tpu.memory_space<hbm>>
      %dma_wait3A_65 = tpu.memref_squeeze %dma_wait3A_64 : memref<1x4096xi32, #tpu.memory_space<hbm>> -> memref<4096xi32, #tpu.memory_space<hbm>>
      %dma_wait3A_66 = arith.constant 0 : i32
      %dma_wait3A_67 = tpu.memref_slice %arg3[%dma_wait3A_62, %dma_wait3A_66] : memref<80x4096xi32, #tpu.memory_space<hbm>> -> memref<1x4096xi32, #tpu.memory_space<hbm>>
      %dma_wait3A_68 = tpu.memref_squeeze %dma_wait3A_67 : memref<1x4096xi32, #tpu.memory_space<hbm>> -> memref<4096xi32, #tpu.memory_space<hbm>>
      tpu.wait_dma2 semaphore(%arg13 : memref<!tpu.dma_semaphore, #tpu.memory_space<semaphore_mem>>) src(%dma_wait3A_68 : memref<4096xi32, #tpu.memory_space<hbm>>) dst(%arg11 : memref<4096xi32, #tpu.memory_space<vmem>>)
      %lt3A = arith.constant 39 : i32
      %lt3A_69 = arith.cmpi slt, %scan3A_22, %lt3A : i32
      %convert_element_type3A = arith.extui %lt3A_69 : i1 to i32
      %cond3A = arith.constant 0 : i32
      %cond3A_70 = arith.cmpi ne, %convert_element_type3A, %cond3A : i32
      scf.if %cond3A_70 {
        %add3A_75 = arith.constant 2 : i32
        %add3A_76 = arith.addi %mul3A_25, %add3A_75 : i32
        %dma_start3A_77 = arith.constant 0 : i32
        %dma_start3A_78 = tpu.memref_slice %arg3[%add3A_76, %dma_start3A_77] : memref<80x4096xi32, #tpu.memory_space<hbm>> -> memref<1x4096xi32, #tpu.memory_space<hbm>>
        %dma_start3A_79 = tpu.memref_squeeze %dma_start3A_78 : memref<1x4096xi32, #tpu.memory_space<hbm>> -> memref<4096xi32, #tpu.memory_space<hbm>>
        %dma_start3A_80 = arith.constant 0 : i32
        %dma_start3A_81 = tpu.memref_slice %arg3[%add3A_76, %dma_start3A_80] : memref<80x4096xi32, #tpu.memory_space<hbm>> -> memref<1x4096xi32, #tpu.memory_space<hbm>>
        %dma_start3A_82 = tpu.memref_squeeze %dma_start3A_81 : memref<1x4096xi32, #tpu.memory_space<hbm>> -> memref<4096xi32, #tpu.memory_space<hbm>>
        tpu.enqueue_dma source(%dma_start3A_82 : memref<4096xi32, #tpu.memory_space<hbm>>) target(%arg8 : memref<4096xi32, #tpu.memory_space<vmem>>) target_semaphore(%arg12 : memref<!tpu.dma_semaphore, #tpu.memory_space<semaphore_mem>>)
        %dma_start3A_83 = arith.constant 0 : i32
        %dma_start3A_84 = tpu.memref_slice %arg4[%add3A_76, %dma_start3A_83] : memref<80x4096xi32, #tpu.memory_space<hbm>> -> memref<1x4096xi32, #tpu.memory_space<hbm>>
        %dma_start3A_85 = tpu.memref_squeeze %dma_start3A_84 : memref<1x4096xi32, #tpu.memory_space<hbm>> -> memref<4096xi32, #tpu.memory_space<hbm>>
        %dma_start3A_86 = arith.constant 0 : i32
        %dma_start3A_87 = tpu.memref_slice %arg4[%add3A_76, %dma_start3A_86] : memref<80x4096xi32, #tpu.memory_space<hbm>> -> memref<1x4096xi32, #tpu.memory_space<hbm>>
        %dma_start3A_88 = tpu.memref_squeeze %dma_start3A_87 : memref<1x4096xi32, #tpu.memory_space<hbm>> -> memref<4096xi32, #tpu.memory_space<hbm>>
        tpu.enqueue_dma source(%dma_start3A_88 : memref<4096xi32, #tpu.memory_space<hbm>>) target(%arg9 : memref<4096xi32, #tpu.memory_space<vmem>>) target_semaphore(%arg12 : memref<!tpu.dma_semaphore, #tpu.memory_space<semaphore_mem>>)
      } else {
      }
      %parallel_loop3A_71 = arith.constant 0 : i32
      %parallel_loop3A_72 = arith.constant 4096 : i32
      %parallel_loop3A_73 = arith.constant 16 : i32
      scf.for %parallel_loop3A_75 = %parallel_loop3A_71 to %parallel_loop3A_72 step %parallel_loop3A_73  : i32 {
        %parallel_loop3A_76 = arith.index_cast %parallel_loop3A_75 : i32 to index
        %parallel_loop3A_77 = tpu.vector_load %arg10[%parallel_loop3A_76] {strides = array<i32>} : memref<4096xi32, #tpu.memory_space<vmem>>, vector<16xi32>,
        %parallel_loop3A_78 = arith.index_cast %parallel_loop3A_75 : i32 to index
        %parallel_loop3A_79 = tpu.vector_load %arg11[%parallel_loop3A_78] {strides = array<i32>} : memref<4096xi32, #tpu.memory_space<vmem>>, vector<16xi32>,
        %parallel_loop3A_80 = arith.constant 0 : i32
        %parallel_loop3A_81 = vector.broadcast %parallel_loop3A_80 : i32 to vector<16xi32>
        %parallel_loop3A_82 = tpu.vector_load_idx %arg6[%parallel_loop3A_81, %parallel_loop3A_77] : memref<4x10240xf32, #tpu.memory_space<vmem>>[vector<16xi32>, vector<16xi32>], vector<16xf32>,
        tpu.vector_store_idx %arg7[%parallel_loop3A_81, %parallel_loop3A_79], %parallel_loop3A_82 {add = true} : memref<4x10240xf32, #tpu.memory_space<vmem>>[vector<16xi32>, vector<16xi32>], vector<16xf32>,
        %parallel_loop3A_83 = arith.constant 1 : i32
        %parallel_loop3A_84 = vector.broadcast %parallel_loop3A_83 : i32 to vector<16xi32>
        %parallel_loop3A_85 = tpu.vector_load_idx %arg6[%parallel_loop3A_84, %parallel_loop3A_77] : memref<4x10240xf32, #tpu.memory_space<vmem>>[vector<16xi32>, vector<16xi32>], vector<16xf32>,
        tpu.vector_store_idx %arg7[%parallel_loop3A_84, %parallel_loop3A_79], %parallel_loop3A_85 {add = true} : memref<4x10240xf32, #tpu.memory_space<vmem>>[vector<16xi32>, vector<16xi32>], vector<16xf32>,
        %parallel_loop3A_86 = arith.constant 2 : i32
        %parallel_loop3A_87 = vector.broadcast %parallel_loop3A_86 : i32 to vector<16xi32>
        %parallel_loop3A_88 = tpu.vector_load_idx %arg6[%parallel_loop3A_87, %parallel_loop3A_77] : memref<4x10240xf32, #tpu.memory_space<vmem>>[vector<16xi32>, vector<16xi32>], vector<16xf32>,
        tpu.vector_store_idx %arg7[%parallel_loop3A_87, %parallel_loop3A_79], %parallel_loop3A_88 {add = true} : memref<4x10240xf32, #tpu.memory_space<vmem>>[vector<16xi32>, vector<16xi32>], vector<16xf32>,
        %parallel_loop3A_89 = arith.constant 3 : i32
        %parallel_loop3A_90 = vector.broadcast %parallel_loop3A_89 : i32 to vector<16xi32>
        %parallel_loop3A_91 = tpu.vector_load_idx %arg6[%parallel_loop3A_90, %parallel_loop3A_77] : memref<4x10240xf32, #tpu.memory_space<vmem>>[vector<16xi32>, vector<16xi32>], vector<16xf32>,
        tpu.vector_store_idx %arg7[%parallel_loop3A_90, %parallel_loop3A_79], %parallel_loop3A_91 {add = true} : memref<4x10240xf32, #tpu.memory_space<vmem>>[vector<16xi32>, vector<16xi32>], vector<16xf32>,
      } {sc.loop_unroll_factor = 4 : i64, sc.parallel_access}
      %scan3A_74 = arith.constant 0 : i32
      scf.yield %scan3A_74 : i32
    }
    %scan3A_21 = arith.constant 40 : i32
    "tpu.region"() ({
      %run_scoped3A = tpu.sem_alloc : memref<!tpu.dma_semaphore, #tpu.memory_space<semaphore_mem>>
      %dma_start3A_22 = arith.constant 0 : i32
      %dma_start3A_23 = tpu.memref_slice %arg5[%add3A, %dma_start3A_22] : memref<128x10240xf32, #tpu.memory_space<hbm>> -> memref<4x10240xf32, #tpu.memory_space<hbm>>
      %dma_start3A_24 = arith.constant 0 : i32
      %dma_start3A_25 = tpu.memref_slice %arg5[%add3A, %dma_start3A_24] : memref<128x10240xf32, #tpu.memory_space<hbm>> -> memref<4x10240xf32, #tpu.memory_space<hbm>>
      tpu.enqueue_dma source(%arg7 : memref<4x10240xf32, #tpu.memory_space<vmem>>) target(%dma_start3A_25 : memref<4x10240xf32, #tpu.memory_space<hbm>>) target_semaphore(%run_scoped3A : memref<!tpu.dma_semaphore, #tpu.memory_space<semaphore_mem>>)
      %dma_wait3A = arith.constant 0 : i32
      %dma_wait3A_26 = tpu.memref_slice %arg5[%add3A, %dma_wait3A] : memref<128x10240xf32, #tpu.memory_space<hbm>> -> memref<4x10240xf32, #tpu.memory_space<hbm>>
      %dma_wait3A_27 = arith.constant 0 : i32
      %dma_wait3A_28 = tpu.memref_slice %arg5[%add3A, %dma_wait3A_27] : memref<128x10240xf32, #tpu.memory_space<hbm>> -> memref<4x10240xf32, #tpu.memory_space<hbm>>
      tpu.wait_dma2 semaphore(%run_scoped3A : memref<!tpu.dma_semaphore, #tpu.memory_space<semaphore_mem>>) src(%arg7 : memref<4x10240xf32, #tpu.memory_space<vmem>>) dst(%dma_wait3A_28 : memref<4x10240xf32, #tpu.memory_space<hbm>>)
      tpu.yield
    }) : () -> ()
    return
  }
}

#map = affine_map<(d0, d1) -> (0, 0)>
#map1 = affine_map<(d0, d1) -> (0, 0, 0)>
module attributes {stable_mosaic.version = 14 : i64} {
  func.func @_aggT(%arg0: i32, %arg1: i32, %arg2: memref<64x10240xf32, #tpu.memory_space<hbm>>, %arg3: memref<2x40x4096xi32, #tpu.memory_space<hbm>>, %arg4: memref<2x40x4096xi32, #tpu.memory_space<hbm>>, %arg5: memref<2x64x10240xf32, #tpu.memory_space<hbm>>, %arg6: memref<4x10240xf32, #tpu.memory_space<vmem>>, %arg7: memref<4x10240xf32, #tpu.memory_space<vmem>>, %arg8: memref<4096xi32, #tpu.memory_space<vmem>>, %arg9: memref<4096xi32, #tpu.memory_space<vmem>>, %arg10: memref<4096xi32, #tpu.memory_space<vmem>>, %arg11: memref<4096xi32, #tpu.memory_space<vmem>>, %arg12: memref<!tpu.dma_semaphore, #tpu.memory_space<semaphore_mem>>, %arg13: memref<!tpu.dma_semaphore, #tpu.memory_space<semaphore_mem>>) attributes {dimension_semantics = [#tpu.dimension_semantics<core_parallel>, #tpu.dimension_semantics<subcore_parallel>], iteration_bounds = array<i64: 2, 16>, scalar_prefetch = 0 : i64, scratch_operands = 8 : i64, tpu.core_type = #tpu.core_type<sc_vector_subcore>, window_params = [{transform_indices = #map}, {transform_indices = #map1}, {transform_indices = #map1}, {transform_indices = #map1}]} {
    %mul3A = arith.constant 4 : i32
    %mul3A_0 = arith.muli %arg1, %mul3A : i32
    "tpu.region"() ({
      %run_scoped3A = tpu.sem_alloc : memref<!tpu.dma_semaphore, #tpu.memory_space<semaphore_mem>>
      %dma_start3A_24 = arith.constant 0 : i32
      %dma_start3A_25 = tpu.memref_slice %arg2[%mul3A_0, %dma_start3A_24] : memref<64x10240xf32, #tpu.memory_space<hbm>> -> memref<4x10240xf32, #tpu.memory_space<hbm>>
      %dma_start3A_26 = arith.constant 0 : i32
      %dma_start3A_27 = tpu.memref_slice %arg2[%mul3A_0, %dma_start3A_26] : memref<64x10240xf32, #tpu.memory_space<hbm>> -> memref<4x10240xf32, #tpu.memory_space<hbm>>
      tpu.enqueue_dma source(%dma_start3A_27 : memref<4x10240xf32, #tpu.memory_space<hbm>>) target(%arg6 : memref<4x10240xf32, #tpu.memory_space<vmem>>) target_semaphore(%run_scoped3A : memref<!tpu.dma_semaphore, #tpu.memory_space<semaphore_mem>>)
      %dma_wait3A = arith.constant 0 : i32
      %dma_wait3A_28 = tpu.memref_slice %arg2[%mul3A_0, %dma_wait3A] : memref<64x10240xf32, #tpu.memory_space<hbm>> -> memref<4x10240xf32, #tpu.memory_space<hbm>>
      %dma_wait3A_29 = arith.constant 0 : i32
      %dma_wait3A_30 = tpu.memref_slice %arg2[%mul3A_0, %dma_wait3A_29] : memref<64x10240xf32, #tpu.memory_space<hbm>> -> memref<4x10240xf32, #tpu.memory_space<hbm>>
      tpu.wait_dma2 semaphore(%run_scoped3A : memref<!tpu.dma_semaphore, #tpu.memory_space<semaphore_mem>>) src(%dma_wait3A_30 : memref<4x10240xf32, #tpu.memory_space<hbm>>) dst(%arg6 : memref<4x10240xf32, #tpu.memory_space<vmem>>)
      tpu.yield
    }) : () -> ()
    %mul3A_1 = arith.constant 4 : i32
    %mul3A_2 = arith.muli %arg1, %mul3A_1 : i32
    "tpu.region"() ({
      %run_scoped3A = tpu.sem_alloc : memref<!tpu.dma_semaphore, #tpu.memory_space<semaphore_mem>>
      %dma_start3A_24 = arith.constant 0 : i32
      %dma_start3A_25 = tpu.memref_slice %arg2[%mul3A_2, %dma_start3A_24] : memref<64x10240xf32, #tpu.memory_space<hbm>> -> memref<4x10240xf32, #tpu.memory_space<hbm>>
      %dma_start3A_26 = arith.constant 0 : i32
      %dma_start3A_27 = tpu.memref_slice %arg2[%mul3A_2, %dma_start3A_26] : memref<64x10240xf32, #tpu.memory_space<hbm>> -> memref<4x10240xf32, #tpu.memory_space<hbm>>
      tpu.enqueue_dma source(%dma_start3A_27 : memref<4x10240xf32, #tpu.memory_space<hbm>>) target(%arg7 : memref<4x10240xf32, #tpu.memory_space<vmem>>) target_semaphore(%run_scoped3A : memref<!tpu.dma_semaphore, #tpu.memory_space<semaphore_mem>>)
      %dma_wait3A = arith.constant 0 : i32
      %dma_wait3A_28 = tpu.memref_slice %arg2[%mul3A_2, %dma_wait3A] : memref<64x10240xf32, #tpu.memory_space<hbm>> -> memref<4x10240xf32, #tpu.memory_space<hbm>>
      %dma_wait3A_29 = arith.constant 0 : i32
      %dma_wait3A_30 = tpu.memref_slice %arg2[%mul3A_2, %dma_wait3A_29] : memref<64x10240xf32, #tpu.memory_space<hbm>> -> memref<4x10240xf32, #tpu.memory_space<hbm>>
      tpu.wait_dma2 semaphore(%run_scoped3A : memref<!tpu.dma_semaphore, #tpu.memory_space<semaphore_mem>>) src(%dma_wait3A_30 : memref<4x10240xf32, #tpu.memory_space<hbm>>) dst(%arg7 : memref<4x10240xf32, #tpu.memory_space<vmem>>)
      tpu.yield
    }) : () -> ()
    %dma_start3A = arith.constant 0 : i32
    %dma_start3A_3 = arith.constant 0 : i32
    %dma_start3A_4 = tpu.memref_slice %arg3[%arg0, %dma_start3A, %dma_start3A_3] : memref<2x40x4096xi32, #tpu.memory_space<hbm>> -> memref<1x1x4096xi32, #tpu.memory_space<hbm>>
    %dma_start3A_5 = tpu.memref_squeeze %dma_start3A_4 : memref<1x1x4096xi32, #tpu.memory_space<hbm>> -> memref<4096xi32, #tpu.memory_space<hbm>>
    %dma_start3A_6 = arith.constant 0 : i32
    %dma_start3A_7 = tpu.memref_slice %arg3[%arg0, %dma_start3A, %dma_start3A_6] : memref<2x40x4096xi32, #tpu.memory_space<hbm>> -> memref<1x1x4096xi32, #tpu.memory_space<hbm>>
    %dma_start3A_8 = tpu.memref_squeeze %dma_start3A_7 : memref<1x1x4096xi32, #tpu.memory_space<hbm>> -> memref<4096xi32, #tpu.memory_space<hbm>>
    tpu.enqueue_dma source(%dma_start3A_8 : memref<4096xi32, #tpu.memory_space<hbm>>) target(%arg8 : memref<4096xi32, #tpu.memory_space<vmem>>) target_semaphore(%arg12 : memref<!tpu.dma_semaphore, #tpu.memory_space<semaphore_mem>>)
    %dma_start3A_9 = arith.constant 0 : i32
    %dma_start3A_10 = arith.constant 0 : i32
    %dma_start3A_11 = tpu.memref_slice %arg4[%arg0, %dma_start3A_9, %dma_start3A_10] : memref<2x40x4096xi32, #tpu.memory_space<hbm>> -> memref<1x1x4096xi32, #tpu.memory_space<hbm>>
    %dma_start3A_12 = tpu.memref_squeeze %dma_start3A_11 : memref<1x1x4096xi32, #tpu.memory_space<hbm>> -> memref<4096xi32, #tpu.memory_space<hbm>>
    %dma_start3A_13 = arith.constant 0 : i32
    %dma_start3A_14 = tpu.memref_slice %arg4[%arg0, %dma_start3A_9, %dma_start3A_13] : memref<2x40x4096xi32, #tpu.memory_space<hbm>> -> memref<1x1x4096xi32, #tpu.memory_space<hbm>>
    %dma_start3A_15 = tpu.memref_squeeze %dma_start3A_14 : memref<1x1x4096xi32, #tpu.memory_space<hbm>> -> memref<4096xi32, #tpu.memory_space<hbm>>
    tpu.enqueue_dma source(%dma_start3A_15 : memref<4096xi32, #tpu.memory_space<hbm>>) target(%arg9 : memref<4096xi32, #tpu.memory_space<vmem>>) target_semaphore(%arg12 : memref<!tpu.dma_semaphore, #tpu.memory_space<semaphore_mem>>)
    %scan3A = arith.constant 0 : i32
    %scan3A_16 = arith.constant 0 : i32
    %scan3A_17 = arith.constant 20 : i32
    %scan3A_18 = arith.addi %scan3A_16, %scan3A_17 : i32
    %scan3A_19 = arith.constant 1 : i32
    %scan3A_20 = scf.for %scan3A_24 = %scan3A_16 to %scan3A_18 step %scan3A_19 iter_args(%scan3A_25 = %scan3A) -> (i32)  : i32 {
      %mul3A_26 = arith.constant 2 : i32
      %mul3A_27 = arith.muli %mul3A_26, %scan3A_24 : i32
      %dma_wait3A = arith.constant 0 : i32
      %dma_wait3A_28 = arith.constant 0 : i32
      %dma_wait3A_29 = tpu.memref_slice %arg3[%arg0, %dma_wait3A, %dma_wait3A_28] : memref<2x40x4096xi32, #tpu.memory_space<hbm>> -> memref<1x1x4096xi32, #tpu.memory_space<hbm>>
      %dma_wait3A_30 = tpu.memref_squeeze %dma_wait3A_29 : memref<1x1x4096xi32, #tpu.memory_space<hbm>> -> memref<4096xi32, #tpu.memory_space<hbm>>
      %dma_wait3A_31 = arith.constant 0 : i32
      %dma_wait3A_32 = tpu.memref_slice %arg3[%arg0, %dma_wait3A, %dma_wait3A_31] : memref<2x40x4096xi32, #tpu.memory_space<hbm>> -> memref<1x1x4096xi32, #tpu.memory_space<hbm>>
      %dma_wait3A_33 = tpu.memref_squeeze %dma_wait3A_32 : memref<1x1x4096xi32, #tpu.memory_space<hbm>> -> memref<4096xi32, #tpu.memory_space<hbm>>
      tpu.wait_dma2 semaphore(%arg12 : memref<!tpu.dma_semaphore, #tpu.memory_space<semaphore_mem>>) src(%dma_wait3A_33 : memref<4096xi32, #tpu.memory_space<hbm>>) dst(%arg8 : memref<4096xi32, #tpu.memory_space<vmem>>)
      %dma_wait3A_34 = arith.constant 0 : i32
      %dma_wait3A_35 = arith.constant 0 : i32
      %dma_wait3A_36 = tpu.memref_slice %arg3[%arg0, %dma_wait3A_34, %dma_wait3A_35] : memref<2x40x4096xi32, #tpu.memory_space<hbm>> -> memref<1x1x4096xi32, #tpu.memory_space<hbm>>
      %dma_wait3A_37 = tpu.memref_squeeze %dma_wait3A_36 : memref<1x1x4096xi32, #tpu.memory_space<hbm>> -> memref<4096xi32, #tpu.memory_space<hbm>>
      %dma_wait3A_38 = arith.constant 0 : i32
      %dma_wait3A_39 = tpu.memref_slice %arg3[%arg0, %dma_wait3A_34, %dma_wait3A_38] : memref<2x40x4096xi32, #tpu.memory_space<hbm>> -> memref<1x1x4096xi32, #tpu.memory_space<hbm>>
      %dma_wait3A_40 = tpu.memref_squeeze %dma_wait3A_39 : memref<1x1x4096xi32, #tpu.memory_space<hbm>> -> memref<4096xi32, #tpu.memory_space<hbm>>
      tpu.wait_dma2 semaphore(%arg12 : memref<!tpu.dma_semaphore, #tpu.memory_space<semaphore_mem>>) src(%dma_wait3A_40 : memref<4096xi32, #tpu.memory_space<hbm>>) dst(%arg9 : memref<4096xi32, #tpu.memory_space<vmem>>)
      %add3A = arith.constant 1 : i32
      %add3A_41 = arith.addi %mul3A_27, %add3A : i32
      %dma_start3A_42 = arith.constant 0 : i32
      %dma_start3A_43 = tpu.memref_slice %arg3[%arg0, %add3A_41, %dma_start3A_42] : memref<2x40x4096xi32, #tpu.memory_space<hbm>> -> memref<1x1x4096xi32, #tpu.memory_space<hbm>>
      %dma_start3A_44 = tpu.memref_squeeze %dma_start3A_43 : memref<1x1x4096xi32, #tpu.memory_space<hbm>> -> memref<4096xi32, #tpu.memory_space<hbm>>
      %dma_start3A_45 = arith.constant 0 : i32
      %dma_start3A_46 = tpu.memref_slice %arg3[%arg0, %add3A_41, %dma_start3A_45] : memref<2x40x4096xi32, #tpu.memory_space<hbm>> -> memref<1x1x4096xi32, #tpu.memory_space<hbm>>
      %dma_start3A_47 = tpu.memref_squeeze %dma_start3A_46 : memref<1x1x4096xi32, #tpu.memory_space<hbm>> -> memref<4096xi32, #tpu.memory_space<hbm>>
      tpu.enqueue_dma source(%dma_start3A_47 : memref<4096xi32, #tpu.memory_space<hbm>>) target(%arg10 : memref<4096xi32, #tpu.memory_space<vmem>>) target_semaphore(%arg13 : memref<!tpu.dma_semaphore, #tpu.memory_space<semaphore_mem>>)
      %dma_start3A_48 = arith.constant 0 : i32
      %dma_start3A_49 = tpu.memref_slice %arg4[%arg0, %add3A_41, %dma_start3A_48] : memref<2x40x4096xi32, #tpu.memory_space<hbm>> -> memref<1x1x4096xi32, #tpu.memory_space<hbm>>
      %dma_start3A_50 = tpu.memref_squeeze %dma_start3A_49 : memref<1x1x4096xi32, #tpu.memory_space<hbm>> -> memref<4096xi32, #tpu.memory_space<hbm>>
      %dma_start3A_51 = arith.constant 0 : i32
      %dma_start3A_52 = tpu.memref_slice %arg4[%arg0, %add3A_41, %dma_start3A_51] : memref<2x40x4096xi32, #tpu.memory_space<hbm>> -> memref<1x1x4096xi32, #tpu.memory_space<hbm>>
      %dma_start3A_53 = tpu.memref_squeeze %dma_start3A_52 : memref<1x1x4096xi32, #tpu.memory_space<hbm>> -> memref<4096xi32, #tpu.memory_space<hbm>>
      tpu.enqueue_dma source(%dma_start3A_53 : memref<4096xi32, #tpu.memory_space<hbm>>) target(%arg11 : memref<4096xi32, #tpu.memory_space<vmem>>) target_semaphore(%arg13 : memref<!tpu.dma_semaphore, #tpu.memory_space<semaphore_mem>>)
      %parallel_loop3A = arith.constant 0 : i32
      %parallel_loop3A_54 = arith.constant 4096 : i32
      %parallel_loop3A_55 = arith.constant 16 : i32
      scf.for %parallel_loop3A_76 = %parallel_loop3A to %parallel_loop3A_54 step %parallel_loop3A_55  : i32 {
        %parallel_loop3A_77 = arith.index_cast %parallel_loop3A_76 : i32 to index
        %parallel_loop3A_78 = tpu.vector_load %arg8[%parallel_loop3A_77] {strides = array<i32>} : memref<4096xi32, #tpu.memory_space<vmem>>, vector<16xi32>,
        %parallel_loop3A_79 = arith.index_cast %parallel_loop3A_76 : i32 to index
        %parallel_loop3A_80 = tpu.vector_load %arg9[%parallel_loop3A_79] {strides = array<i32>} : memref<4096xi32, #tpu.memory_space<vmem>>, vector<16xi32>,
        %parallel_loop3A_81 = arith.constant 0 : i32
        %parallel_loop3A_82 = vector.broadcast %parallel_loop3A_81 : i32 to vector<16xi32>
        %parallel_loop3A_83 = tpu.vector_load_idx %arg6[%parallel_loop3A_82, %parallel_loop3A_78] : memref<4x10240xf32, #tpu.memory_space<vmem>>[vector<16xi32>, vector<16xi32>], vector<16xf32>,
        tpu.vector_store_idx %arg7[%parallel_loop3A_82, %parallel_loop3A_80], %parallel_loop3A_83 {add = true} : memref<4x10240xf32, #tpu.memory_space<vmem>>[vector<16xi32>, vector<16xi32>], vector<16xf32>,
        %parallel_loop3A_84 = arith.constant 1 : i32
        %parallel_loop3A_85 = vector.broadcast %parallel_loop3A_84 : i32 to vector<16xi32>
        %parallel_loop3A_86 = tpu.vector_load_idx %arg6[%parallel_loop3A_85, %parallel_loop3A_78] : memref<4x10240xf32, #tpu.memory_space<vmem>>[vector<16xi32>, vector<16xi32>], vector<16xf32>,
        tpu.vector_store_idx %arg7[%parallel_loop3A_85, %parallel_loop3A_80], %parallel_loop3A_86 {add = true} : memref<4x10240xf32, #tpu.memory_space<vmem>>[vector<16xi32>, vector<16xi32>], vector<16xf32>,
        %parallel_loop3A_87 = arith.constant 2 : i32
        %parallel_loop3A_88 = vector.broadcast %parallel_loop3A_87 : i32 to vector<16xi32>
        %parallel_loop3A_89 = tpu.vector_load_idx %arg6[%parallel_loop3A_88, %parallel_loop3A_78] : memref<4x10240xf32, #tpu.memory_space<vmem>>[vector<16xi32>, vector<16xi32>], vector<16xf32>,
        tpu.vector_store_idx %arg7[%parallel_loop3A_88, %parallel_loop3A_80], %parallel_loop3A_89 {add = true} : memref<4x10240xf32, #tpu.memory_space<vmem>>[vector<16xi32>, vector<16xi32>], vector<16xf32>,
        %parallel_loop3A_90 = arith.constant 3 : i32
        %parallel_loop3A_91 = vector.broadcast %parallel_loop3A_90 : i32 to vector<16xi32>
        %parallel_loop3A_92 = tpu.vector_load_idx %arg6[%parallel_loop3A_91, %parallel_loop3A_78] : memref<4x10240xf32, #tpu.memory_space<vmem>>[vector<16xi32>, vector<16xi32>], vector<16xf32>,
        tpu.vector_store_idx %arg7[%parallel_loop3A_91, %parallel_loop3A_80], %parallel_loop3A_92 {add = true} : memref<4x10240xf32, #tpu.memory_space<vmem>>[vector<16xi32>, vector<16xi32>], vector<16xf32>,
      } {sc.loop_unroll_factor = 4 : i64, sc.parallel_access}
      %dma_wait3A_56 = arith.constant 0 : i32
      %dma_wait3A_57 = arith.constant 0 : i32
      %dma_wait3A_58 = tpu.memref_slice %arg3[%arg0, %dma_wait3A_56, %dma_wait3A_57] : memref<2x40x4096xi32, #tpu.memory_space<hbm>> -> memref<1x1x4096xi32, #tpu.memory_space<hbm>>
      %dma_wait3A_59 = tpu.memref_squeeze %dma_wait3A_58 : memref<1x1x4096xi32, #tpu.memory_space<hbm>> -> memref<4096xi32, #tpu.memory_space<hbm>>
      %dma_wait3A_60 = arith.constant 0 : i32
      %dma_wait3A_61 = tpu.memref_slice %arg3[%arg0, %dma_wait3A_56, %dma_wait3A_60] : memref<2x40x4096xi32, #tpu.memory_space<hbm>> -> memref<1x1x4096xi32, #tpu.memory_space<hbm>>
      %dma_wait3A_62 = tpu.memref_squeeze %dma_wait3A_61 : memref<1x1x4096xi32, #tpu.memory_space<hbm>> -> memref<4096xi32, #tpu.memory_space<hbm>>
      tpu.wait_dma2 semaphore(%arg13 : memref<!tpu.dma_semaphore, #tpu.memory_space<semaphore_mem>>) src(%dma_wait3A_62 : memref<4096xi32, #tpu.memory_space<hbm>>) dst(%arg10 : memref<4096xi32, #tpu.memory_space<vmem>>)
      %dma_wait3A_63 = arith.constant 0 : i32
      %dma_wait3A_64 = arith.constant 0 : i32
      %dma_wait3A_65 = tpu.memref_slice %arg3[%arg0, %dma_wait3A_63, %dma_wait3A_64] : memref<2x40x4096xi32, #tpu.memory_space<hbm>> -> memref<1x1x4096xi32, #tpu.memory_space<hbm>>
      %dma_wait3A_66 = tpu.memref_squeeze %dma_wait3A_65 : memref<1x1x4096xi32, #tpu.memory_space<hbm>> -> memref<4096xi32, #tpu.memory_space<hbm>>
      %dma_wait3A_67 = arith.constant 0 : i32
      %dma_wait3A_68 = tpu.memref_slice %arg3[%arg0, %dma_wait3A_63, %dma_wait3A_67] : memref<2x40x4096xi32, #tpu.memory_space<hbm>> -> memref<1x1x4096xi32, #tpu.memory_space<hbm>>
      %dma_wait3A_69 = tpu.memref_squeeze %dma_wait3A_68 : memref<1x1x4096xi32, #tpu.memory_space<hbm>> -> memref<4096xi32, #tpu.memory_space<hbm>>
      tpu.wait_dma2 semaphore(%arg13 : memref<!tpu.dma_semaphore, #tpu.memory_space<semaphore_mem>>) src(%dma_wait3A_69 : memref<4096xi32, #tpu.memory_space<hbm>>) dst(%arg11 : memref<4096xi32, #tpu.memory_space<vmem>>)
      %lt3A = arith.constant 19 : i32
      %lt3A_70 = arith.cmpi slt, %scan3A_24, %lt3A : i32
      %convert_element_type3A = arith.extui %lt3A_70 : i1 to i32
      %cond3A = arith.constant 0 : i32
      %cond3A_71 = arith.cmpi ne, %convert_element_type3A, %cond3A : i32
      scf.if %cond3A_71 {
        %add3A_76 = arith.constant 2 : i32
        %add3A_77 = arith.addi %mul3A_27, %add3A_76 : i32
        %dma_start3A_78 = arith.constant 0 : i32
        %dma_start3A_79 = tpu.memref_slice %arg3[%arg0, %add3A_77, %dma_start3A_78] : memref<2x40x4096xi32, #tpu.memory_space<hbm>> -> memref<1x1x4096xi32, #tpu.memory_space<hbm>>
        %dma_start3A_80 = tpu.memref_squeeze %dma_start3A_79 : memref<1x1x4096xi32, #tpu.memory_space<hbm>> -> memref<4096xi32, #tpu.memory_space<hbm>>
        %dma_start3A_81 = arith.constant 0 : i32
        %dma_start3A_82 = tpu.memref_slice %arg3[%arg0, %add3A_77, %dma_start3A_81] : memref<2x40x4096xi32, #tpu.memory_space<hbm>> -> memref<1x1x4096xi32, #tpu.memory_space<hbm>>
        %dma_start3A_83 = tpu.memref_squeeze %dma_start3A_82 : memref<1x1x4096xi32, #tpu.memory_space<hbm>> -> memref<4096xi32, #tpu.memory_space<hbm>>
        tpu.enqueue_dma source(%dma_start3A_83 : memref<4096xi32, #tpu.memory_space<hbm>>) target(%arg8 : memref<4096xi32, #tpu.memory_space<vmem>>) target_semaphore(%arg12 : memref<!tpu.dma_semaphore, #tpu.memory_space<semaphore_mem>>)
        %dma_start3A_84 = arith.constant 0 : i32
        %dma_start3A_85 = tpu.memref_slice %arg4[%arg0, %add3A_77, %dma_start3A_84] : memref<2x40x4096xi32, #tpu.memory_space<hbm>> -> memref<1x1x4096xi32, #tpu.memory_space<hbm>>
        %dma_start3A_86 = tpu.memref_squeeze %dma_start3A_85 : memref<1x1x4096xi32, #tpu.memory_space<hbm>> -> memref<4096xi32, #tpu.memory_space<hbm>>
        %dma_start3A_87 = arith.constant 0 : i32
        %dma_start3A_88 = tpu.memref_slice %arg4[%arg0, %add3A_77, %dma_start3A_87] : memref<2x40x4096xi32, #tpu.memory_space<hbm>> -> memref<1x1x4096xi32, #tpu.memory_space<hbm>>
        %dma_start3A_89 = tpu.memref_squeeze %dma_start3A_88 : memref<1x1x4096xi32, #tpu.memory_space<hbm>> -> memref<4096xi32, #tpu.memory_space<hbm>>
        tpu.enqueue_dma source(%dma_start3A_89 : memref<4096xi32, #tpu.memory_space<hbm>>) target(%arg9 : memref<4096xi32, #tpu.memory_space<vmem>>) target_semaphore(%arg12 : memref<!tpu.dma_semaphore, #tpu.memory_space<semaphore_mem>>)
      } else {
      }
      %parallel_loop3A_72 = arith.constant 0 : i32
      %parallel_loop3A_73 = arith.constant 4096 : i32
      %parallel_loop3A_74 = arith.constant 16 : i32
      scf.for %parallel_loop3A_76 = %parallel_loop3A_72 to %parallel_loop3A_73 step %parallel_loop3A_74  : i32 {
        %parallel_loop3A_77 = arith.index_cast %parallel_loop3A_76 : i32 to index
        %parallel_loop3A_78 = tpu.vector_load %arg10[%parallel_loop3A_77] {strides = array<i32>} : memref<4096xi32, #tpu.memory_space<vmem>>, vector<16xi32>,
        %parallel_loop3A_79 = arith.index_cast %parallel_loop3A_76 : i32 to index
        %parallel_loop3A_80 = tpu.vector_load %arg11[%parallel_loop3A_79] {strides = array<i32>} : memref<4096xi32, #tpu.memory_space<vmem>>, vector<16xi32>,
        %parallel_loop3A_81 = arith.constant 0 : i32
        %parallel_loop3A_82 = vector.broadcast %parallel_loop3A_81 : i32 to vector<16xi32>
        %parallel_loop3A_83 = tpu.vector_load_idx %arg6[%parallel_loop3A_82, %parallel_loop3A_78] : memref<4x10240xf32, #tpu.memory_space<vmem>>[vector<16xi32>, vector<16xi32>], vector<16xf32>,
        tpu.vector_store_idx %arg7[%parallel_loop3A_82, %parallel_loop3A_80], %parallel_loop3A_83 {add = true} : memref<4x10240xf32, #tpu.memory_space<vmem>>[vector<16xi32>, vector<16xi32>], vector<16xf32>,
        %parallel_loop3A_84 = arith.constant 1 : i32
        %parallel_loop3A_85 = vector.broadcast %parallel_loop3A_84 : i32 to vector<16xi32>
        %parallel_loop3A_86 = tpu.vector_load_idx %arg6[%parallel_loop3A_85, %parallel_loop3A_78] : memref<4x10240xf32, #tpu.memory_space<vmem>>[vector<16xi32>, vector<16xi32>], vector<16xf32>,
        tpu.vector_store_idx %arg7[%parallel_loop3A_85, %parallel_loop3A_80], %parallel_loop3A_86 {add = true} : memref<4x10240xf32, #tpu.memory_space<vmem>>[vector<16xi32>, vector<16xi32>], vector<16xf32>,
        %parallel_loop3A_87 = arith.constant 2 : i32
        %parallel_loop3A_88 = vector.broadcast %parallel_loop3A_87 : i32 to vector<16xi32>
        %parallel_loop3A_89 = tpu.vector_load_idx %arg6[%parallel_loop3A_88, %parallel_loop3A_78] : memref<4x10240xf32, #tpu.memory_space<vmem>>[vector<16xi32>, vector<16xi32>], vector<16xf32>,
        tpu.vector_store_idx %arg7[%parallel_loop3A_88, %parallel_loop3A_80], %parallel_loop3A_89 {add = true} : memref<4x10240xf32, #tpu.memory_space<vmem>>[vector<16xi32>, vector<16xi32>], vector<16xf32>,
        %parallel_loop3A_90 = arith.constant 3 : i32
        %parallel_loop3A_91 = vector.broadcast %parallel_loop3A_90 : i32 to vector<16xi32>
        %parallel_loop3A_92 = tpu.vector_load_idx %arg6[%parallel_loop3A_91, %parallel_loop3A_78] : memref<4x10240xf32, #tpu.memory_space<vmem>>[vector<16xi32>, vector<16xi32>], vector<16xf32>,
        tpu.vector_store_idx %arg7[%parallel_loop3A_91, %parallel_loop3A_80], %parallel_loop3A_92 {add = true} : memref<4x10240xf32, #tpu.memory_space<vmem>>[vector<16xi32>, vector<16xi32>], vector<16xf32>,
      } {sc.loop_unroll_factor = 4 : i64, sc.parallel_access}
      %scan3A_75 = arith.constant 0 : i32
      scf.yield %scan3A_75 : i32
    }
    %scan3A_21 = arith.constant 20 : i32
    %mul3A_22 = arith.constant 4 : i32
    %mul3A_23 = arith.muli %arg1, %mul3A_22 : i32
    "tpu.region"() ({
      %run_scoped3A = tpu.sem_alloc : memref<!tpu.dma_semaphore, #tpu.memory_space<semaphore_mem>>
      %dma_start3A_24 = arith.constant 0 : i32
      %dma_start3A_25 = tpu.memref_slice %arg5[%arg0, %mul3A_23, %dma_start3A_24] : memref<2x64x10240xf32, #tpu.memory_space<hbm>> -> memref<1x4x10240xf32, #tpu.memory_space<hbm>>
      %dma_start3A_26 = tpu.memref_squeeze %dma_start3A_25 : memref<1x4x10240xf32, #tpu.memory_space<hbm>> -> memref<4x10240xf32, #tpu.memory_space<hbm>>
      %dma_start3A_27 = arith.constant 0 : i32
      %dma_start3A_28 = tpu.memref_slice %arg5[%arg0, %mul3A_23, %dma_start3A_27] : memref<2x64x10240xf32, #tpu.memory_space<hbm>> -> memref<1x4x10240xf32, #tpu.memory_space<hbm>>
      %dma_start3A_29 = tpu.memref_squeeze %dma_start3A_28 : memref<1x4x10240xf32, #tpu.memory_space<hbm>> -> memref<4x10240xf32, #tpu.memory_space<hbm>>
      tpu.enqueue_dma source(%arg7 : memref<4x10240xf32, #tpu.memory_space<vmem>>) target(%dma_start3A_29 : memref<4x10240xf32, #tpu.memory_space<hbm>>) target_semaphore(%run_scoped3A : memref<!tpu.dma_semaphore, #tpu.memory_space<semaphore_mem>>)
      %dma_wait3A = arith.constant 0 : i32
      %dma_wait3A_30 = tpu.memref_slice %arg5[%arg0, %mul3A_23, %dma_wait3A] : memref<2x64x10240xf32, #tpu.memory_space<hbm>> -> memref<1x4x10240xf32, #tpu.memory_space<hbm>>
      %dma_wait3A_31 = tpu.memref_squeeze %dma_wait3A_30 : memref<1x4x10240xf32, #tpu.memory_space<hbm>> -> memref<4x10240xf32, #tpu.memory_space<hbm>>
      %dma_wait3A_32 = arith.constant 0 : i32
      %dma_wait3A_33 = tpu.memref_slice %arg5[%arg0, %mul3A_23, %dma_wait3A_32] : memref<2x64x10240xf32, #tpu.memory_space<hbm>> -> memref<1x4x10240xf32, #tpu.memory_space<hbm>>
      %dma_wait3A_34 = tpu.memref_squeeze %dma_wait3A_33 : memref<1x4x10240xf32, #tpu.memory_space<hbm>> -> memref<4x10240xf32, #tpu.memory_space<hbm>>
      tpu.wait_dma2 semaphore(%run_scoped3A : memref<!tpu.dma_semaphore, #tpu.memory_space<semaphore_mem>>) src(%arg7 : memref<4x10240xf32, #tpu.memory_space<vmem>>) dst(%dma_wait3A_34 : memref<4x10240xf32, #tpu.memory_space<hbm>>)
      tpu.yield
    }) : () -> ()
    return
  }
}

#map = affine_map<(d0, d1) -> (0, 0, 0)>
#map1 = affine_map<(d0, d1) -> (0, 0)>
module attributes {stable_mosaic.version = 14 : i64} {
  func.func @_deg_kernel(%arg0: i32, %arg1: i32, %arg2: memref<32x80x128xi32, #tpu.memory_space<hbm>>, %arg3: memref<2x10240xf32, #tpu.memory_space<hbm>>, %arg4: memref<80x128xi32, #tpu.memory_space<vmem>>, %arg5: memref<640xf32, #tpu.memory_space<vmem>>, %arg6: memref<128xf32, #tpu.memory_space<vmem>>, %arg7: memref<10240xf32, #tpu.memory_space<vmem_shared>>) attributes {dimension_semantics = [#tpu.dimension_semantics<core_parallel>, #tpu.dimension_semantics<subcore_parallel>], iteration_bounds = array<i64: 2, 16>, scalar_prefetch = 0 : i64, scratch_operands = 4 : i64, tpu.core_type = #tpu.core_type<sc_vector_subcore>, window_params = [{transform_indices = #map}, {transform_indices = #map1}]} {
    %mul3A = arith.constant 16 : i32
    %mul3A_0 = arith.muli %arg0, %mul3A : i32
    %add3A = arith.addi %mul3A_0, %arg1 : i32
    %scan3A = arith.constant 0 : i32
    %scan3A_1 = arith.constant 0 : i32
    %scan3A_2 = arith.constant 40 : i32
    %scan3A_3 = arith.addi %scan3A_1, %scan3A_2 : i32
    %scan3A_4 = arith.constant 1 : i32
    %scan3A_5 = scf.for %scan3A_28 = %scan3A_1 to %scan3A_3 step %scan3A_4 iter_args(%scan3A_29 = %scan3A) -> (i32)  : i32 {
      %broadcast_in_dim3A = arith.constant 0.000000e+00 : f32
      %broadcast_in_dim3A_30 = vector.broadcast %broadcast_in_dim3A : f32 to vector<16xf32>
      %mul3A_31 = arith.constant 16 : i32
      %mul3A_32 = arith.muli %scan3A_28, %mul3A_31 : i32
      %swap3A = arith.index_cast %mul3A_32 : i32 to index
      %swap3A_33 = tpu.vector_load %arg5[%swap3A] {strides = array<i32>} : memref<640xf32, #tpu.memory_space<vmem>>, vector<16xf32>,
      tpu.vector_store %arg5[%swap3A], %broadcast_in_dim3A_30 {strides = array<i32>} : memref<640xf32, #tpu.memory_space<vmem>>, vector<16xf32>,
      %scan3A_34 = arith.constant 0 : i32
      scf.yield %scan3A_34 : i32
    }
    %scan3A_6 = arith.constant 40 : i32
    %scan3A_7 = arith.constant 0 : i32
    %scan3A_8 = arith.constant 0 : i32
    %scan3A_9 = arith.constant 8 : i32
    %scan3A_10 = arith.addi %scan3A_8, %scan3A_9 : i32
    %scan3A_11 = arith.constant 1 : i32
    %scan3A_12 = scf.for %scan3A_28 = %scan3A_8 to %scan3A_10 step %scan3A_11 iter_args(%scan3A_29 = %scan3A_7) -> (i32)  : i32 {
      %broadcast_in_dim3A = arith.constant 1.000000e+00 : f32
      %broadcast_in_dim3A_30 = vector.broadcast %broadcast_in_dim3A : f32 to vector<16xf32>
      %mul3A_31 = arith.constant 16 : i32
      %mul3A_32 = arith.muli %scan3A_28, %mul3A_31 : i32
      %swap3A = arith.index_cast %mul3A_32 : i32 to index
      %swap3A_33 = tpu.vector_load %arg6[%swap3A] {strides = array<i32>} : memref<128xf32, #tpu.memory_space<vmem>>, vector<16xf32>,
      tpu.vector_store %arg6[%swap3A], %broadcast_in_dim3A_30 {strides = array<i32>} : memref<128xf32, #tpu.memory_space<vmem>>, vector<16xf32>,
      %scan3A_34 = arith.constant 0 : i32
      scf.yield %scan3A_34 : i32
    }
    %scan3A_13 = arith.constant 8 : i32
    %mul3A_14 = arith.constant 640 : i32
    %mul3A_15 = arith.muli %arg1, %mul3A_14 : i32
    "tpu.region"() ({
      %run_scoped3A = tpu.sem_alloc : memref<!tpu.dma_semaphore, #tpu.memory_space<semaphore_mem>>
      %dma_start3A = tpu.memref_slice %arg7[%mul3A_15] : memref<10240xf32, #tpu.memory_space<vmem_shared>> -> memref<640xf32, #tpu.memory_space<vmem_shared>>
      %dma_start3A_28 = tpu.memref_slice %arg7[%mul3A_15] : memref<10240xf32, #tpu.memory_space<vmem_shared>> -> memref<640xf32, #tpu.memory_space<vmem_shared>>
      tpu.enqueue_dma source(%arg5 : memref<640xf32, #tpu.memory_space<vmem>>) target(%dma_start3A_28 : memref<640xf32, #tpu.memory_space<vmem_shared>>) target_semaphore(%run_scoped3A : memref<!tpu.dma_semaphore, #tpu.memory_space<semaphore_mem>>)
      %dma_wait3A = tpu.memref_slice %arg7[%mul3A_15] : memref<10240xf32, #tpu.memory_space<vmem_shared>> -> memref<640xf32, #tpu.memory_space<vmem_shared>>
      %dma_wait3A_29 = tpu.memref_slice %arg7[%mul3A_15] : memref<10240xf32, #tpu.memory_space<vmem_shared>> -> memref<640xf32, #tpu.memory_space<vmem_shared>>
      tpu.wait_dma2 semaphore(%run_scoped3A : memref<!tpu.dma_semaphore, #tpu.memory_space<semaphore_mem>>) src(%arg5 : memref<640xf32, #tpu.memory_space<vmem>>) dst(%dma_wait3A_29 : memref<640xf32, #tpu.memory_space<vmem_shared>>)
      tpu.yield
    }) : () -> ()
    "tpu.region"() ({
      %run_scoped3A = tpu.sem_alloc : memref<!tpu.dma_semaphore, #tpu.memory_space<semaphore_mem>>
      %dma_start3A = arith.constant 0 : i32
      %dma_start3A_28 = arith.constant 0 : i32
      %dma_start3A_29 = tpu.memref_slice %arg2[%add3A, %dma_start3A, %dma_start3A_28] : memref<32x80x128xi32, #tpu.memory_space<hbm>> -> memref<1x80x128xi32, #tpu.memory_space<hbm>>
      %dma_start3A_30 = tpu.memref_squeeze %dma_start3A_29 : memref<1x80x128xi32, #tpu.memory_space<hbm>> -> memref<80x128xi32, #tpu.memory_space<hbm>>
      %dma_start3A_31 = arith.constant 0 : i32
      %dma_start3A_32 = arith.constant 0 : i32
      %dma_start3A_33 = tpu.memref_slice %arg2[%add3A, %dma_start3A_31, %dma_start3A_32] : memref<32x80x128xi32, #tpu.memory_space<hbm>> -> memref<1x80x128xi32, #tpu.memory_space<hbm>>
      %dma_start3A_34 = tpu.memref_squeeze %dma_start3A_33 : memref<1x80x128xi32, #tpu.memory_space<hbm>> -> memref<80x128xi32, #tpu.memory_space<hbm>>
      tpu.enqueue_dma source(%dma_start3A_34 : memref<80x128xi32, #tpu.memory_space<hbm>>) target(%arg4 : memref<80x128xi32, #tpu.memory_space<vmem>>) target_semaphore(%run_scoped3A : memref<!tpu.dma_semaphore, #tpu.memory_space<semaphore_mem>>)
      %dma_wait3A = arith.constant 0 : i32
      %dma_wait3A_35 = arith.constant 0 : i32
      %dma_wait3A_36 = tpu.memref_slice %arg2[%add3A, %dma_wait3A, %dma_wait3A_35] : memref<32x80x128xi32, #tpu.memory_space<hbm>> -> memref<1x80x128xi32, #tpu.memory_space<hbm>>
      %dma_wait3A_37 = tpu.memref_squeeze %dma_wait3A_36 : memref<1x80x128xi32, #tpu.memory_space<hbm>> -> memref<80x128xi32, #tpu.memory_space<hbm>>
      %dma_wait3A_38 = arith.constant 0 : i32
      %dma_wait3A_39 = arith.constant 0 : i32
      %dma_wait3A_40 = tpu.memref_slice %arg2[%add3A, %dma_wait3A_38, %dma_wait3A_39] : memref<32x80x128xi32, #tpu.memory_space<hbm>> -> memref<1x80x128xi32, #tpu.memory_space<hbm>>
      %dma_wait3A_41 = tpu.memref_squeeze %dma_wait3A_40 : memref<1x80x128xi32, #tpu.memory_space<hbm>> -> memref<80x128xi32, #tpu.memory_space<hbm>>
      tpu.wait_dma2 semaphore(%run_scoped3A : memref<!tpu.dma_semaphore, #tpu.memory_space<semaphore_mem>>) src(%dma_wait3A_41 : memref<80x128xi32, #tpu.memory_space<hbm>>) dst(%arg4 : memref<80x128xi32, #tpu.memory_space<vmem>>)
      tpu.yield
    }) : () -> ()
    %barrier3A = arith.constant 0 : index
    tpu.barrier barrier_id(%barrier3A)
    %scan3A_16 = arith.constant 0 : i32
    %scan3A_17 = arith.constant 0 : i32
    %scan3A_18 = arith.constant 80 : i32
    %scan3A_19 = arith.addi %scan3A_17, %scan3A_18 : i32
    %scan3A_20 = arith.constant 1 : i32
    %scan3A_21 = scf.for %scan3A_28 = %scan3A_17 to %scan3A_19 step %scan3A_20 iter_args(%scan3A_29 = %scan3A_16) -> (i32)  : i32 {
      "tpu.region"() ({
        %run_scoped3A = tpu.sem_alloc : memref<!tpu.dma_semaphore, #tpu.memory_space<semaphore_mem>>
        %dma_start3A = arith.constant 0 : i32
        %dma_start3A_31 = tpu.memref_slice %arg4[%scan3A_28, %dma_start3A] : memref<80x128xi32, #tpu.memory_space<vmem>> -> memref<1x128xi32, #tpu.memory_space<vmem>>
        %dma_start3A_32 = tpu.memref_squeeze %dma_start3A_31 : memref<1x128xi32, #tpu.memory_space<vmem>> -> memref<128xi32, #tpu.memory_space<vmem>>
        %dma_start3A_33 = arith.constant 0 : i32
        %dma_start3A_34 = tpu.memref_slice %arg7[%dma_start3A_33] : memref<10240xf32, #tpu.memory_space<vmem_shared>> -> memref<10240xf32, #tpu.memory_space<vmem_shared>>
        tpu.enqueue_indirect_dma source(%arg6 : memref<128xf32, #tpu.memory_space<vmem>>) target(%dma_start3A_34 : memref<10240xf32, #tpu.memory_space<vmem_shared>>) offsets(%dma_start3A_32 : memref<128xi32, #tpu.memory_space<vmem>>) semaphore(%run_scoped3A : memref<!tpu.dma_semaphore, #tpu.memory_space<semaphore_mem>>) {add = true}
        %dma_wait3A = arith.constant 0 : i32
        %dma_wait3A_35 = tpu.memref_slice %arg4[%scan3A_28, %dma_wait3A] : memref<80x128xi32, #tpu.memory_space<vmem>> -> memref<1x128xi32, #tpu.memory_space<vmem>>
        %dma_wait3A_36 = tpu.memref_squeeze %dma_wait3A_35 : memref<1x128xi32, #tpu.memory_space<vmem>> -> memref<128xi32, #tpu.memory_space<vmem>>
        %dma_wait3A_37 = arith.constant 0 : i32
        %dma_wait3A_38 = tpu.memref_slice %arg7[%dma_wait3A_37] : memref<10240xf32, #tpu.memory_space<vmem_shared>> -> memref<10240xf32, #tpu.memory_space<vmem_shared>>
        tpu.wait_indirect_dma semaphore(%run_scoped3A : memref<!tpu.dma_semaphore, #tpu.memory_space<semaphore_mem>>) src(%arg6 : memref<128xf32, #tpu.memory_space<vmem>>) dst(%dma_wait3A_38 : memref<10240xf32, #tpu.memory_space<vmem_shared>>)
        tpu.yield
      }) : () -> ()
      %scan3A_30 = arith.constant 0 : i32
      scf.yield %scan3A_30 : i32
    }
    %scan3A_22 = arith.constant 80 : i32
    %barrier3A_23 = arith.constant 0 : index
    tpu.barrier barrier_id(%barrier3A_23)
    %mul3A_24 = arith.constant 640 : i32
    %mul3A_25 = arith.muli %arg1, %mul3A_24 : i32
    %mul3A_26 = arith.constant 640 : i32
    %mul3A_27 = arith.muli %arg1, %mul3A_26 : i32
    "tpu.region"() ({
      %run_scoped3A = tpu.sem_alloc : memref<!tpu.dma_semaphore, #tpu.memory_space<semaphore_mem>>
      %dma_start3A = tpu.memref_slice %arg3[%arg0, %mul3A_27] : memref<2x10240xf32, #tpu.memory_space<hbm>> -> memref<1x640xf32, #tpu.memory_space<hbm>>
      %dma_start3A_28 = tpu.memref_squeeze %dma_start3A : memref<1x640xf32, #tpu.memory_space<hbm>> -> memref<640xf32, #tpu.memory_space<hbm>>
      %dma_start3A_29 = tpu.memref_slice %arg7[%mul3A_25] : memref<10240xf32, #tpu.memory_space<vmem_shared>> -> memref<640xf32, #tpu.memory_space<vmem_shared>>
      tpu.enqueue_dma source(%dma_start3A_29 : memref<640xf32, #tpu.memory_space<vmem_shared>>) target(%dma_start3A_28 : memref<640xf32, #tpu.memory_space<hbm>>) target_semaphore(%run_scoped3A : memref<!tpu.dma_semaphore, #tpu.memory_space<semaphore_mem>>)
      %dma_wait3A = tpu.memref_slice %arg3[%arg0, %mul3A_27] : memref<2x10240xf32, #tpu.memory_space<hbm>> -> memref<1x640xf32, #tpu.memory_space<hbm>>
      %dma_wait3A_30 = tpu.memref_squeeze %dma_wait3A : memref<1x640xf32, #tpu.memory_space<hbm>> -> memref<640xf32, #tpu.memory_space<hbm>>
      %dma_wait3A_31 = tpu.memref_slice %arg7[%mul3A_25] : memref<10240xf32, #tpu.memory_space<vmem_shared>> -> memref<640xf32, #tpu.memory_space<vmem_shared>>
      tpu.wait_dma2 semaphore(%run_scoped3A : memref<!tpu.dma_semaphore, #tpu.memory_space<semaphore_mem>>) src(%dma_wait3A_31 : memref<640xf32, #tpu.memory_space<vmem_shared>>) dst(%dma_wait3A_30 : memref<640xf32, #tpu.memory_space<hbm>>)
      tpu.yield
    }) : () -> ()
    return
  }
}

#map = affine_map<(d0, d1) -> (0, 0)>
#map1 = affine_map<(d0, d1) -> (0, 0, 0)>
module attributes {stable_mosaic.version = 14 : i64} {
  func.func @_aggT(%arg0: i32, %arg1: i32, %arg2: memref<64x10240xf32, #tpu.memory_space<hbm>>, %arg3: memref<2x40x4096xi32, #tpu.memory_space<hbm>>, %arg4: memref<2x40x4096xi32, #tpu.memory_space<hbm>>, %arg5: memref<2x64x10240xf32, #tpu.memory_space<hbm>>, %arg6: memref<4x10240xf32, #tpu.memory_space<vmem>>, %arg7: memref<4x10240xf32, #tpu.memory_space<vmem>>, %arg8: memref<4096xi32, #tpu.memory_space<vmem>>, %arg9: memref<4096xi32, #tpu.memory_space<vmem>>, %arg10: memref<4096xi32, #tpu.memory_space<vmem>>, %arg11: memref<4096xi32, #tpu.memory_space<vmem>>, %arg12: memref<!tpu.dma_semaphore, #tpu.memory_space<semaphore_mem>>, %arg13: memref<!tpu.dma_semaphore, #tpu.memory_space<semaphore_mem>>) attributes {dimension_semantics = [#tpu.dimension_semantics<core_parallel>, #tpu.dimension_semantics<subcore_parallel>], iteration_bounds = array<i64: 2, 16>, scalar_prefetch = 0 : i64, scratch_operands = 8 : i64, tpu.core_type = #tpu.core_type<sc_vector_subcore>, window_params = [{transform_indices = #map}, {transform_indices = #map1}, {transform_indices = #map1}, {transform_indices = #map1}]} {
    %mul3A = arith.constant 4 : i32
    %mul3A_0 = arith.muli %arg1, %mul3A : i32
    "tpu.region"() ({
      %run_scoped3A = tpu.sem_alloc : memref<!tpu.dma_semaphore, #tpu.memory_space<semaphore_mem>>
      %dma_start3A_24 = arith.constant 0 : i32
      %dma_start3A_25 = tpu.memref_slice %arg2[%mul3A_0, %dma_start3A_24] : memref<64x10240xf32, #tpu.memory_space<hbm>> -> memref<4x10240xf32, #tpu.memory_space<hbm>>
      %dma_start3A_26 = arith.constant 0 : i32
      %dma_start3A_27 = tpu.memref_slice %arg2[%mul3A_0, %dma_start3A_26] : memref<64x10240xf32, #tpu.memory_space<hbm>> -> memref<4x10240xf32, #tpu.memory_space<hbm>>
      tpu.enqueue_dma source(%dma_start3A_27 : memref<4x10240xf32, #tpu.memory_space<hbm>>) target(%arg6 : memref<4x10240xf32, #tpu.memory_space<vmem>>) target_semaphore(%run_scoped3A : memref<!tpu.dma_semaphore, #tpu.memory_space<semaphore_mem>>)
      %dma_wait3A = arith.constant 0 : i32
      %dma_wait3A_28 = tpu.memref_slice %arg2[%mul3A_0, %dma_wait3A] : memref<64x10240xf32, #tpu.memory_space<hbm>> -> memref<4x10240xf32, #tpu.memory_space<hbm>>
      %dma_wait3A_29 = arith.constant 0 : i32
      %dma_wait3A_30 = tpu.memref_slice %arg2[%mul3A_0, %dma_wait3A_29] : memref<64x10240xf32, #tpu.memory_space<hbm>> -> memref<4x10240xf32, #tpu.memory_space<hbm>>
      tpu.wait_dma2 semaphore(%run_scoped3A : memref<!tpu.dma_semaphore, #tpu.memory_space<semaphore_mem>>) src(%dma_wait3A_30 : memref<4x10240xf32, #tpu.memory_space<hbm>>) dst(%arg6 : memref<4x10240xf32, #tpu.memory_space<vmem>>)
      tpu.yield
    }) : () -> ()
    %mul3A_1 = arith.constant 4 : i32
    %mul3A_2 = arith.muli %arg1, %mul3A_1 : i32
    "tpu.region"() ({
      %run_scoped3A = tpu.sem_alloc : memref<!tpu.dma_semaphore, #tpu.memory_space<semaphore_mem>>
      %dma_start3A_24 = arith.constant 0 : i32
      %dma_start3A_25 = tpu.memref_slice %arg2[%mul3A_2, %dma_start3A_24] : memref<64x10240xf32, #tpu.memory_space<hbm>> -> memref<4x10240xf32, #tpu.memory_space<hbm>>
      %dma_start3A_26 = arith.constant 0 : i32
      %dma_start3A_27 = tpu.memref_slice %arg2[%mul3A_2, %dma_start3A_26] : memref<64x10240xf32, #tpu.memory_space<hbm>> -> memref<4x10240xf32, #tpu.memory_space<hbm>>
      tpu.enqueue_dma source(%dma_start3A_27 : memref<4x10240xf32, #tpu.memory_space<hbm>>) target(%arg7 : memref<4x10240xf32, #tpu.memory_space<vmem>>) target_semaphore(%run_scoped3A : memref<!tpu.dma_semaphore, #tpu.memory_space<semaphore_mem>>)
      %dma_wait3A = arith.constant 0 : i32
      %dma_wait3A_28 = tpu.memref_slice %arg2[%mul3A_2, %dma_wait3A] : memref<64x10240xf32, #tpu.memory_space<hbm>> -> memref<4x10240xf32, #tpu.memory_space<hbm>>
      %dma_wait3A_29 = arith.constant 0 : i32
      %dma_wait3A_30 = tpu.memref_slice %arg2[%mul3A_2, %dma_wait3A_29] : memref<64x10240xf32, #tpu.memory_space<hbm>> -> memref<4x10240xf32, #tpu.memory_space<hbm>>
      tpu.wait_dma2 semaphore(%run_scoped3A : memref<!tpu.dma_semaphore, #tpu.memory_space<semaphore_mem>>) src(%dma_wait3A_30 : memref<4x10240xf32, #tpu.memory_space<hbm>>) dst(%arg7 : memref<4x10240xf32, #tpu.memory_space<vmem>>)
      tpu.yield
    }) : () -> ()
    %dma_start3A = arith.constant 0 : i32
    %dma_start3A_3 = arith.constant 0 : i32
    %dma_start3A_4 = tpu.memref_slice %arg3[%arg0, %dma_start3A, %dma_start3A_3] : memref<2x40x4096xi32, #tpu.memory_space<hbm>> -> memref<1x1x4096xi32, #tpu.memory_space<hbm>>
    %dma_start3A_5 = tpu.memref_squeeze %dma_start3A_4 : memref<1x1x4096xi32, #tpu.memory_space<hbm>> -> memref<4096xi32, #tpu.memory_space<hbm>>
    %dma_start3A_6 = arith.constant 0 : i32
    %dma_start3A_7 = tpu.memref_slice %arg3[%arg0, %dma_start3A, %dma_start3A_6] : memref<2x40x4096xi32, #tpu.memory_space<hbm>> -> memref<1x1x4096xi32, #tpu.memory_space<hbm>>
    %dma_start3A_8 = tpu.memref_squeeze %dma_start3A_7 : memref<1x1x4096xi32, #tpu.memory_space<hbm>> -> memref<4096xi32, #tpu.memory_space<hbm>>
    tpu.enqueue_dma source(%dma_start3A_8 : memref<4096xi32, #tpu.memory_space<hbm>>) target(%arg8 : memref<4096xi32, #tpu.memory_space<vmem>>) target_semaphore(%arg12 : memref<!tpu.dma_semaphore, #tpu.memory_space<semaphore_mem>>)
    %dma_start3A_9 = arith.constant 0 : i32
    %dma_start3A_10 = arith.constant 0 : i32
    %dma_start3A_11 = tpu.memref_slice %arg4[%arg0, %dma_start3A_9, %dma_start3A_10] : memref<2x40x4096xi32, #tpu.memory_space<hbm>> -> memref<1x1x4096xi32, #tpu.memory_space<hbm>>
    %dma_start3A_12 = tpu.memref_squeeze %dma_start3A_11 : memref<1x1x4096xi32, #tpu.memory_space<hbm>> -> memref<4096xi32, #tpu.memory_space<hbm>>
    %dma_start3A_13 = arith.constant 0 : i32
    %dma_start3A_14 = tpu.memref_slice %arg4[%arg0, %dma_start3A_9, %dma_start3A_13] : memref<2x40x4096xi32, #tpu.memory_space<hbm>> -> memref<1x1x4096xi32, #tpu.memory_space<hbm>>
    %dma_start3A_15 = tpu.memref_squeeze %dma_start3A_14 : memref<1x1x4096xi32, #tpu.memory_space<hbm>> -> memref<4096xi32, #tpu.memory_space<hbm>>
    tpu.enqueue_dma source(%dma_start3A_15 : memref<4096xi32, #tpu.memory_space<hbm>>) target(%arg9 : memref<4096xi32, #tpu.memory_space<vmem>>) target_semaphore(%arg12 : memref<!tpu.dma_semaphore, #tpu.memory_space<semaphore_mem>>)
    %scan3A = arith.constant 0 : i32
    %scan3A_16 = arith.constant 0 : i32
    %scan3A_17 = arith.constant 20 : i32
    %scan3A_18 = arith.addi %scan3A_16, %scan3A_17 : i32
    %scan3A_19 = arith.constant 1 : i32
    %scan3A_20 = scf.for %scan3A_24 = %scan3A_16 to %scan3A_18 step %scan3A_19 iter_args(%scan3A_25 = %scan3A) -> (i32)  : i32 {
      %mul3A_26 = arith.constant 2 : i32
      %mul3A_27 = arith.muli %mul3A_26, %scan3A_24 : i32
      %dma_wait3A = arith.constant 0 : i32
      %dma_wait3A_28 = arith.constant 0 : i32
      %dma_wait3A_29 = tpu.memref_slice %arg3[%arg0, %dma_wait3A, %dma_wait3A_28] : memref<2x40x4096xi32, #tpu.memory_space<hbm>> -> memref<1x1x4096xi32, #tpu.memory_space<hbm>>
      %dma_wait3A_30 = tpu.memref_squeeze %dma_wait3A_29 : memref<1x1x4096xi32, #tpu.memory_space<hbm>> -> memref<4096xi32, #tpu.memory_space<hbm>>
      %dma_wait3A_31 = arith.constant 0 : i32
      %dma_wait3A_32 = tpu.memref_slice %arg3[%arg0, %dma_wait3A, %dma_wait3A_31] : memref<2x40x4096xi32, #tpu.memory_space<hbm>> -> memref<1x1x4096xi32, #tpu.memory_space<hbm>>
      %dma_wait3A_33 = tpu.memref_squeeze %dma_wait3A_32 : memref<1x1x4096xi32, #tpu.memory_space<hbm>> -> memref<4096xi32, #tpu.memory_space<hbm>>
      tpu.wait_dma2 semaphore(%arg12 : memref<!tpu.dma_semaphore, #tpu.memory_space<semaphore_mem>>) src(%dma_wait3A_33 : memref<4096xi32, #tpu.memory_space<hbm>>) dst(%arg8 : memref<4096xi32, #tpu.memory_space<vmem>>)
      %dma_wait3A_34 = arith.constant 0 : i32
      %dma_wait3A_35 = arith.constant 0 : i32
      %dma_wait3A_36 = tpu.memref_slice %arg3[%arg0, %dma_wait3A_34, %dma_wait3A_35] : memref<2x40x4096xi32, #tpu.memory_space<hbm>> -> memref<1x1x4096xi32, #tpu.memory_space<hbm>>
      %dma_wait3A_37 = tpu.memref_squeeze %dma_wait3A_36 : memref<1x1x4096xi32, #tpu.memory_space<hbm>> -> memref<4096xi32, #tpu.memory_space<hbm>>
      %dma_wait3A_38 = arith.constant 0 : i32
      %dma_wait3A_39 = tpu.memref_slice %arg3[%arg0, %dma_wait3A_34, %dma_wait3A_38] : memref<2x40x4096xi32, #tpu.memory_space<hbm>> -> memref<1x1x4096xi32, #tpu.memory_space<hbm>>
      %dma_wait3A_40 = tpu.memref_squeeze %dma_wait3A_39 : memref<1x1x4096xi32, #tpu.memory_space<hbm>> -> memref<4096xi32, #tpu.memory_space<hbm>>
      tpu.wait_dma2 semaphore(%arg12 : memref<!tpu.dma_semaphore, #tpu.memory_space<semaphore_mem>>) src(%dma_wait3A_40 : memref<4096xi32, #tpu.memory_space<hbm>>) dst(%arg9 : memref<4096xi32, #tpu.memory_space<vmem>>)
      %add3A = arith.constant 1 : i32
      %add3A_41 = arith.addi %mul3A_27, %add3A : i32
      %dma_start3A_42 = arith.constant 0 : i32
      %dma_start3A_43 = tpu.memref_slice %arg3[%arg0, %add3A_41, %dma_start3A_42] : memref<2x40x4096xi32, #tpu.memory_space<hbm>> -> memref<1x1x4096xi32, #tpu.memory_space<hbm>>
      %dma_start3A_44 = tpu.memref_squeeze %dma_start3A_43 : memref<1x1x4096xi32, #tpu.memory_space<hbm>> -> memref<4096xi32, #tpu.memory_space<hbm>>
      %dma_start3A_45 = arith.constant 0 : i32
      %dma_start3A_46 = tpu.memref_slice %arg3[%arg0, %add3A_41, %dma_start3A_45] : memref<2x40x4096xi32, #tpu.memory_space<hbm>> -> memref<1x1x4096xi32, #tpu.memory_space<hbm>>
      %dma_start3A_47 = tpu.memref_squeeze %dma_start3A_46 : memref<1x1x4096xi32, #tpu.memory_space<hbm>> -> memref<4096xi32, #tpu.memory_space<hbm>>
      tpu.enqueue_dma source(%dma_start3A_47 : memref<4096xi32, #tpu.memory_space<hbm>>) target(%arg10 : memref<4096xi32, #tpu.memory_space<vmem>>) target_semaphore(%arg13 : memref<!tpu.dma_semaphore, #tpu.memory_space<semaphore_mem>>)
      %dma_start3A_48 = arith.constant 0 : i32
      %dma_start3A_49 = tpu.memref_slice %arg4[%arg0, %add3A_41, %dma_start3A_48] : memref<2x40x4096xi32, #tpu.memory_space<hbm>> -> memref<1x1x4096xi32, #tpu.memory_space<hbm>>
      %dma_start3A_50 = tpu.memref_squeeze %dma_start3A_49 : memref<1x1x4096xi32, #tpu.memory_space<hbm>> -> memref<4096xi32, #tpu.memory_space<hbm>>
      %dma_start3A_51 = arith.constant 0 : i32
      %dma_start3A_52 = tpu.memref_slice %arg4[%arg0, %add3A_41, %dma_start3A_51] : memref<2x40x4096xi32, #tpu.memory_space<hbm>> -> memref<1x1x4096xi32, #tpu.memory_space<hbm>>
      %dma_start3A_53 = tpu.memref_squeeze %dma_start3A_52 : memref<1x1x4096xi32, #tpu.memory_space<hbm>> -> memref<4096xi32, #tpu.memory_space<hbm>>
      tpu.enqueue_dma source(%dma_start3A_53 : memref<4096xi32, #tpu.memory_space<hbm>>) target(%arg11 : memref<4096xi32, #tpu.memory_space<vmem>>) target_semaphore(%arg13 : memref<!tpu.dma_semaphore, #tpu.memory_space<semaphore_mem>>)
      %parallel_loop3A = arith.constant 0 : i32
      %parallel_loop3A_54 = arith.constant 4096 : i32
      %parallel_loop3A_55 = arith.constant 16 : i32
      scf.for %parallel_loop3A_76 = %parallel_loop3A to %parallel_loop3A_54 step %parallel_loop3A_55  : i32 {
        %parallel_loop3A_77 = arith.index_cast %parallel_loop3A_76 : i32 to index
        %parallel_loop3A_78 = tpu.vector_load %arg8[%parallel_loop3A_77] {strides = array<i32>} : memref<4096xi32, #tpu.memory_space<vmem>>, vector<16xi32>,
        %parallel_loop3A_79 = arith.index_cast %parallel_loop3A_76 : i32 to index
        %parallel_loop3A_80 = tpu.vector_load %arg9[%parallel_loop3A_79] {strides = array<i32>} : memref<4096xi32, #tpu.memory_space<vmem>>, vector<16xi32>,
        %parallel_loop3A_81 = arith.constant 0 : i32
        %parallel_loop3A_82 = vector.broadcast %parallel_loop3A_81 : i32 to vector<16xi32>
        %parallel_loop3A_83 = tpu.vector_load_idx %arg6[%parallel_loop3A_82, %parallel_loop3A_78] : memref<4x10240xf32, #tpu.memory_space<vmem>>[vector<16xi32>, vector<16xi32>], vector<16xf32>,
        tpu.vector_store_idx %arg7[%parallel_loop3A_82, %parallel_loop3A_80], %parallel_loop3A_83 {add = true} : memref<4x10240xf32, #tpu.memory_space<vmem>>[vector<16xi32>, vector<16xi32>], vector<16xf32>,
        %parallel_loop3A_84 = arith.constant 1 : i32
        %parallel_loop3A_85 = vector.broadcast %parallel_loop3A_84 : i32 to vector<16xi32>
        %parallel_loop3A_86 = tpu.vector_load_idx %arg6[%parallel_loop3A_85, %parallel_loop3A_78] : memref<4x10240xf32, #tpu.memory_space<vmem>>[vector<16xi32>, vector<16xi32>], vector<16xf32>,
        tpu.vector_store_idx %arg7[%parallel_loop3A_85, %parallel_loop3A_80], %parallel_loop3A_86 {add = true} : memref<4x10240xf32, #tpu.memory_space<vmem>>[vector<16xi32>, vector<16xi32>], vector<16xf32>,
        %parallel_loop3A_87 = arith.constant 2 : i32
        %parallel_loop3A_88 = vector.broadcast %parallel_loop3A_87 : i32 to vector<16xi32>
        %parallel_loop3A_89 = tpu.vector_load_idx %arg6[%parallel_loop3A_88, %parallel_loop3A_78] : memref<4x10240xf32, #tpu.memory_space<vmem>>[vector<16xi32>, vector<16xi32>], vector<16xf32>,
        tpu.vector_store_idx %arg7[%parallel_loop3A_88, %parallel_loop3A_80], %parallel_loop3A_89 {add = true} : memref<4x10240xf32, #tpu.memory_space<vmem>>[vector<16xi32>, vector<16xi32>], vector<16xf32>,
        %parallel_loop3A_90 = arith.constant 3 : i32
        %parallel_loop3A_91 = vector.broadcast %parallel_loop3A_90 : i32 to vector<16xi32>
        %parallel_loop3A_92 = tpu.vector_load_idx %arg6[%parallel_loop3A_91, %parallel_loop3A_78] : memref<4x10240xf32, #tpu.memory_space<vmem>>[vector<16xi32>, vector<16xi32>], vector<16xf32>,
        tpu.vector_store_idx %arg7[%parallel_loop3A_91, %parallel_loop3A_80], %parallel_loop3A_92 {add = true} : memref<4x10240xf32, #tpu.memory_space<vmem>>[vector<16xi32>, vector<16xi32>], vector<16xf32>,
      } {sc.loop_unroll_factor = 4 : i64, sc.parallel_access}
      %dma_wait3A_56 = arith.constant 0 : i32
      %dma_wait3A_57 = arith.constant 0 : i32
      %dma_wait3A_58 = tpu.memref_slice %arg3[%arg0, %dma_wait3A_56, %dma_wait3A_57] : memref<2x40x4096xi32, #tpu.memory_space<hbm>> -> memref<1x1x4096xi32, #tpu.memory_space<hbm>>
      %dma_wait3A_59 = tpu.memref_squeeze %dma_wait3A_58 : memref<1x1x4096xi32, #tpu.memory_space<hbm>> -> memref<4096xi32, #tpu.memory_space<hbm>>
      %dma_wait3A_60 = arith.constant 0 : i32
      %dma_wait3A_61 = tpu.memref_slice %arg3[%arg0, %dma_wait3A_56, %dma_wait3A_60] : memref<2x40x4096xi32, #tpu.memory_space<hbm>> -> memref<1x1x4096xi32, #tpu.memory_space<hbm>>
      %dma_wait3A_62 = tpu.memref_squeeze %dma_wait3A_61 : memref<1x1x4096xi32, #tpu.memory_space<hbm>> -> memref<4096xi32, #tpu.memory_space<hbm>>
      tpu.wait_dma2 semaphore(%arg13 : memref<!tpu.dma_semaphore, #tpu.memory_space<semaphore_mem>>) src(%dma_wait3A_62 : memref<4096xi32, #tpu.memory_space<hbm>>) dst(%arg10 : memref<4096xi32, #tpu.memory_space<vmem>>)
      %dma_wait3A_63 = arith.constant 0 : i32
      %dma_wait3A_64 = arith.constant 0 : i32
      %dma_wait3A_65 = tpu.memref_slice %arg3[%arg0, %dma_wait3A_63, %dma_wait3A_64] : memref<2x40x4096xi32, #tpu.memory_space<hbm>> -> memref<1x1x4096xi32, #tpu.memory_space<hbm>>
      %dma_wait3A_66 = tpu.memref_squeeze %dma_wait3A_65 : memref<1x1x4096xi32, #tpu.memory_space<hbm>> -> memref<4096xi32, #tpu.memory_space<hbm>>
      %dma_wait3A_67 = arith.constant 0 : i32
      %dma_wait3A_68 = tpu.memref_slice %arg3[%arg0, %dma_wait3A_63, %dma_wait3A_67] : memref<2x40x4096xi32, #tpu.memory_space<hbm>> -> memref<1x1x4096xi32, #tpu.memory_space<hbm>>
      %dma_wait3A_69 = tpu.memref_squeeze %dma_wait3A_68 : memref<1x1x4096xi32, #tpu.memory_space<hbm>> -> memref<4096xi32, #tpu.memory_space<hbm>>
      tpu.wait_dma2 semaphore(%arg13 : memref<!tpu.dma_semaphore, #tpu.memory_space<semaphore_mem>>) src(%dma_wait3A_69 : memref<4096xi32, #tpu.memory_space<hbm>>) dst(%arg11 : memref<4096xi32, #tpu.memory_space<vmem>>)
      %lt3A = arith.constant 19 : i32
      %lt3A_70 = arith.cmpi slt, %scan3A_24, %lt3A : i32
      %convert_element_type3A = arith.extui %lt3A_70 : i1 to i32
      %cond3A = arith.constant 0 : i32
      %cond3A_71 = arith.cmpi ne, %convert_element_type3A, %cond3A : i32
      scf.if %cond3A_71 {
        %add3A_76 = arith.constant 2 : i32
        %add3A_77 = arith.addi %mul3A_27, %add3A_76 : i32
        %dma_start3A_78 = arith.constant 0 : i32
        %dma_start3A_79 = tpu.memref_slice %arg3[%arg0, %add3A_77, %dma_start3A_78] : memref<2x40x4096xi32, #tpu.memory_space<hbm>> -> memref<1x1x4096xi32, #tpu.memory_space<hbm>>
        %dma_start3A_80 = tpu.memref_squeeze %dma_start3A_79 : memref<1x1x4096xi32, #tpu.memory_space<hbm>> -> memref<4096xi32, #tpu.memory_space<hbm>>
        %dma_start3A_81 = arith.constant 0 : i32
        %dma_start3A_82 = tpu.memref_slice %arg3[%arg0, %add3A_77, %dma_start3A_81] : memref<2x40x4096xi32, #tpu.memory_space<hbm>> -> memref<1x1x4096xi32, #tpu.memory_space<hbm>>
        %dma_start3A_83 = tpu.memref_squeeze %dma_start3A_82 : memref<1x1x4096xi32, #tpu.memory_space<hbm>> -> memref<4096xi32, #tpu.memory_space<hbm>>
        tpu.enqueue_dma source(%dma_start3A_83 : memref<4096xi32, #tpu.memory_space<hbm>>) target(%arg8 : memref<4096xi32, #tpu.memory_space<vmem>>) target_semaphore(%arg12 : memref<!tpu.dma_semaphore, #tpu.memory_space<semaphore_mem>>)
        %dma_start3A_84 = arith.constant 0 : i32
        %dma_start3A_85 = tpu.memref_slice %arg4[%arg0, %add3A_77, %dma_start3A_84] : memref<2x40x4096xi32, #tpu.memory_space<hbm>> -> memref<1x1x4096xi32, #tpu.memory_space<hbm>>
        %dma_start3A_86 = tpu.memref_squeeze %dma_start3A_85 : memref<1x1x4096xi32, #tpu.memory_space<hbm>> -> memref<4096xi32, #tpu.memory_space<hbm>>
        %dma_start3A_87 = arith.constant 0 : i32
        %dma_start3A_88 = tpu.memref_slice %arg4[%arg0, %add3A_77, %dma_start3A_87] : memref<2x40x4096xi32, #tpu.memory_space<hbm>> -> memref<1x1x4096xi32, #tpu.memory_space<hbm>>
        %dma_start3A_89 = tpu.memref_squeeze %dma_start3A_88 : memref<1x1x4096xi32, #tpu.memory_space<hbm>> -> memref<4096xi32, #tpu.memory_space<hbm>>
        tpu.enqueue_dma source(%dma_start3A_89 : memref<4096xi32, #tpu.memory_space<hbm>>) target(%arg9 : memref<4096xi32, #tpu.memory_space<vmem>>) target_semaphore(%arg12 : memref<!tpu.dma_semaphore, #tpu.memory_space<semaphore_mem>>)
      } else {
      }
      %parallel_loop3A_72 = arith.constant 0 : i32
      %parallel_loop3A_73 = arith.constant 4096 : i32
      %parallel_loop3A_74 = arith.constant 16 : i32
      scf.for %parallel_loop3A_76 = %parallel_loop3A_72 to %parallel_loop3A_73 step %parallel_loop3A_74  : i32 {
        %parallel_loop3A_77 = arith.index_cast %parallel_loop3A_76 : i32 to index
        %parallel_loop3A_78 = tpu.vector_load %arg10[%parallel_loop3A_77] {strides = array<i32>} : memref<4096xi32, #tpu.memory_space<vmem>>, vector<16xi32>,
        %parallel_loop3A_79 = arith.index_cast %parallel_loop3A_76 : i32 to index
        %parallel_loop3A_80 = tpu.vector_load %arg11[%parallel_loop3A_79] {strides = array<i32>} : memref<4096xi32, #tpu.memory_space<vmem>>, vector<16xi32>,
        %parallel_loop3A_81 = arith.constant 0 : i32
        %parallel_loop3A_82 = vector.broadcast %parallel_loop3A_81 : i32 to vector<16xi32>
        %parallel_loop3A_83 = tpu.vector_load_idx %arg6[%parallel_loop3A_82, %parallel_loop3A_78] : memref<4x10240xf32, #tpu.memory_space<vmem>>[vector<16xi32>, vector<16xi32>], vector<16xf32>,
        tpu.vector_store_idx %arg7[%parallel_loop3A_82, %parallel_loop3A_80], %parallel_loop3A_83 {add = true} : memref<4x10240xf32, #tpu.memory_space<vmem>>[vector<16xi32>, vector<16xi32>], vector<16xf32>,
        %parallel_loop3A_84 = arith.constant 1 : i32
        %parallel_loop3A_85 = vector.broadcast %parallel_loop3A_84 : i32 to vector<16xi32>
        %parallel_loop3A_86 = tpu.vector_load_idx %arg6[%parallel_loop3A_85, %parallel_loop3A_78] : memref<4x10240xf32, #tpu.memory_space<vmem>>[vector<16xi32>, vector<16xi32>], vector<16xf32>,
        tpu.vector_store_idx %arg7[%parallel_loop3A_85, %parallel_loop3A_80], %parallel_loop3A_86 {add = true} : memref<4x10240xf32, #tpu.memory_space<vmem>>[vector<16xi32>, vector<16xi32>], vector<16xf32>,
        %parallel_loop3A_87 = arith.constant 2 : i32
        %parallel_loop3A_88 = vector.broadcast %parallel_loop3A_87 : i32 to vector<16xi32>
        %parallel_loop3A_89 = tpu.vector_load_idx %arg6[%parallel_loop3A_88, %parallel_loop3A_78] : memref<4x10240xf32, #tpu.memory_space<vmem>>[vector<16xi32>, vector<16xi32>], vector<16xf32>,
        tpu.vector_store_idx %arg7[%parallel_loop3A_88, %parallel_loop3A_80], %parallel_loop3A_89 {add = true} : memref<4x10240xf32, #tpu.memory_space<vmem>>[vector<16xi32>, vector<16xi32>], vector<16xf32>,
        %parallel_loop3A_90 = arith.constant 3 : i32
        %parallel_loop3A_91 = vector.broadcast %parallel_loop3A_90 : i32 to vector<16xi32>
        %parallel_loop3A_92 = tpu.vector_load_idx %arg6[%parallel_loop3A_91, %parallel_loop3A_78] : memref<4x10240xf32, #tpu.memory_space<vmem>>[vector<16xi32>, vector<16xi32>], vector<16xf32>,
        tpu.vector_store_idx %arg7[%parallel_loop3A_91, %parallel_loop3A_80], %parallel_loop3A_92 {add = true} : memref<4x10240xf32, #tpu.memory_space<vmem>>[vector<16xi32>, vector<16xi32>], vector<16xf32>,
      } {sc.loop_unroll_factor = 4 : i64, sc.parallel_access}
      %scan3A_75 = arith.constant 0 : i32
      scf.yield %scan3A_75 : i32
    }
    %scan3A_21 = arith.constant 20 : i32
    %mul3A_22 = arith.constant 4 : i32
    %mul3A_23 = arith.muli %arg1, %mul3A_22 : i32
    "tpu.region"() ({
      %run_scoped3A = tpu.sem_alloc : memref<!tpu.dma_semaphore, #tpu.memory_space<semaphore_mem>>
      %dma_start3A_24 = arith.constant 0 : i32
      %dma_start3A_25 = tpu.memref_slice %arg5[%arg0, %mul3A_23, %dma_start3A_24] : memref<2x64x10240xf32, #tpu.memory_space<hbm>> -> memref<1x4x10240xf32, #tpu.memory_space<hbm>>
      %dma_start3A_26 = tpu.memref_squeeze %dma_start3A_25 : memref<1x4x10240xf32, #tpu.memory_space<hbm>> -> memref<4x10240xf32, #tpu.memory_space<hbm>>
      %dma_start3A_27 = arith.constant 0 : i32
      %dma_start3A_28 = tpu.memref_slice %arg5[%arg0, %mul3A_23, %dma_start3A_27] : memref<2x64x10240xf32, #tpu.memory_space<hbm>> -> memref<1x4x10240xf32, #tpu.memory_space<hbm>>
      %dma_start3A_29 = tpu.memref_squeeze %dma_start3A_28 : memref<1x4x10240xf32, #tpu.memory_space<hbm>> -> memref<4x10240xf32, #tpu.memory_space<hbm>>
      tpu.enqueue_dma source(%arg7 : memref<4x10240xf32, #tpu.memory_space<vmem>>) target(%dma_start3A_29 : memref<4x10240xf32, #tpu.memory_space<hbm>>) target_semaphore(%run_scoped3A : memref<!tpu.dma_semaphore, #tpu.memory_space<semaphore_mem>>)
      %dma_wait3A = arith.constant 0 : i32
      %dma_wait3A_30 = tpu.memref_slice %arg5[%arg0, %mul3A_23, %dma_wait3A] : memref<2x64x10240xf32, #tpu.memory_space<hbm>> -> memref<1x4x10240xf32, #tpu.memory_space<hbm>>
      %dma_wait3A_31 = tpu.memref_squeeze %dma_wait3A_30 : memref<1x4x10240xf32, #tpu.memory_space<hbm>> -> memref<4x10240xf32, #tpu.memory_space<hbm>>
      %dma_wait3A_32 = arith.constant 0 : i32
      %dma_wait3A_33 = tpu.memref_slice %arg5[%arg0, %mul3A_23, %dma_wait3A_32] : memref<2x64x10240xf32, #tpu.memory_space<hbm>> -> memref<1x4x10240xf32, #tpu.memory_space<hbm>>
      %dma_wait3A_34 = tpu.memref_squeeze %dma_wait3A_33 : memref<1x4x10240xf32, #tpu.memory_space<hbm>> -> memref<4x10240xf32, #tpu.memory_space<hbm>>
      tpu.wait_dma2 semaphore(%run_scoped3A : memref<!tpu.dma_semaphore, #tpu.memory_space<semaphore_mem>>) src(%arg7 : memref<4x10240xf32, #tpu.memory_space<vmem>>) dst(%dma_wait3A_34 : memref<4x10240xf32, #tpu.memory_space<hbm>>)
      tpu.yield
    }) : () -> ()
    return
  }
}

module attributes {stable_mosaic.version = 14 : i64} {
  func.func @_pre_body(%arg0: memref<2x1x10240xf32, #tpu.memory_space<vmem>>, %arg1: memref<128x10240xf32, #tpu.memory_space<vmem>>, %arg2: memref<64x128xf32, #tpu.memory_space<vmem>>, %arg3: memref<64x10240xf32, #tpu.memory_space<vmem>>, %arg4: memref<1x10240xf32, #tpu.memory_space<vmem>>) attributes {dimension_semantics = [], scalar_prefetch = 0 : i64, scratch_operands = 0 : i64, tpu.core_type = #tpu.core_type<tc>} {
    %get3A = arith.constant 0 : index
    %get3A_0 = arith.constant 0 : index
    %get3A_1 = arith.constant 0 : index
    %get3A_2 = vector.load %arg0[%get3A, %get3A_0, %get3A_1] : memref<2x1x10240xf32, #tpu.memory_space<vmem>>, vector<1x1x10240xf32>
    %get3A_3 = vector.shape_cast %get3A_2 : vector<1x1x10240xf32> to vector<1x10240xf32>
    %get3A_4 = arith.constant 1 : index
    %get3A_5 = arith.constant 0 : index
    %get3A_6 = arith.constant 0 : index
    %get3A_7 = vector.load %arg0[%get3A_4, %get3A_5, %get3A_6] : memref<2x1x10240xf32, #tpu.memory_space<vmem>>, vector<1x1x10240xf32>
    %get3A_8 = vector.shape_cast %get3A_7 : vector<1x1x10240xf32> to vector<1x10240xf32>
    %add3A = arith.addf %get3A_3, %get3A_8 : vector<1x10240xf32>
    %add3A_9 = arith.constant 1.000000e+00 : f32
    %add3A_10 = vector.broadcast %add3A_9 : f32 to vector<1x10240xf32>
    %add3A_11 = arith.addf %add3A, %add3A_10 : vector<1x10240xf32>
    %rsqrt3A = math.rsqrt %add3A_11 : vector<1x10240xf32>
    %swap3A = arith.constant 0 : index
    %swap3A_12 = arith.constant 0 : index
    %swap3A_13 = vector.load %arg4[%swap3A, %swap3A_12] : memref<1x10240xf32, #tpu.memory_space<vmem>>, vector<1x10240xf32>
    tpu.vector_store %arg4[%swap3A, %swap3A_12], %rsqrt3A {strides = array<i32>} : memref<1x10240xf32, #tpu.memory_space<vmem>>, vector<1x10240xf32>,
    %get3A_14 = arith.constant 0 : index
    %get3A_15 = arith.constant 0 : index
    %get3A_16 = vector.load %arg2[%get3A_14, %get3A_15] : memref<64x128xf32, #tpu.memory_space<vmem>>, vector<64x128xf32>
    %get3A_17 = arith.constant 0 : index
    %get3A_18 = arith.constant 0 : index
    %get3A_19 = vector.load %arg1[%get3A_17, %get3A_18] : memref<128x10240xf32, #tpu.memory_space<vmem>>, vector<128x10240xf32>
    %dot_general3A = arith.constant dense<0.000000e+00> : vector<64x10240xf32>
    %dot_general3A_20 = tpu.matmul %get3A_16, %get3A_19, %dot_general3A {dimension_numbers = #tpu.dot_dimension_numbers<[1], [0], [0], [1], [0, 0, 1, 1], [], []>, transpose_lhs_hint = false} : vector<64x128xf32>, vector<128x10240xf32>, vector<64x10240xf32> -> vector<64x10240xf32>
    %mul3A = vector.broadcast %rsqrt3A : vector<1x10240xf32> to vector<64x10240xf32>
    %mul3A_21 = arith.mulf %dot_general3A_20, %mul3A : vector<64x10240xf32>
    %swap3A_22 = arith.constant 0 : index
    %swap3A_23 = arith.constant 0 : index
    %swap3A_24 = vector.load %arg3[%swap3A_22, %swap3A_23] : memref<64x10240xf32, #tpu.memory_space<vmem>>, vector<64x10240xf32>
    tpu.vector_store %arg3[%swap3A_22, %swap3A_23], %mul3A_21 {strides = array<i32>} : memref<64x10240xf32, #tpu.memory_space<vmem>>, vector<64x10240xf32>,
    return
  }
}

module attributes {stable_mosaic.version = 14 : i64} {
  func.func @_mid_body(%arg0: memref<2x64x10240xf32, #tpu.memory_space<vmem>>, %arg1: memref<64x10240xf32, #tpu.memory_space<vmem>>, %arg2: memref<1x10240xf32, #tpu.memory_space<vmem>>, %arg3: memref<64x1xf32, #tpu.memory_space<vmem>>, %arg4: memref<64x1xf32, #tpu.memory_space<vmem>>, %arg5: memref<64x1xf32, #tpu.memory_space<vmem>>, %arg6: memref<64x64xf32, #tpu.memory_space<vmem>>, %arg7: memref<64x10240xf32, #tpu.memory_space<vmem>>) attributes {dimension_semantics = [], scalar_prefetch = 0 : i64, scratch_operands = 0 : i64, tpu.core_type = #tpu.core_type<tc>} {
    %get3A = arith.constant 0 : index
    %get3A_0 = arith.constant 0 : index
    %get3A_1 = vector.load %arg2[%get3A, %get3A_0] : memref<1x10240xf32, #tpu.memory_space<vmem>>, vector<1x10240xf32>
    %get3A_2 = arith.constant 0 : index
    %get3A_3 = arith.constant 0 : index
    %get3A_4 = arith.constant 0 : index
    %get3A_5 = vector.load %arg0[%get3A_2, %get3A_3, %get3A_4] : memref<2x64x10240xf32, #tpu.memory_space<vmem>>, vector<1x64x10240xf32>
    %get3A_6 = vector.shape_cast %get3A_5 : vector<1x64x10240xf32> to vector<64x10240xf32>
    %get3A_7 = arith.constant 1 : index
    %get3A_8 = arith.constant 0 : index
    %get3A_9 = arith.constant 0 : index
    %get3A_10 = vector.load %arg0[%get3A_7, %get3A_8, %get3A_9] : memref<2x64x10240xf32, #tpu.memory_space<vmem>>, vector<1x64x10240xf32>
    %get3A_11 = vector.shape_cast %get3A_10 : vector<1x64x10240xf32> to vector<64x10240xf32>
    %add3A = arith.addf %get3A_6, %get3A_11 : vector<64x10240xf32>
    %get3A_12 = arith.constant 0 : index
    %get3A_13 = arith.constant 0 : index
    %get3A_14 = vector.load %arg1[%get3A_12, %get3A_13] : memref<64x10240xf32, #tpu.memory_space<vmem>>, vector<64x10240xf32>
    %sub3A = arith.subf %add3A, %get3A_14 : vector<64x10240xf32>
    %mul3A = vector.broadcast %get3A_1 : vector<1x10240xf32> to vector<64x10240xf32>
    %mul3A_15 = arith.mulf %mul3A, %sub3A : vector<64x10240xf32>
    %get3A_16 = arith.constant 0 : index
    %get3A_17 = arith.constant 0 : index
    %get3A_18 = vector.load %arg3[%get3A_16, %get3A_17] : memref<64x1xf32, #tpu.memory_space<vmem>>, vector<64x1xf32>
    %add3A_19 = vector.broadcast %get3A_18 : vector<64x1xf32> to vector<64x10240xf32>
    %add3A_20 = arith.addf %mul3A_15, %add3A_19 : vector<64x10240xf32>
    %iota3A = tpu.iota {dimensions = array<i32: 1>} : vector<64x10240xi32>
    %lt3A = arith.constant 10000 : i32
    %lt3A_21 = vector.broadcast %lt3A : i32 to vector<64x10240xi32>
    %lt3A_22 = arith.cmpi slt, %iota3A, %lt3A_21 : vector<64x10240xi32>
    %jit3A = arith.constant 0.000000e+00 : f32
    %broadcast_in_dim3A = vector.broadcast %jit3A : f32 to vector<64x10240xf32>
    %select_n3A = arith.select %lt3A_22, %add3A_20, %broadcast_in_dim3A : vector<64x10240xi1>, vector<64x10240xf32>
    %reduce_sum3A = arith.constant dense<0.000000e+00> : vector<64xf32>
    %reduce_sum3A_23 = vector.multi_reduction <add>, %select_n3A, %reduce_sum3A [1] : vector<64x10240xf32> to vector<64xf32>
    %broadcast_in_dim3A_24 = vector.shape_cast %reduce_sum3A_23 : vector<64xf32> to vector<64x1xf32>
    %div3A = arith.constant 1.000000e+04 : f32
    %div3A_25 = vector.broadcast %div3A : f32 to vector<64x1xf32>
    %div3A_26 = arith.divf %broadcast_in_dim3A_24, %div3A_25 : vector<64x1xf32>
    %mul3A_27 = arith.mulf %select_n3A, %select_n3A : vector<64x10240xf32>
    %reduce_sum3A_28 = arith.constant dense<0.000000e+00> : vector<64xf32>
    %reduce_sum3A_29 = vector.multi_reduction <add>, %mul3A_27, %reduce_sum3A_28 [1] : vector<64x10240xf32> to vector<64xf32>
    %broadcast_in_dim3A_30 = vector.shape_cast %reduce_sum3A_29 : vector<64xf32> to vector<64x1xf32>
    %div3A_31 = arith.constant 1.000000e+04 : f32
    %div3A_32 = vector.broadcast %div3A_31 : f32 to vector<64x1xf32>
    %div3A_33 = arith.divf %broadcast_in_dim3A_30, %div3A_32 : vector<64x1xf32>
    %mul3A_34 = arith.mulf %div3A_26, %div3A_26 : vector<64x1xf32>
    %sub3A_35 = arith.subf %div3A_33, %mul3A_34 : vector<64x1xf32>
    %get3A_36 = arith.constant 0 : index
    %get3A_37 = arith.constant 0 : index
    %get3A_38 = vector.load %arg4[%get3A_36, %get3A_37] : memref<64x1xf32, #tpu.memory_space<vmem>>, vector<64x1xf32>
    %sub3A_39 = vector.broadcast %div3A_26 : vector<64x1xf32> to vector<64x10240xf32>
    %sub3A_40 = arith.subf %add3A_20, %sub3A_39 : vector<64x10240xf32>
    %mul3A_41 = vector.broadcast %get3A_38 : vector<64x1xf32> to vector<64x10240xf32>
    %mul3A_42 = arith.mulf %mul3A_41, %sub3A_40 : vector<64x10240xf32>
    %add3A_43 = arith.constant 9.99999974E-6 : f32
    %add3A_44 = vector.broadcast %add3A_43 : f32 to vector<64x1xf32>
    %add3A_45 = arith.addf %sub3A_35, %add3A_44 : vector<64x1xf32>
    %rsqrt3A = math.rsqrt %add3A_45 : vector<64x1xf32>
    %mul3A_46 = vector.broadcast %rsqrt3A : vector<64x1xf32> to vector<64x10240xf32>
    %mul3A_47 = arith.mulf %mul3A_42, %mul3A_46 : vector<64x10240xf32>
    %get3A_48 = arith.constant 0 : index
    %get3A_49 = arith.constant 0 : index
    %get3A_50 = vector.load %arg5[%get3A_48, %get3A_49] : memref<64x1xf32, #tpu.memory_space<vmem>>, vector<64x1xf32>
    %add3A_51 = vector.broadcast %get3A_50 : vector<64x1xf32> to vector<64x10240xf32>
    %add3A_52 = arith.addf %mul3A_47, %add3A_51 : vector<64x10240xf32>
    %max3A = arith.constant 0.000000e+00 : f32
    %max3A_53 = vector.broadcast %max3A : f32 to vector<64x10240xf32>
    %max3A_54 = arith.maximumf %add3A_52, %max3A_53 : vector<64x10240xf32>
    %jit3A_55 = arith.constant 0.000000e+00 : f32
    %broadcast_in_dim3A_56 = vector.broadcast %jit3A_55 : f32 to vector<64x10240xf32>
    %select_n3A_57 = arith.select %lt3A_22, %max3A_54, %broadcast_in_dim3A_56 : vector<64x10240xi1>, vector<64x10240xf32>
    %get3A_58 = arith.constant 0 : index
    %get3A_59 = arith.constant 0 : index
    %get3A_60 = vector.load %arg6[%get3A_58, %get3A_59] : memref<64x64xf32, #tpu.memory_space<vmem>>, vector<64x64xf32>
    %dot_general3A = arith.constant dense<0.000000e+00> : vector<64x10240xf32>
    %dot_general3A_61 = tpu.matmul %get3A_60, %select_n3A_57, %dot_general3A {dimension_numbers = #tpu.dot_dimension_numbers<[1], [0], [0], [1], [0, 0, 1, 1], [], []>, transpose_lhs_hint = false} : vector<64x64xf32>, vector<64x10240xf32>, vector<64x10240xf32> -> vector<64x10240xf32>
    %mul3A_62 = vector.broadcast %get3A_1 : vector<1x10240xf32> to vector<64x10240xf32>
    %mul3A_63 = arith.mulf %dot_general3A_61, %mul3A_62 : vector<64x10240xf32>
    %swap3A = arith.constant 0 : index
    %swap3A_64 = arith.constant 0 : index
    %swap3A_65 = vector.load %arg7[%swap3A, %swap3A_64] : memref<64x10240xf32, #tpu.memory_space<vmem>>, vector<64x10240xf32>
    tpu.vector_store %arg7[%swap3A, %swap3A_64], %mul3A_63 {strides = array<i32>} : memref<64x10240xf32, #tpu.memory_space<vmem>>, vector<64x10240xf32>,
    return
  }
}

module attributes {stable_mosaic.version = 14 : i64} {
  func.func @_mid_body(%arg0: memref<2x64x10240xf32, #tpu.memory_space<vmem>>, %arg1: memref<64x10240xf32, #tpu.memory_space<vmem>>, %arg2: memref<1x10240xf32, #tpu.memory_space<vmem>>, %arg3: memref<64x1xf32, #tpu.memory_space<vmem>>, %arg4: memref<64x1xf32, #tpu.memory_space<vmem>>, %arg5: memref<64x1xf32, #tpu.memory_space<vmem>>, %arg6: memref<128x64xf32, #tpu.memory_space<vmem>>, %arg7: memref<128x10240xf32, #tpu.memory_space<vmem>>) attributes {dimension_semantics = [], scalar_prefetch = 0 : i64, scratch_operands = 0 : i64, tpu.core_type = #tpu.core_type<tc>} {
    %get3A = arith.constant 0 : index
    %get3A_0 = arith.constant 0 : index
    %get3A_1 = vector.load %arg2[%get3A, %get3A_0] : memref<1x10240xf32, #tpu.memory_space<vmem>>, vector<1x10240xf32>
    %get3A_2 = arith.constant 0 : index
    %get3A_3 = arith.constant 0 : index
    %get3A_4 = arith.constant 0 : index
    %get3A_5 = vector.load %arg0[%get3A_2, %get3A_3, %get3A_4] : memref<2x64x10240xf32, #tpu.memory_space<vmem>>, vector<1x64x10240xf32>
    %get3A_6 = vector.shape_cast %get3A_5 : vector<1x64x10240xf32> to vector<64x10240xf32>
    %get3A_7 = arith.constant 1 : index
    %get3A_8 = arith.constant 0 : index
    %get3A_9 = arith.constant 0 : index
    %get3A_10 = vector.load %arg0[%get3A_7, %get3A_8, %get3A_9] : memref<2x64x10240xf32, #tpu.memory_space<vmem>>, vector<1x64x10240xf32>
    %get3A_11 = vector.shape_cast %get3A_10 : vector<1x64x10240xf32> to vector<64x10240xf32>
    %add3A = arith.addf %get3A_6, %get3A_11 : vector<64x10240xf32>
    %get3A_12 = arith.constant 0 : index
    %get3A_13 = arith.constant 0 : index
    %get3A_14 = vector.load %arg1[%get3A_12, %get3A_13] : memref<64x10240xf32, #tpu.memory_space<vmem>>, vector<64x10240xf32>
    %sub3A = arith.subf %add3A, %get3A_14 : vector<64x10240xf32>
    %mul3A = vector.broadcast %get3A_1 : vector<1x10240xf32> to vector<64x10240xf32>
    %mul3A_15 = arith.mulf %mul3A, %sub3A : vector<64x10240xf32>
    %get3A_16 = arith.constant 0 : index
    %get3A_17 = arith.constant 0 : index
    %get3A_18 = vector.load %arg3[%get3A_16, %get3A_17] : memref<64x1xf32, #tpu.memory_space<vmem>>, vector<64x1xf32>
    %add3A_19 = vector.broadcast %get3A_18 : vector<64x1xf32> to vector<64x10240xf32>
    %add3A_20 = arith.addf %mul3A_15, %add3A_19 : vector<64x10240xf32>
    %iota3A = tpu.iota {dimensions = array<i32: 1>} : vector<64x10240xi32>
    %lt3A = arith.constant 10000 : i32
    %lt3A_21 = vector.broadcast %lt3A : i32 to vector<64x10240xi32>
    %lt3A_22 = arith.cmpi slt, %iota3A, %lt3A_21 : vector<64x10240xi32>
    %jit3A = arith.constant 0.000000e+00 : f32
    %broadcast_in_dim3A = vector.broadcast %jit3A : f32 to vector<64x10240xf32>
    %select_n3A = arith.select %lt3A_22, %add3A_20, %broadcast_in_dim3A : vector<64x10240xi1>, vector<64x10240xf32>
    %reduce_sum3A = arith.constant dense<0.000000e+00> : vector<64xf32>
    %reduce_sum3A_23 = vector.multi_reduction <add>, %select_n3A, %reduce_sum3A [1] : vector<64x10240xf32> to vector<64xf32>
    %broadcast_in_dim3A_24 = vector.shape_cast %reduce_sum3A_23 : vector<64xf32> to vector<64x1xf32>
    %div3A = arith.constant 1.000000e+04 : f32
    %div3A_25 = vector.broadcast %div3A : f32 to vector<64x1xf32>
    %div3A_26 = arith.divf %broadcast_in_dim3A_24, %div3A_25 : vector<64x1xf32>
    %mul3A_27 = arith.mulf %select_n3A, %select_n3A : vector<64x10240xf32>
    %reduce_sum3A_28 = arith.constant dense<0.000000e+00> : vector<64xf32>
    %reduce_sum3A_29 = vector.multi_reduction <add>, %mul3A_27, %reduce_sum3A_28 [1] : vector<64x10240xf32> to vector<64xf32>
    %broadcast_in_dim3A_30 = vector.shape_cast %reduce_sum3A_29 : vector<64xf32> to vector<64x1xf32>
    %div3A_31 = arith.constant 1.000000e+04 : f32
    %div3A_32 = vector.broadcast %div3A_31 : f32 to vector<64x1xf32>
    %div3A_33 = arith.divf %broadcast_in_dim3A_30, %div3A_32 : vector<64x1xf32>
    %mul3A_34 = arith.mulf %div3A_26, %div3A_26 : vector<64x1xf32>
    %sub3A_35 = arith.subf %div3A_33, %mul3A_34 : vector<64x1xf32>
    %get3A_36 = arith.constant 0 : index
    %get3A_37 = arith.constant 0 : index
    %get3A_38 = vector.load %arg4[%get3A_36, %get3A_37] : memref<64x1xf32, #tpu.memory_space<vmem>>, vector<64x1xf32>
    %sub3A_39 = vector.broadcast %div3A_26 : vector<64x1xf32> to vector<64x10240xf32>
    %sub3A_40 = arith.subf %add3A_20, %sub3A_39 : vector<64x10240xf32>
    %mul3A_41 = vector.broadcast %get3A_38 : vector<64x1xf32> to vector<64x10240xf32>
    %mul3A_42 = arith.mulf %mul3A_41, %sub3A_40 : vector<64x10240xf32>
    %add3A_43 = arith.constant 9.99999974E-6 : f32
    %add3A_44 = vector.broadcast %add3A_43 : f32 to vector<64x1xf32>
    %add3A_45 = arith.addf %sub3A_35, %add3A_44 : vector<64x1xf32>
    %rsqrt3A = math.rsqrt %add3A_45 : vector<64x1xf32>
    %mul3A_46 = vector.broadcast %rsqrt3A : vector<64x1xf32> to vector<64x10240xf32>
    %mul3A_47 = arith.mulf %mul3A_42, %mul3A_46 : vector<64x10240xf32>
    %get3A_48 = arith.constant 0 : index
    %get3A_49 = arith.constant 0 : index
    %get3A_50 = vector.load %arg5[%get3A_48, %get3A_49] : memref<64x1xf32, #tpu.memory_space<vmem>>, vector<64x1xf32>
    %add3A_51 = vector.broadcast %get3A_50 : vector<64x1xf32> to vector<64x10240xf32>
    %add3A_52 = arith.addf %mul3A_47, %add3A_51 : vector<64x10240xf32>
    %max3A = arith.constant 0.000000e+00 : f32
    %max3A_53 = vector.broadcast %max3A : f32 to vector<64x10240xf32>
    %max3A_54 = arith.maximumf %add3A_52, %max3A_53 : vector<64x10240xf32>
    %jit3A_55 = arith.constant 0.000000e+00 : f32
    %broadcast_in_dim3A_56 = vector.broadcast %jit3A_55 : f32 to vector<64x10240xf32>
    %select_n3A_57 = arith.select %lt3A_22, %max3A_54, %broadcast_in_dim3A_56 : vector<64x10240xi1>, vector<64x10240xf32>
    %get3A_58 = arith.constant 0 : index
    %get3A_59 = arith.constant 0 : index
    %get3A_60 = vector.load %arg6[%get3A_58, %get3A_59] : memref<128x64xf32, #tpu.memory_space<vmem>>, vector<128x64xf32>
    %dot_general3A = arith.constant dense<0.000000e+00> : vector<128x10240xf32>
    %dot_general3A_61 = tpu.matmul %get3A_60, %select_n3A_57, %dot_general3A {dimension_numbers = #tpu.dot_dimension_numbers<[1], [0], [0], [1], [0, 0, 1, 1], [], []>, transpose_lhs_hint = false} : vector<128x64xf32>, vector<64x10240xf32>, vector<128x10240xf32> -> vector<128x10240xf32>
    %mul3A_62 = vector.broadcast %get3A_1 : vector<1x10240xf32> to vector<128x10240xf32>
    %mul3A_63 = arith.mulf %dot_general3A_61, %mul3A_62 : vector<128x10240xf32>
    %swap3A = arith.constant 0 : index
    %swap3A_64 = arith.constant 0 : index
    %swap3A_65 = vector.load %arg7[%swap3A, %swap3A_64] : memref<128x10240xf32, #tpu.memory_space<vmem>>, vector<128x10240xf32>
    tpu.vector_store %arg7[%swap3A, %swap3A_64], %mul3A_63 {strides = array<i32>} : memref<128x10240xf32, #tpu.memory_space<vmem>>, vector<128x10240xf32>,
    return
  }
}

module attributes {stable_mosaic.version = 14 : i64} {
  func.func @_final_body(%arg0: memref<128x10240xf32, #tpu.memory_space<vmem>>, %arg1: memref<1x10240xf32, #tpu.memory_space<vmem>>, %arg2: memref<128x1xf32, #tpu.memory_space<vmem>>, %arg3: memref<10240x1xi32, #tpu.memory_space<vmem>>, %arg4: memref<128x16xf32, #tpu.memory_space<vmem>>) attributes {dimension_semantics = [], scalar_prefetch = 0 : i64, scratch_operands = 0 : i64, tpu.core_type = #tpu.core_type<tc>} {
    %get3A = arith.constant 0 : index
    %get3A_0 = arith.constant 0 : index
    %get3A_1 = vector.load %arg1[%get3A, %get3A_0] : memref<1x10240xf32, #tpu.memory_space<vmem>>, vector<1x10240xf32>
    %get3A_2 = arith.constant 0 : index
    %get3A_3 = arith.constant 0 : index
    %get3A_4 = vector.load %arg0[%get3A_2, %get3A_3] : memref<128x10240xf32, #tpu.memory_space<vmem>>, vector<128x10240xf32>
    %mul3A = vector.broadcast %get3A_1 : vector<1x10240xf32> to vector<128x10240xf32>
    %mul3A_5 = arith.mulf %mul3A, %get3A_4 : vector<128x10240xf32>
    %get3A_6 = arith.constant 0 : index
    %get3A_7 = arith.constant 0 : index
    %get3A_8 = vector.load %arg2[%get3A_6, %get3A_7] : memref<128x1xf32, #tpu.memory_space<vmem>>, vector<128x1xf32>
    %add3A = vector.broadcast %get3A_8 : vector<128x1xf32> to vector<128x10240xf32>
    %add3A_9 = arith.addf %mul3A_5, %add3A : vector<128x10240xf32>
    %iota3A = tpu.iota {dimensions = array<i32: 1>} : vector<10240x16xi32>
    %get3A_10 = arith.constant 0 : index
    %get3A_11 = arith.constant 0 : index
    %get3A_12 = vector.load %arg3[%get3A_10, %get3A_11] : memref<10240x1xi32, #tpu.memory_space<vmem>>, vector<10240x1xi32>
    %eq3A = vector.broadcast %get3A_12 : vector<10240x1xi32> to vector<10240x16xi32>
    %eq3A_13 = arith.cmpi eq, %eq3A, %iota3A : vector<10240x16xi32>
    %convert_element_type3A = arith.extui %eq3A_13 : vector<10240x16xi1> to vector<10240x16xi32>
    %convert_element_type3A_14 = arith.sitofp %convert_element_type3A : vector<10240x16xi32> to vector<10240x16xf32>
    %reduce_sum3A = arith.constant dense<0.000000e+00> : vector<16xf32>
    %reduce_sum3A_15 = vector.multi_reduction <add>, %convert_element_type3A_14, %reduce_sum3A [0] : vector<10240x16xf32> to vector<16xf32>
    %broadcast_in_dim3A = vector.shape_cast %reduce_sum3A_15 : vector<16xf32> to vector<1x16xf32>
    %max3A = arith.constant 1.000000e+00 : f32
    %max3A_16 = vector.broadcast %max3A : f32 to vector<1x16xf32>
    %max3A_17 = arith.maximumf %broadcast_in_dim3A, %max3A_16 : vector<1x16xf32>
    %dot_general3A = arith.constant dense<0.000000e+00> : vector<128x16xf32>
    %dot_general3A_18 = tpu.matmul %add3A_9, %convert_element_type3A_14, %dot_general3A {dimension_numbers = #tpu.dot_dimension_numbers<[1], [0], [0], [1], [0, 0, 1, 1], [], []>, transpose_lhs_hint = false} : vector<128x10240xf32>, vector<10240x16xf32>, vector<128x16xf32> -> vector<128x16xf32>
    %div3A = vector.broadcast %max3A_17 : vector<1x16xf32> to vector<128x16xf32>
    %div3A_19 = arith.divf %dot_general3A_18, %div3A : vector<128x16xf32>
    %neg3A = arith.constant 0.000000e+00 : f32
    %neg3A_20 = vector.broadcast %neg3A : f32 to vector<128x16xf32>
    %neg3A_21 = arith.subf %neg3A_20, %div3A_19 : vector<128x16xf32>
    %exp3A = math.exp %neg3A_21 : vector<128x16xf32>
    %add3A_22 = arith.constant 1.000000e+00 : f32
    %add3A_23 = vector.broadcast %add3A_22 : f32 to vector<128x16xf32>
    %add3A_24 = arith.addf %add3A_23, %exp3A : vector<128x16xf32>
    %div3A_25 = arith.constant 1.000000e+00 : f32
    %div3A_26 = vector.broadcast %div3A_25 : f32 to vector<128x16xf32>
    %div3A_27 = arith.divf %div3A_26, %add3A_24 : vector<128x16xf32>
    %swap3A = arith.constant 0 : index
    %swap3A_28 = arith.constant 0 : index
    %swap3A_29 = vector.load %arg4[%swap3A, %swap3A_28] : memref<128x16xf32, #tpu.memory_space<vmem>>, vector<128x16xf32>
    tpu.vector_store %arg4[%swap3A, %swap3A_28], %div3A_27 {strides = array<i32>} : memref<128x16xf32, #tpu.memory_space<vmem>>, vector<128x16xf32>,
    return
  }
}

</mosaic_0001>

<sc_bundles>
// kernel: kernel.10.cloned.1.call-start
scs
__scs_entry_jumppad:
0x0: {  	(pc) =	sbr.rel $0x88, $3  }
0x1: {  	(tag) =	ssettag $0x0;
	lr =	simm.s32 $0x1  }
0x2: {  	[smem:$0x3F94] =	sst lr;
	_ =	strace $0xD0000000  }
0x3: {  	_ = 	snop  }
0x4: {  	_ = 	snop  }
0x5: {  	_ = 	snop  }
0x6: {  	_ = 	snop  }
0x7: {  	_ = 	snop  }
__scs_overlays_trampoline_lowered:
0x8: {  	[smem:$0x3FA3] =	sst s0  }
0x9: {  	[smem:$0x3FA4] =	sst s1  }
0xa: {  	[smem:$0x3FA5] =	sst s2  }
0xb: {  	[smem:$0x3FA6] =	sst s3  }
0xc: {  	[smem:$0x3FA7] =	sst s4  }
0xd: {  	[smem:$0x3FA8] =	sst s5  }
0xe: {  	[smem:$0x3FA9] =	sst s6  }
0xf: {  	[smem:$0x3FAA] =	sst s7  }
0x10: {  	[smem:$0x3FAB] =	sst s8  }
0x11: {  	[smem:$0x3FAC] =	sst s9;
	s0 =	simm.s32 @!p0 $0x0  }
0x12: {  	s1 =	sld [smem:$0x3F92];
	s0 =	simm.s32 @p0 $0x1  }
0x13: {  	[smem:$0x3FAD] =	sst s0;
	s0 =	simm.s32 @!p1 $0x0  }
0x14: {  	s2 =	sld [smem:$0x3F91];
	s0 =	simm.s32 @p1 $0x1  }
0x15: {  	[smem:$0x3FAE] =	sst s0;
	s0 =	simm.s32 @!p2 $0x0  }
0x16: {  	s3 =	sld [smem:$0x3FDB];
	s0 =	simm.s32 @p2 $0x1  }
0x17: {  	s4 =	simm.s32 $0x1BF5;
	[smem:$0x3FB0] =	sst s0  }
0x18: {  	s0 =	sld [smem:$0x3F93];
	_ =	swait.ge [sflag:s4], $0x0  }
0x19: {  	s7 =	sld [smem:$0x3F94]  }
0x1a: {  	s8 =	sadd.s32 $0xFFFFE003, lr  }
0x1b: {  	s9 =	sadd.s32 $0xFFFFFEF7, lr;
	s5 =	simm.s32 $0xFFFFFFFF;
	p2 =	slt.u32 s8, $0xFFFFF086  }
0x1c: {  	p1 =	slt.u32 s9, $0xF7A;
	s5 =	simm.s32 @!p2 $0x0  }
0x1d: {  	s5 =	simm.s32 @p1 $0x1;
	p0 =	seq.s32 s7, s2  }
0x1e: {  	s7 =	smul.u32 @!p0 $0xF7A, s2;
	p2 =	seq.s32 @!p0 s5, $0x0  }
0x1f: {  	s9 =	smul.u32 $0xF7A, s1;
	s8 =	simm.s32 @!p0 $0x1BF5;
	p2 =	por !p2, p0  }
0x20: {  	[sflag:s8] =	ssyncset.s32 @!p0 $0xFFFFF086;
	s6 =	sadd.s32 @!p0 s3, s7;
	s7 =	simm.s32 @!p0 $0x108  }
0x21: {  	s3 =	sadd.s32 s3, s9;
	s6 =	sadd.s32 @!p0 $0x88, s6;
	s7 =	simm.s32 @p2 $0x1082  }
0x22: {  	[simem:s7], [sflag:s8] =	dma.local @!p0 [hbm:s6], $0xF7A  }
0x23: {  	s9 =	sor.u32 $0xD0000000, s2;
	s6 =	simm.s32 $0x108;
	_ =	swait.ge @!p0 [sflag:s8], $0x0  }
0x24: {  	s3 =	sadd.s32 $0x88, s3;
	s6 =	simm.s32 @!p1 $0x1082;
	[sflag:s4] =	ssyncset.s32 $0xFFFFF086  }
0x25: {  	[simem:s6], [sflag:s4] =	dma.local [hbm:s3], $0xF7A  }
0x26: {  	[smem:$0x3F94] =	sst s1;
	(tag) =	ssettag s2;
	_ =	strace s9  }
0x27: {  	s1 =	sld [smem:$0x3FA4]  }
0x28: {  	s2 =	sld [smem:$0x3FA5]  }
0x29: {  	s4 =	sld [smem:$0x3FA7]  }
0x2a: {  	p0 =	seq.s32 s5, $0x0;
	s5 =	sld [smem:$0x3FA8]  }
0x2b: {  	s6 =	sld [smem:$0x3FA9]  }
0x2c: {  	s7 =	sld [smem:$0x3FAA]  }
0x2d: {  	s3 =	simm.s32 $0x108;
	s8 =	sld [smem:$0x3FAB]  }
0x2e: {  	s3 =	simm.s32 @!p0 $0x1082;
	s9 =	sld [smem:$0x3FAC]  }
0x2f: {  	lr =	sadd.s32 s0, s3;
	s0 =	sld [smem:$0x3FA3]  }
0x30: {  	s3 =	sld [smem:$0x3FA6]  }
0x31: {  	[smem:$0x3FAF] =	sst s10  }
0x32: {  	s10 =	sld [smem:$0x3FAD];
	_ =	sdelay $0x3  }
0x33: {  	p0 =	seq.s32 s10, $0x1;
	s10 =	sld [smem:$0x3FAF];
	_ =	sdelay $0x3  }
0x34: {  	[smem:$0x3FAF] =	sst s10  }
0x35: {  	s10 =	sld [smem:$0x3FAE];
	_ =	sdelay $0x3  }
0x36: {  	p1 =	seq.s32 s10, $0x1;
	s10 =	sld [smem:$0x3FAF];
	_ =	sdelay $0x3  }
0x37: {  	[smem:$0x3FAF] =	sst s10  }
0x38: {  	s10 =	sld [smem:$0x3FB0]  }
0x39: {  	_ = 	snop;
	(pc) =	sbr.ind lr, $3  }
0x3a: {  	_ = 	snop  }
0x3b: {  	_ = 	snop  }
0x3c: {  	p2 =	seq.s32 s10, $0x1;
	s10 =	sld [smem:$0x3FAF]  }
0x3d: {  	_ =	shalt  }
0x3e: {  	_ =	shalt  }
0x3f: {  	_ =	shalt  }
0x40: {  	_ =	shalt  }
0x41: {  	_ =	shalt  }
0x42: {  	_ =	shalt  }
0x43: {  	_ =	shalt  }
0x44: {  	_ =	shalt  }
0x45: {  	_ =	shalt  }
0x46: {  	_ =	shalt  }
0x47: {  	_ =	shalt  }
0x48: {  	_ =	shalt  }
0x49: {  	_ =	shalt  }
0x4a: {  	_ =	shalt  }
0x4b: {  	_ =	shalt  }
0x4c: {  	_ =	shalt  }
0x4d: {  	_ =	shalt  }
0x4e: {  	_ =	shalt  }
0x4f: {  	_ =	shalt  }
0x50: {  	_ =	shalt  }
0x51: {  	_ =	shalt  }
0x52: {  	_ =	shalt  }
0x53: {  	_ =	shalt  }
0x54: {  	_ =	shalt  }
0x55: {  	_ =	shalt  }
0x56: {  	_ =	shalt  }
0x57: {  	_ =	shalt  }
0x58: {  	_ =	shalt  }
0x59: {  	_ =	shalt  }
0x5a: {  	_ =	shalt  }
0x5b: {  	_ =	shalt  }
0x5c: {  	_ =	shalt  }
0x5d: {  	_ =	shalt  }
0x5e: {  	_ =	shalt  }
0x5f: {  	_ =	shalt  }
0x60: {  	_ =	shalt  }
0x61: {  	_ =	shalt  }
0x62: {  	_ =	shalt  }
0x63: {  	_ =	shalt  }
0x64: {  	_ =	shalt  }
0x65: {  	_ =	shalt  }
0x66: {  	_ =	shalt  }
0x67: {  	_ =	shalt  }
0x68: {  	_ =	shalt  }
0x69: {  	_ =	shalt  }
0x6a: {  	_ =	shalt  }
0x6b: {  	_ =	shalt  }
0x6c: {  	_ =	shalt  }
0x6d: {  	_ =	shalt  }
0x6e: {  	_ =	shalt  }
0x6f: {  	_ =	shalt  }
0x70: {  	_ =	shalt  }
0x71: {  	_ =	shalt  }
0x72: {  	_ =	shalt  }
0x73: {  	_ =	shalt  }
0x74: {  	_ =	shalt  }
0x75: {  	_ =	shalt  }
0x76: {  	_ =	shalt  }
0x77: {  	_ =	shalt  }
0x78: {  	_ =	shalt  }
0x79: {  	_ =	shalt  }
0x7a: {  	_ =	shalt  }
0x7b: {  	_ =	shalt  }
0x7c: {  	_ =	shalt  }
0x7d: {  	_ =	shalt  }
0x7e: {  	_ =	shalt  }
0x7f: {  	_ =	shalt  }
0x80: {  	_ =	shalt  }
0x81: {  	_ =	shalt  }
0x82: {  	_ =	shalt  }
0x83: {  	_ =	shalt  }
0x84: {  	_ =	shalt  }
0x85: {  	_ =	shalt  }
0x86: {  	_ =	shalt  }
0x87: {  	_ =	shalt  }
.Lfunc_end0:
.L_simem_size_0:
called_computation_lowered:
.L_overlay_start_0:
0x88: {  	s2 =	sld [smem:$0x3FD9]  }
0x89: {  	s3 =	sld [smem:$0x3FFE];
	_ =	sdelay $0x1  }
0x8a: {  	s1 =	srdreg.scid  }
0x8b: {  	s0 =	sand.u32 $0x1, s1  }
0x8c: {  	s16 =	sshll.u32 s0, $0xA;
	s2 =	sadd.s32 s3, s2  }
0x8d: {  	s2 =	sadd.s32 s2, s16  }
0x8e: {  	[smem:$0x3FBB] =	sst s2  }
0x8f: {  	_ = 	snop  }
0x90: {  	(tm) =	ssettm $0x1  }
0x91: {  	s17 =	sld [smem:$0x3FFB];
	_ =	sdelay $0x3  }
0x92: {  	_ =	strace s17  }
0x93: {  	s2 =	sld [smem:$0x3FFC];
	_ =	sdelay $0x3  }
0x94: {  	_ =	strace s2  }
0x95: {  	s2 =	sld [smem:$0x3FFD];
	_ =	sdelay $0x3  }
0x96: {  	_ =	strace s2  }
0x97: {  	_ =	strace $0x8FFFFFFF  }
0x98: {  	s18 =	sld [smem:$0x3FDB];
	_ =	sdelay $0x1  }
0x99: {  	s19 =	simm.s32 $_scs_section_size  }
0x9a: {  	s4 =	simm.s32 $_size__tile_overlayer_lowered;
	s5 =	simm.s32 $_tile_overlayer_lowered  }
0x9b: {  	s22 =	simm.s32 $0x1BFF;
	s21 =	sshll.u32 s5, $0x1;
	s2 =	sadd.s32 s19, s18  }
0x9c: {  	s6 =	simm.s32 $0x0;
	s20 =	sshll.u32 s4, $0x1;
	s4 =	sadd.s32 s21, s2  }
0x9d: {  	[timem:s6], [sflag:s22] =	dma.local [hbm:s4], s20  }
0x9e: {  	_ =	swait.ge [sflag:s22], s20  }
0x9f: {  	s3 =	ssub.s32 $0x0, s20;
	[sflag:s22] =	ssyncset.done $0x0  }
0xa0: {  	[sflag:s22] =	ssyncadd.s32 s3;
	_ =	sdelay $0x1  }
0xa1: {  	s23 =	simm.s32 $0x1B8B  }
0xa2: {  	_ =	swait.ge [sflag:s23], $0x1  }
0xa3: {  	[sflag:s23] =	ssyncset.done $0x0  }
0xa4: {  	s25 =	simm.s32 $0x1B8E;
	s24 =	sld [smem:$0x3FFE];
	[sflag:s23] =	ssyncadd.s32 $0xFFFFFFFF  }
0xa5: {  	s26 =	simm.s32 $execute0_lowered;
	[smem:$0x3FD2] =	sst s25  }
0xa6: {  	s4 =	sshll.u32 s26, $0x1;
	_ =	strace $0x80000046;
	[dreg:$0x1] =	wrdreg $0xFFFFFFFF  }
0xa7: {  	s28 =	simm.s32 $_size_execute0_lowered;
	s2 =	sadd.s32 s2, s4;
	[dreg:$0x0] =	wrdreg $0x0  }
0xa8: {  	s4 =	sshll.u32 s28, $0x1;
	[dreg:$0x2] =	wrdreg s2  }
0xa9: {  	[dreg:$0x3] =	wrdreg s4  }
0xaa: {  	[dreg:$0x4] =	wrdreg $0xC0  }
0xab: {  	_ =	task [dreg:s6], $0x5FFFF  }
0xac: {  	[dreg:$0x1] =	wrdreg $0xFFFFFFFF  }
0xad: {  	[dreg:$0x0] =	wrdreg $0x60  }
0xae: {  	[dreg:$0x2] =	wrdreg s24  }
0xaf: {  	[dreg:$0x3] =	wrdreg $0x2B000  }
0xb0: {  	[dreg:$0x4] =	wrdreg $0x9  }
0xb1: {  	_ =	task.clear_ibuf [dreg:s6], $0x5FFFF;
	_ =	strace $0x90000046  }
0xb2: {  	s29 =	simm.s32 $0x9;
	_ =	strace $0x80000048  }
0xb3: {  	_ =	swait.ge [sflag:s29], $0x1  }
0xb4: {  	[sflag:s29] =	ssyncadd.s32 $0xFFFFFFFF  }
0xb5: {  	_ =	strace $0x90000048  }
0xb6: {  	_ =	sfence  }
0xb7: {  	s30 =	sld [smem:$0x0];
	_ =	sdelay $0x2  }
0xb8: {  	s31 =	sshll.u32 s1, $0xD;
	s1 =	sshrl.u32 s1, $0x2  }
0xb9: {  	s3 =	sand.u32 $0x4000, s31;
	s1 =	sadd.s32 s1, s30  }
0xba: {  	s0 =	sor.u32 s3, s0;
	s1 =	sshll.u32 s1, $0x11  }
0xbb: {  	s0 =	sor.u32 s1, s0  }
0xbc: {  	s0 =	sadd.s32 $0x8F2B, s0  }
0xbd: {  	[sflag:s0] =	ssyncadd.remote.s32 $0x1  }
0xbe: {  	_ =	sfence.sel $0xFFFF  }
0xbf: {  	[dreg:$0x0] =	wrdreg $0xFFFFFFFF;
	(pc) =	sbr.abs _section_cstart, $3  }
0xc0: {  	[dreg:$0x1] =	wrdreg $0xFFFFFFFF  }
0xc1: {  	_ =	task.clear_ibuf [dreg:s6], $0x2FFFF;
	_ =	strace $0x9FFFFFFF  }
0xc2: {  	(tm) =	ssettm $0x7FFFFFFF  }
0xc3: {  	_ =	shalt  }
tec
execute0_lowered:
.L_overlay_start_1:
0x0: {  	(tag) =	ssettag $0x1  }
0x1: {  	s4 =	rddreg [dreg:$0x0]  }
0x2: {  	s2 =	rddreg [dreg:$0x1];
	s3 =	srdreg.scid  }
0x3: {  	s1 =	stileid.u32;
	s0 =	rddreg [dreg:$0x2];
	s10 =	simm.s32 $0x80  }
0x4: {  	s11 =	simm.s32 $0x2A80;
	s14 =	simm.s32 $0x0;
	s5 =	sand.u32 $0x1, s3  }
0x5: {  	s6 =	smul.u32 $0x280, s1;
	s3 =	simm.s32 $0x0;
	s12 =	sshll.u32 s1, $0x6  }
0x6: {  	s7 =	sshll.u32 s5, $0x4;
	s8 =	smul.u32 $0x2800, s5;
	[smem:$0x7FF] =	sst s3  }
0x7: {  	s5 =	ssub.s32 $0x2, s5;
	s12 =	sor.u32 $0x1C01, s12;
	s7 =	sor.u32 s1, s7  }
0x8: {  	s9 =	sshrl.u32 s5, $0x1;
	s7 =	smul.u32 $0x500, s7;
	s8 =	sadd.s32 s6, s8  }
0x9: {  	_ =	strace $0x80000047;
	s9 =	ssub.s32 s5, s9;
	s8 =	sshrl.u32 s8, $0x3  }
0xa: {  	s7 =	sadd.s32 s7, s4;
	s8 =	sadd.s32 s8, s4;
	s4 =	sadd.s32 s6, s2  }
0xb: {  	s5 =	sadd.s32 $0x2400, s7;
	s6 =	sadd.s32 $0xC400, s8;
	s7 =	smax.u32 s9, $0x1  }
0xc: {  	v0 =	vimm.f32 $0.0e+00;
	v1 =	vimm.f32 $1.000000000e+00;
	s8 =	simm.s32 $0x2800;
	s9 =	simm.s32 $0x1;
	s13 =	sshrl.u32 s4, $0x3  }
.LBB2_1:
0xd: {  	[tilespmem:$0x2800] =	vst v0  }
0xe: {  	[tilespmem:$0x2810] =	vst v0  }
0xf: {  	[tilespmem:$0x2820] =	vst v0  }
0x10: {  	[tilespmem:$0x2830] =	vst v0  }
0x11: {  	[tilespmem:$0x2840] =	vst v0  }
0x12: {  	[tilespmem:$0x2850] =	vst v0  }
0x13: {  	[tilespmem:$0x2860] =	vst v0  }
0x14: {  	[tilespmem:$0x2870] =	vst v0  }
0x15: {  	[tilespmem:$0x2880] =	vst v0  }
0x16: {  	[tilespmem:$0x2890] =	vst v0  }
0x17: {  	[tilespmem:$0x28A0] =	vst v0  }
0x18: {  	[tilespmem:$0x28B0] =	vst v0  }
0x19: {  	[tilespmem:$0x28C0] =	vst v0  }
0x1a: {  	[tilespmem:$0x28D0] =	vst v0  }
0x1b: {  	[tilespmem:$0x28E0] =	vst v0  }
0x1c: {  	[tilespmem:$0x28F0] =	vst v0  }
0x1d: {  	[tilespmem:$0x2900] =	vst v0  }
0x1e: {  	[tilespmem:$0x2910] =	vst v0  }
0x1f: {  	[tilespmem:$0x2920] =	vst v0  }
0x20: {  	[tilespmem:$0x2930] =	vst v0  }
0x21: {  	[tilespmem:$0x2940] =	vst v0  }
0x22: {  	[tilespmem:$0x2950] =	vst v0  }
0x23: {  	[tilespmem:$0x2960] =	vst v0  }
0x24: {  	[tilespmem:$0x2970] =	vst v0  }
0x25: {  	[tilespmem:$0x2980] =	vst v0  }
0x26: {  	[tilespmem:$0x2990] =	vst v0  }
0x27: {  	[tilespmem:$0x29A0] =	vst v0  }
0x28: {  	[tilespmem:$0x29B0] =	vst v0  }
0x29: {  	[tilespmem:$0x29C0] =	vst v0  }
0x2a: {  	[tilespmem:$0x29D0] =	vst v0  }
0x2b: {  	[tilespmem:$0x29E0] =	vst v0  }
0x2c: {  	[tilespmem:$0x29F0] =	vst v0  }
0x2d: {  	[tilespmem:$0x2A00] =	vst v0  }
0x2e: {  	[tilespmem:$0x2A10] =	vst v0  }
0x2f: {  	[tilespmem:$0x2A20] =	vst v0  }
0x30: {  	[tilespmem:$0x2A30] =	vst v0  }
0x31: {  	[tilespmem:$0x2A40] =	vst v0  }
0x32: {  	[tilespmem:$0x2A50] =	vst v0  }
0x33: {  	[tilespmem:$0x2A60] =	vst v0  }
0x34: {  	[tilespmem:$0x2A70] =	vst v0  }
0x35: {  	[tilespmem:$0x2A80] =	vst v1  }
0x36: {  	[tilespmem:$0x2A90] =	vst v1  }
0x37: {  	[tilespmem:$0x2AA0] =	vst v1  }
0x38: {  	[tilespmem:$0x2AB0] =	vst v1  }
0x39: {  	[tilespmem:$0x2AC0] =	vst v1  }
0x3a: {  	[tilespmem:$0x2AD0] =	vst v1  }
0x3b: {  	[tilespmem:$0x2AE0] =	vst v1  }
0x3c: {  	[tilespmem:$0x2AF0] =	vst v1  }
0x3d: {  	[spmem:s4] =	stream.linear.scatter [tilespmem:s8], [sflag:$0x1], $0x280, $0x38;
	[tilespmem:$0x2D80] =	vst v63  }
0x3e: {  	_ =	swait.ge [sflag:s9], $0x280  }
0x3f: {  	[sflag:s9] =	ssyncset.done $0x0  }
0x40: {  	[sflag:s9] =	ssyncadd.s32 $0xFFFFFD80  }
0x41: {  	[tilespmem:s3], [sflag:$0x1] =	stream.linear.gather [hbm4b:s5+s3], $0x2800, $0x38;
	[tilespmem:$0x2D80] =	vst v63  }
0x42: {  	_ =	swait.ge [sflag:s9], $0x2800  }
0x43: {  	[sflag:s9] =	ssyncset.done $0x0  }
0x44: {  	[sflag:s9] =	ssyncadd.s32 $0xFFFFD800  }
0x45: {  	s15 =	simm.s32 $0x0;
	[bflag:$0x0] =	sbarrier.arrive $0xFFFF  }
0x46: {  	[spmem:s2] =	stream.indirect.scatter.add.f32 [tilespmem:s11], [sflag:$0x1], $0x1, s15, s10, $0xb8;
	[tilespmem:$0x2D80] =	vst v63  }
0x47: {  	_ =	swait.ge [sflag:s9], $0x80  }
0x48: {  	s15 =	simm.s32 $0x200;
	[sflag:s9] =	ssyncset.done $0x0  }
.LBB2_2:
0x49: {  	s16 =	sshra.s32 s15, $0x2;
	[sflag:s9] =	ssyncadd.s32 $0xFFFFFF80;
	p0 =	sne.s32 s15, $0x9E00  }
0x4a: {  	[spmem:s2] =	stream.indirect.scatter.add.f32 [tilespmem:s11], [sflag:$0x1], $0x1, s16, s10, $0xb8;
	[tilespmem:$0x2D80] =	vst v63  }
.Ltmp0:
0x4b: {  	_ = 	snop;
	(pc) =	sbr.rel @p0 .LBB2_2-.Ltmp0, $4  }
0x4c: {  	_ = 	snop  }
0x4d: {  	s15 =	sadd.s32 $0x200, s15  }
0x4e: {  	_ =	swait.ge [sflag:s9], $0x80  }
0x4f: {  	[sflag:s9] =	ssyncset.done $0x0  }
0x50: {  	s14 =	sadd.s32 $0x1, s14  }
0x51: {  	[sflag:s9] =	ssyncadd.s32 $0xFFFFFF80;
	p0 =	sne.s32 s14, s7  }
.Ltmp1:
0x52: {  	[bflag:$0x0] =	sbarrier.arrive $0xFFFF;
	(pc) =	sbr.rel @p0 .LBB2_1-.Ltmp1, $4  }
0x53: {  	[hbm:s6], [sflag:s12] =	dma.local [spmem:s13], $0x50  }
0x54: {  	_ =	swait.ge [sflag:s9], $0x50  }
0x55: {  	[sflag:s9] =	ssyncset.done $0x0  }
0x56: {  	[sflag:s9] =	ssyncadd.s32 $0xFFFFFFB0  }
0x57: {  	_ =	sfence.sel $0x180000  }
0x58: {  	[bflag:$0x0] =	sbarrier.arrive $0xFFFF  }
0x59: {  	p0 =	sne.s32 s1, $0x0;
	_ =	strace $0x90000047  }
0x5a: {  	s0 =	sadd.s32 @!p0 $0x100000, s0;
	[bflag:$0x2] =	sbarrier.arrive $0xFFFF  }
0x5b: {  	[sflag:s0] =	ssyncadd.tile.s32 @!p0 $0x1;
	_ =	shalt  }
.Lfunc_end2:
_tile_overlayer_lowered:
.L_overlay_start_2:
0x5c: {  	(tag) =	ssettag $0x2  }
0x5d: {  	s0 =	rddreg [dreg:$0x0];
	s2 =	stileid.u32  }
0x5e: {  	s1 =	rddreg [dreg:$0x1];
	p0 =	sne.s32 s2, $0x0  }
0x5f: {  	s3 =	rddreg [dreg:$0x2];
	[bflag:$0x3] =	sbarrier.arrive $0xFFFF;
	s2 =	simm.s32 @!p0 $0x1C01  }
0x60: {  	[timem:s3], [sflag:s2] =	dma.local @!p0 [hbm:s0], s1  }
0x61: {  	s0 =	simm.s32 @!p0 $0x1  }
0x62: {  	_ =	swait.ge @!p0 [sflag:s0], s1  }
0x63: {  	s1 =	ssub.s32 @!p0 $0x0, s1;
	[sflag:s0] =	ssyncset.done @!p0 $0x0  }
0x64: {  	[sflag:s0] =	ssyncadd.s32 @!p0 s1  }
0x65: {  	[bflag:$0x3] =	sbarrier.arrive $0xFFFF  }
0x66: {  	_ =	shalt  }

// kernel: kernel.13.cloned.1.call-start
scs
__scs_entry_jumppad:
0x0: {  	(pc) =	sbr.rel $0x88, $3  }
0x1: {  	(tag) =	ssettag $0x0;
	lr =	simm.s32 $0x1  }
0x2: {  	[smem:$0x3F94] =	sst lr;
	_ =	strace $0xD0000000  }
0x3: {  	_ = 	snop  }
0x4: {  	_ = 	snop  }
0x5: {  	_ = 	snop  }
0x6: {  	_ = 	snop  }
0x7: {  	_ = 	snop  }
__scs_overlays_trampoline_lowered:
0x8: {  	[smem:$0x3FA3] =	sst s0  }
0x9: {  	[smem:$0x3FA4] =	sst s1  }
0xa: {  	[smem:$0x3FA5] =	sst s2  }
0xb: {  	[smem:$0x3FA6] =	sst s3  }
0xc: {  	[smem:$0x3FA7] =	sst s4  }
0xd: {  	[smem:$0x3FA8] =	sst s5  }
0xe: {  	[smem:$0x3FA9] =	sst s6  }
0xf: {  	[smem:$0x3FAA] =	sst s7  }
0x10: {  	[smem:$0x3FAB] =	sst s8  }
0x11: {  	[smem:$0x3FAC] =	sst s9;
	s0 =	simm.s32 @!p0 $0x0  }
0x12: {  	s1 =	sld [smem:$0x3F92];
	s0 =	simm.s32 @p0 $0x1  }
0x13: {  	[smem:$0x3FAD] =	sst s0;
	s0 =	simm.s32 @!p1 $0x0  }
0x14: {  	s2 =	sld [smem:$0x3F91];
	s0 =	simm.s32 @p1 $0x1  }
0x15: {  	[smem:$0x3FAE] =	sst s0;
	s0 =	simm.s32 @!p2 $0x0  }
0x16: {  	s3 =	sld [smem:$0x3FDB];
	s0 =	simm.s32 @p2 $0x1  }
0x17: {  	s4 =	simm.s32 $0x1BF5;
	[smem:$0x3FB0] =	sst s0  }
0x18: {  	s0 =	sld [smem:$0x3F93];
	_ =	swait.ge [sflag:s4], $0x0  }
0x19: {  	s7 =	sld [smem:$0x3F94]  }
0x1a: {  	s8 =	sadd.s32 $0xFFFFE003, lr  }
0x1b: {  	s9 =	sadd.s32 $0xFFFFFEF7, lr;
	s5 =	simm.s32 $0xFFFFFFFF;
	p2 =	slt.u32 s8, $0xFFFFF086  }
0x1c: {  	p1 =	slt.u32 s9, $0xF7A;
	s5 =	simm.s32 @!p2 $0x0  }
0x1d: {  	s5 =	simm.s32 @p1 $0x1;
	p0 =	seq.s32 s7, s2  }
0x1e: {  	s7 =	smul.u32 @!p0 $0xF7A, s2;
	p2 =	seq.s32 @!p0 s5, $0x0  }
0x1f: {  	s9 =	smul.u32 $0xF7A, s1;
	s8 =	simm.s32 @!p0 $0x1BF5;
	p2 =	por !p2, p0  }
0x20: {  	[sflag:s8] =	ssyncset.s32 @!p0 $0xFFFFF086;
	s6 =	sadd.s32 @!p0 s3, s7;
	s7 =	simm.s32 @!p0 $0x108  }
0x21: {  	s3 =	sadd.s32 s3, s9;
	s6 =	sadd.s32 @!p0 $0x88, s6;
	s7 =	simm.s32 @p2 $0x1082  }
0x22: {  	[simem:s7], [sflag:s8] =	dma.local @!p0 [hbm:s6], $0xF7A  }
0x23: {  	s9 =	sor.u32 $0xD0000000, s2;
	s6 =	simm.s32 $0x108;
	_ =	swait.ge @!p0 [sflag:s8], $0x0  }
0x24: {  	s3 =	sadd.s32 $0x88, s3;
	s6 =	simm.s32 @!p1 $0x1082;
	[sflag:s4] =	ssyncset.s32 $0xFFFFF086  }
0x25: {  	[simem:s6], [sflag:s4] =	dma.local [hbm:s3], $0xF7A  }
0x26: {  	[smem:$0x3F94] =	sst s1;
	(tag) =	ssettag s2;
	_ =	strace s9  }
0x27: {  	s1 =	sld [smem:$0x3FA4]  }
0x28: {  	s2 =	sld [smem:$0x3FA5]  }
0x29: {  	s4 =	sld [smem:$0x3FA7]  }
0x2a: {  	p0 =	seq.s32 s5, $0x0;
	s5 =	sld [smem:$0x3FA8]  }
0x2b: {  	s6 =	sld [smem:$0x3FA9]  }
0x2c: {  	s7 =	sld [smem:$0x3FAA]  }
0x2d: {  	s3 =	simm.s32 $0x108;
	s8 =	sld [smem:$0x3FAB]  }
0x2e: {  	s3 =	simm.s32 @!p0 $0x1082;
	s9 =	sld [smem:$0x3FAC]  }
0x2f: {  	lr =	sadd.s32 s0, s3;
	s0 =	sld [smem:$0x3FA3]  }
0x30: {  	s3 =	sld [smem:$0x3FA6]  }
0x31: {  	[smem:$0x3FAF] =	sst s10  }
0x32: {  	s10 =	sld [smem:$0x3FAD];
	_ =	sdelay $0x3  }
0x33: {  	p0 =	seq.s32 s10, $0x1;
	s10 =	sld [smem:$0x3FAF];
	_ =	sdelay $0x3  }
0x34: {  	[smem:$0x3FAF] =	sst s10  }
0x35: {  	s10 =	sld [smem:$0x3FAE];
	_ =	sdelay $0x3  }
0x36: {  	p1 =	seq.s32 s10, $0x1;
	s10 =	sld [smem:$0x3FAF];
	_ =	sdelay $0x3  }
0x37: {  	[smem:$0x3FAF] =	sst s10  }
0x38: {  	s10 =	sld [smem:$0x3FB0]  }
0x39: {  	_ = 	snop;
	(pc) =	sbr.ind lr, $3  }
0x3a: {  	_ = 	snop  }
0x3b: {  	_ = 	snop  }
0x3c: {  	p2 =	seq.s32 s10, $0x1;
	s10 =	sld [smem:$0x3FAF]  }
0x3d: {  	_ =	shalt  }
0x3e: {  	_ =	shalt  }
0x3f: {  	_ =	shalt  }
0x40: {  	_ =	shalt  }
0x41: {  	_ =	shalt  }
0x42: {  	_ =	shalt  }
0x43: {  	_ =	shalt  }
0x44: {  	_ =	shalt  }
0x45: {  	_ =	shalt  }
0x46: {  	_ =	shalt  }
0x47: {  	_ =	shalt  }
0x48: {  	_ =	shalt  }
0x49: {  	_ =	shalt  }
0x4a: {  	_ =	shalt  }
0x4b: {  	_ =	shalt  }
0x4c: {  	_ =	shalt  }
0x4d: {  	_ =	shalt  }
0x4e: {  	_ =	shalt  }
0x4f: {  	_ =	shalt  }
0x50: {  	_ =	shalt  }
0x51: {  	_ =	shalt  }
0x52: {  	_ =	shalt  }
0x53: {  	_ =	shalt  }
0x54: {  	_ =	shalt  }
0x55: {  	_ =	shalt  }
0x56: {  	_ =	shalt  }
0x57: {  	_ =	shalt  }
0x58: {  	_ =	shalt  }
0x59: {  	_ =	shalt  }
0x5a: {  	_ =	shalt  }
0x5b: {  	_ =	shalt  }
0x5c: {  	_ =	shalt  }
0x5d: {  	_ =	shalt  }
0x5e: {  	_ =	shalt  }
0x5f: {  	_ =	shalt  }
0x60: {  	_ =	shalt  }
0x61: {  	_ =	shalt  }
0x62: {  	_ =	shalt  }
0x63: {  	_ =	shalt  }
0x64: {  	_ =	shalt  }
0x65: {  	_ =	shalt  }
0x66: {  	_ =	shalt  }
0x67: {  	_ =	shalt  }
0x68: {  	_ =	shalt  }
0x69: {  	_ =	shalt  }
0x6a: {  	_ =	shalt  }
0x6b: {  	_ =	shalt  }
0x6c: {  	_ =	shalt  }
0x6d: {  	_ =	shalt  }
0x6e: {  	_ =	shalt  }
0x6f: {  	_ =	shalt  }
0x70: {  	_ =	shalt  }
0x71: {  	_ =	shalt  }
0x72: {  	_ =	shalt  }
0x73: {  	_ =	shalt  }
0x74: {  	_ =	shalt  }
0x75: {  	_ =	shalt  }
0x76: {  	_ =	shalt  }
0x77: {  	_ =	shalt  }
0x78: {  	_ =	shalt  }
0x79: {  	_ =	shalt  }
0x7a: {  	_ =	shalt  }
0x7b: {  	_ =	shalt  }
0x7c: {  	_ =	shalt  }
0x7d: {  	_ =	shalt  }
0x7e: {  	_ =	shalt  }
0x7f: {  	_ =	shalt  }
0x80: {  	_ =	shalt  }
0x81: {  	_ =	shalt  }
0x82: {  	_ =	shalt  }
0x83: {  	_ =	shalt  }
0x84: {  	_ =	shalt  }
0x85: {  	_ =	shalt  }
0x86: {  	_ =	shalt  }
0x87: {  	_ =	shalt  }
.Lfunc_end0:
.L_simem_size_0:
called_computation.1_lowered:
.L_overlay_start_0:
0x88: {  	s2 =	sld [smem:$0x3FD9]  }
0x89: {  	s3 =	sld [smem:$0x3FFE];
	_ =	sdelay $0x1  }
0x8a: {  	s1 =	srdreg.scid  }
0x8b: {  	s0 =	sand.u32 $0x1, s1  }
0x8c: {  	s16 =	sshll.u32 s0, $0xA;
	s2 =	sadd.s32 s3, s2  }
0x8d: {  	s2 =	sadd.s32 s2, s16  }
0x8e: {  	[smem:$0x3FBB] =	sst s2  }
0x8f: {  	_ = 	snop  }
0x90: {  	(tm) =	ssettm $0x1  }
0x91: {  	s17 =	sld [smem:$0x3FFB];
	_ =	sdelay $0x3  }
0x92: {  	_ =	strace s17  }
0x93: {  	s2 =	sld [smem:$0x3FFC];
	_ =	sdelay $0x3  }
0x94: {  	_ =	strace s2  }
0x95: {  	s2 =	sld [smem:$0x3FFD];
	_ =	sdelay $0x3  }
0x96: {  	_ =	strace s2  }
0x97: {  	_ =	strace $0x8FFFFFFF  }
0x98: {  	s18 =	sld [smem:$0x3FDB];
	_ =	sdelay $0x1  }
0x99: {  	s19 =	simm.s32 $_scs_section_size  }
0x9a: {  	s4 =	simm.s32 $_size__tile_overlayer_lowered;
	s5 =	simm.s32 $_tile_overlayer_lowered  }
0x9b: {  	s22 =	simm.s32 $0x1BFF;
	s21 =	sshll.u32 s5, $0x1;
	s2 =	sadd.s32 s19, s18  }
0x9c: {  	s6 =	simm.s32 $0x0;
	s20 =	sshll.u32 s4, $0x1;
	s4 =	sadd.s32 s21, s2  }
0x9d: {  	[timem:s6], [sflag:s22] =	dma.local [hbm:s4], s20  }
0x9e: {  	_ =	swait.ge [sflag:s22], s20  }
0x9f: {  	s3 =	ssub.s32 $0x0, s20;
	[sflag:s22] =	ssyncset.done $0x0  }
0xa0: {  	[sflag:s22] =	ssyncadd.s32 s3;
	_ =	sdelay $0x1  }
0xa1: {  	s23 =	simm.s32 $0x1B8B  }
0xa2: {  	_ =	swait.ge [sflag:s23], $0x1  }
0xa3: {  	[sflag:s23] =	ssyncset.done $0x0  }
0xa4: {  	s25 =	simm.s32 $0x1B8E;
	s24 =	sld [smem:$0x3FFE];
	[sflag:s23] =	ssyncadd.s32 $0xFFFFFFFF  }
0xa5: {  	s26 =	simm.s32 $execute0_lowered;
	[smem:$0x3FD2] =	sst s25  }
0xa6: {  	s4 =	sshll.u32 s26, $0x1;
	_ =	strace $0x80000049;
	[dreg:$0x1] =	wrdreg $0xFFFFFFFF  }
0xa7: {  	s28 =	simm.s32 $_size_execute0_lowered;
	s2 =	sadd.s32 s2, s4;
	[dreg:$0x0] =	wrdreg $0x0  }
0xa8: {  	s4 =	sshll.u32 s28, $0x1;
	[dreg:$0x2] =	wrdreg s2  }
0xa9: {  	[dreg:$0x3] =	wrdreg s4  }
0xaa: {  	[dreg:$0x4] =	wrdreg $0xC0  }
0xab: {  	_ =	task [dreg:s6], $0x5FFFF  }
0xac: {  	[dreg:$0x1] =	wrdreg $0xFFFFFFFF  }
0xad: {  	[dreg:$0x0] =	wrdreg $0x60  }
0xae: {  	[dreg:$0x2] =	wrdreg s24  }
0xaf: {  	[dreg:$0x3] =	wrdreg $0x9  }
0xb0: {  	_ =	task.clear_ibuf [dreg:s6], $0x4FFFF;
	_ =	strace $0x90000049  }
0xb1: {  	s29 =	simm.s32 $0x9;
	_ =	strace $0x8000004B  }
0xb2: {  	_ =	swait.ge [sflag:s29], $0x1  }
0xb3: {  	[sflag:s29] =	ssyncadd.s32 $0xFFFFFFFF  }
0xb4: {  	_ =	strace $0x9000004B  }
0xb5: {  	_ =	sfence  }
0xb6: {  	s30 =	sld [smem:$0x0];
	_ =	sdelay $0x2  }
0xb7: {  	s31 =	sshll.u32 s1, $0xD;
	s1 =	sshrl.u32 s1, $0x2  }
0xb8: {  	s3 =	sand.u32 $0x4000, s31;
	s1 =	sadd.s32 s1, s30  }
0xb9: {  	s0 =	sor.u32 s3, s0;
	s1 =	sshll.u32 s1, $0x11  }
0xba: {  	s0 =	sor.u32 s1, s0  }
0xbb: {  	s0 =	sadd.s32 $0x8F2B, s0  }
0xbc: {  	[sflag:s0] =	ssyncadd.remote.s32 $0x1  }
0xbd: {  	_ =	sfence.sel $0xFFFF  }
0xbe: {  	[dreg:$0x0] =	wrdreg $0xFFFFFFFF;
	(pc) =	sbr.abs _section_cstart, $3  }
0xbf: {  	[dreg:$0x1] =	wrdreg $0xFFFFFFFF  }
0xc0: {  	_ =	task.clear_ibuf [dreg:s6], $0x2FFFF;
	_ =	strace $0x9FFFFFFF  }
0xc1: {  	(tm) =	ssettm $0x7FFFFFFF  }
tec
execute0_lowered:
.L_overlay_start_1:
0x0: {  	(tag) =	ssettag $0x1  }
0x1: {  	s5 =	rddreg [dreg:$0x0]  }
0x2: {  	s0 =	rddreg [dreg:$0x1]  }
0x3: {  	s1 =	stileid.u32;
	s3 =	srdreg.scid;
	s2 =	simm.s32 $0x0  }
0x4: {  	s13 =	simm.s32 $0xA000;
	s14 =	simm.s32 $0x14000;
	s15 =	simm.s32 $0x15000  }
0x5: {  	s16 =	simm.s32 $0x1;
	s17 =	simm.s32 $0x16000;
	s18 =	simm.s32 $0x17000  }
0x6: {  	s19 =	simm.s32 $0x2;
	s20 =	simm.s32 $0x0;
	s4 =	smul.u32 $0xA000, s1  }
0x7: {  	s6 =	sand.u32 $0x1, s3;
	[smem:$0x7FF] =	sst s2;
	s3 =	sadd.s32 $0xCE00, s5  }
0x8: {  	s7 =	smul.u32 $0xA0000, s6;
	_ =	strace $0x8000004A;
	s9 =	ssub.s32 $0x2, s6  }
0x9: {  	s10 =	smul.u32 $0x28000, s6;
	s29 =	sshrl.u32 s4, $0x3;
	s30 =	sshrl.u32 s9, $0x1  }
0xa: {  	s8 =	sadd.s32 s29, s5;
	s4 =	sadd.s32 s4, s7;
	s12 =	ssub.s32 s9, s30  }
0xb: {  	s31 =	sshrl.u32 s10, $0x3;
	s9 =	sor.u32 $0x2000, s10;
	s7 =	sshrl.u32 s4, $0x3  }
0xc: {  	s4 =	sadd.s32 $0x2400, s5;
	s6 =	sadd.s32 s3, s31;
	s11 =	sadd.s32 s7, s5  }
0xd: {  	s5 =	sadd.s32 $0x16E00, s8;
	s7 =	sadd.s32 s4, s31;
	s8 =	sor.u32 $0x1000, s10  }
0xe: {  	s10 =	sadd.s32 $0x2AE00, s11;
	s11 =	smax.u32 s12, $0x1;
	s12 =	simm.s32 $0x3  }
.LBB2_1:
0xf: {  	[tilespmem:s2], [sflag:$0x3] =	stream.linear.gather [hbm4b:s5+s2], $0xA000, $0x38;
	[tilespmem:$0x18000] =	vst v63  }
0x10: {  	_ =	swait.ge [sflag:s12], $0xA000  }
0x11: {  	[sflag:s12] =	ssyncset.done $0x0  }
0x12: {  	[sflag:s12] =	ssyncadd.s32 $0xFFFF6000  }
0x13: {  	[tilespmem:s13], [sflag:$0x3] =	stream.linear.gather [hbm4b:s5+s2], $0xA000, $0x38;
	[tilespmem:$0x18000] =	vst v63  }
0x14: {  	_ =	swait.ge [sflag:s12], $0xA000  }
0x15: {  	[sflag:s12] =	ssyncset.done $0x0  }
0x16: {  	[sflag:s12] =	ssyncadd.s32 $0xFFFF6000  }
0x17: {  	[tilespmem:s14], [sflag:$0x1] =	stream.linear.gather [hbm4b:s6+s2], $0x1000, $0x38;
	[tilespmem:$0x18000] =	vst v63  }
0x18: {  	s21 =	simm.s32 $0x0  }
0x19: {  	[tilespmem:s15], [sflag:$0x1] =	stream.linear.gather [hbm4b:s7+s2], $0x1000, $0x38;
	[tilespmem:$0x18000] =	vst v63  }
.LBB2_2:
0x1a: {  	_ =	swait.ge [sflag:s16], $0x1000  }
0x1b: {  	[sflag:s16] =	ssyncset.done $0x0  }
0x1c: {  	s22 =	sshll.u32 s21, $0xD;
	[sflag:s16] =	ssyncadd.s32 $0xFFFFF000  }
0x1d: {  	s23 =	sadd.s32 s22, s8;
	_ =	swait.ge [sflag:s16], $0x1000  }
0x1e: {  	s23 =	sshrl.u32 s23, $0x3;
	[sflag:s16] =	ssyncset.done $0x0  }
0x1f: {  	s24 =	sadd.s32 s3, s23;
	[sflag:s16] =	ssyncadd.s32 $0xFFFFF000  }
0x20: {  	[tilespmem:s17], [sflag:$0x2] =	stream.linear.gather [hbm4b:s24+s2], $0x1000, $0x38;
	[tilespmem:$0x18000] =	vst v63  }
0x21: {  	s31 =	simm.s32 $0x14020;
	s23 =	sadd.s32 s4, s23  }
0x22: {  	[tilespmem:s18], [sflag:$0x2] =	stream.linear.gather [hbm4b:s23+s2], $0x1000, $0x38;
	[tilespmem:$0x18000] =	vst v63  }
0x23: {  	v0 =	vld [tilespmem:s31+$0x10]  }
0x24: {  	v2 =	vld [tilespmem:s31+$0xFFFFFFE0]  }
0x25: {  	v1 =	vld [tilespmem:s31+$0xFFFFFFF0];
	_ =	sdelay $0x1  }
0x26: {  	s23 =	simm.s32 $0x15020;
	v4 =	vld [tilespmem:s31+$0x0]  }
0x27: {  	v3 =	vld [tilespmem:s23+$0x10]  }
0x28: {  	v6 =	vld [tilespmem:s23+$0xFFFFFFE0]  }
0x29: {  	v9 =	vld [tilespmem:s23+$0xFFFFFFF0]  }
0x2a: {  	v5 =	vld.idx.msk [tilespmem:v0+s2+$0x0], $0xffff  }
0x2b: {  	v10 =	vld.idx.msk [tilespmem:v2+s2+$0x0], $0xffff  }
0x2c: {  	v7 =	vld.idx.msk [tilespmem:v1+s2+$0x0], $0xffff  }
0x2d: {  	v12 =	vld [tilespmem:s23+$0x0];
	v8 =	vadd.s32 $0x2800, v0  }
0x2e: {  	v11 =	vadd.s32 $0x2800, v2;
	v13 =	vld.idx.msk [tilespmem:v4+s2+$0x0], $0xffff  }
0x2f: {  	v57 =	vadd.s32 $0x2800, v1;
	[tilespmem:v3+s13+$0x0] =	vst.idx.add.f32.msk $0xffff, v5  }
0x30: {  	[tilespmem:v6+s13+$0x0] =	vst.idx.add.f32.msk $0xffff, v10  }
0x31: {  	v15 =	vadd.s32 $0x2800, v4;
	[tilespmem:v9+s13+$0x0] =	vst.idx.add.f32.msk $0xffff, v7  }
0x32: {  	v56 =	vadd.s32 $0x2800, v3;
	v5 =	vld.idx.msk [tilespmem:v8+s2+$0x0], $0xffff  }
0x33: {  	v7 =	vadd.s32 $0x2800, v6;
	v11 =	vld.idx.msk [tilespmem:v11+s2+$0x0], $0xffff  }
0x34: {  	v59 =	vadd.s32 $0x2800, v9;
	v10 =	vld.idx.msk [tilespmem:v57+s2+$0x0], $0xffff  }
0x35: {  	v14 =	vadd.s32 $0x5000, v0;
	[tilespmem:v12+s13+$0x0] =	vst.idx.add.f32.msk $0xffff, v13  }
0x36: {  	v16 =	vadd.s32 $0x2800, v12;
	v15 =	vld.idx.msk [tilespmem:v15+s2+$0x0], $0xffff  }
0x37: {  	v60 =	vadd.s32 $0x5000, v4;
	[tilespmem:v56+s13+$0x0] =	vst.idx.add.f32.msk $0xffff, v5  }
0x38: {  	v5 =	vadd.s32 $0x5000, v2;
	[tilespmem:v7+s13+$0x0] =	vst.idx.add.f32.msk $0xffff, v11  }
0x39: {  	v7 =	vadd.s32 $0x5000, v1;
	[tilespmem:v59+s13+$0x0] =	vst.idx.add.f32.msk $0xffff, v10  }
0x3a: {  	v58 =	vadd.s32 $0x5000, v3;
	v8 =	vld.idx.msk [tilespmem:v14+s2+$0x0], $0xffff  }
0x3b: {  	v0 =	vadd.s32 $0x7800, v0;
	[tilespmem:v16+s13+$0x0] =	vst.idx.add.f32.msk $0xffff, v15  }
0x3c: {  	v63 =	vadd.s32 $0x5000, v12;
	v11 =	vld.idx.msk [tilespmem:v60+s2+$0x0], $0xffff  }
0x3d: {  	v61 =	vadd.s32 $0x5000, v6;
	v5 =	vld.idx.msk [tilespmem:v5+s2+$0x0], $0xffff  }
0x3e: {  	v62 =	vadd.s32 $0x5000, v9;
	v7 =	vld.idx.msk [tilespmem:v7+s2+$0x0], $0xffff  }
0x3f: {  	v2 =	vadd.s32 $0x7800, v2;
	[tilespmem:v58+s13+$0x0] =	vst.idx.add.f32.msk $0xffff, v8  }
0x40: {  	v3 =	vadd.s32 $0x7800, v3;
	v0 =	vld.idx.msk [tilespmem:v0+s2+$0x0], $0xffff  }
0x41: {  	[tilespmem:v63+s13+$0x0] =	vst.idx.add.f32.msk $0xffff, v11  }
0x42: {  	[tilespmem:v61+s13+$0x0] =	vst.idx.add.f32.msk $0xffff, v5  }
0x43: {  	[tilespmem:v62+s13+$0x0] =	vst.idx.add.f32.msk $0xffff, v7  }
0x44: {  	v4 =	vadd.s32 $0x7800, v4;
	v5 =	vld.idx.msk [tilespmem:v2+s2+$0x0], $0xffff;
	v2 =	vadd.s32 $0x7800, v12  }
0x45: {  	s25 =	simm.s32 $0x14060;
	s24 =	simm.s32 $0x0;
	[tilespmem:v3+s13+$0x0] =	vst.idx.add.f32.msk $0xffff, v0;
	v3 =	vadd.s32 $0x7800, v1;
	v0 =	vadd.s32 $0x7800, v6;
	v1 =	vadd.s32 $0x7800, v9  }
.LBB2_3:
0x46: {  	v6 =	vld [tilespmem:s25+$0x10];
	s24 =	sadd.s32 $0x40, s24  }
0x47: {  	v7 =	vld [tilespmem:s25+$0xFFFFFFF0];
	p0 =	slt.u32 s24, $0xFC0  }
0x48: {  	v8 =	vld [tilespmem:s25+$0x0]  }
0x49: {  	v9 =	vld [tilespmem:s25+$0xFFFFFFE0]  }
0x4a: {  	v10 =	vld.idx.msk [tilespmem:v3+s2+$0x0], $0xffff  }
0x4b: {  	s23 =	sadd.s32 $0x40, s23;
	v11 =	vld.idx.msk [tilespmem:v4+s2+$0x0], $0xffff  }
0x4c: {  	v12 =	vadd.s32 $0x2800, v7;
	v13 =	vadd.s32 $0x5000, v7;
	v3 =	vadd.s32 $0x7800, v7;
	v14 =	vld [tilespmem:s23+$0x10]  }
0x4d: {  	v15 =	vld [tilespmem:s23+$0xFFFFFFE0];
	v16 =	vadd.s32 $0x2800, v8;
	v17 =	vadd.s32 $0x5000, v8;
	v4 =	vadd.s32 $0x7800, v8  }
0x4e: {  	v18 =	vadd.s32 $0x2800, v9;
	v19 =	vadd.s32 $0x5000, v9;
	v20 =	vadd.s32 $0x7800, v9;
	v21 =	vld.idx.msk [tilespmem:v6+s2+$0x0], $0xffff  }
0x4f: {  	v7 =	vld.idx.msk [tilespmem:v7+s2+$0x0], $0xffff  }
0x50: {  	v22 =	vadd.s32 $0x2800, v6;
	v8 =	vld.idx.msk [tilespmem:v8+s2+$0x0], $0xffff  }
0x51: {  	v9 =	vld.idx.msk [tilespmem:v9+s2+$0x0], $0xffff  }
0x52: {  	v23 =	vadd.s32 $0x2800, v15;
	v24 =	vadd.s32 $0x5000, v15;
	v25 =	vadd.s32 $0x7800, v15;
	v26 =	vld [tilespmem:s23+$0xFFFFFFF0]  }
0x53: {  	v27 =	vld [tilespmem:s23+$0x0]  }
0x54: {  	[tilespmem:v14+s13+$0x0] =	vst.idx.add.f32.msk $0xffff, v21  }
0x55: {  	v21 =	vld.idx.msk [tilespmem:v22+s2+$0x0], $0xffff  }
0x56: {  	v22 =	vadd.s32 $0x2800, v14;
	[tilespmem:v0+s13+$0x0] =	vst.idx.add.f32.msk $0xffff, v5;
	v0 =	vmov v25  }
0x57: {  	[tilespmem:v15+s13+$0x0] =	vst.idx.add.f32.msk $0xffff, v9;
	v5 =	vadd.s32 $0x2800, v26;
	v9 =	vadd.s32 $0x5000, v26;
	v15 =	vadd.s32 $0x5000, v6  }
0x58: {  	v25 =	vadd.s32 $0x7800, v26;
	v18 =	vld.idx.msk [tilespmem:v18+s2+$0x0], $0xffff;
	v28 =	vadd.s32 $0x2800, v27;
	v29 =	vadd.s32 $0x5000, v27  }
0x59: {  	v30 =	vadd.s32 $0x7800, v27;
	[tilespmem:v1+s13+$0x0] =	vst.idx.add.f32.msk $0xffff, v10;
	v1 =	vmov v25  }
0x5a: {  	[tilespmem:v26+s13+$0x0] =	vst.idx.add.f32.msk $0xffff, v7  }
0x5b: {  	[tilespmem:v22+s13+$0x0] =	vst.idx.add.f32.msk $0xffff, v21  }
0x5c: {  	v7 =	vld.idx.msk [tilespmem:v15+s2+$0x0], $0xffff  }
0x5d: {  	[tilespmem:v27+s13+$0x0] =	vst.idx.add.f32.msk $0xffff, v8;
	v8 =	vadd.s32 $0x5000, v14  }
0x5e: {  	v6 =	vadd.s32 $0x7800, v6;
	v10 =	vld.idx.msk [tilespmem:v12+s2+$0x0], $0xffff  }
0x5f: {  	v12 =	vld.idx.msk [tilespmem:v16+s2+$0x0], $0xffff  }
0x60: {  	[tilespmem:v23+s13+$0x0] =	vst.idx.add.f32.msk $0xffff, v18  }
0x61: {  	v15 =	vld.idx.msk [tilespmem:v19+s2+$0x0], $0xffff  }
0x62: {  	[tilespmem:v8+s13+$0x0] =	vst.idx.add.f32.msk $0xffff, v7  }
0x63: {  	v6 =	vld.idx.msk [tilespmem:v6+s2+$0x0], $0xffff  }
0x64: {  	[tilespmem:v5+s13+$0x0] =	vst.idx.add.f32.msk $0xffff, v10;
	v5 =	vadd.s32 $0x7800, v14  }
0x65: {  	[tilespmem:v28+s13+$0x0] =	vst.idx.add.f32.msk $0xffff, v12  }
0x66: {  	v7 =	vld.idx.msk [tilespmem:v13+s2+$0x0], $0xffff  }
0x67: {  	v8 =	vld.idx.msk [tilespmem:v17+s2+$0x0], $0xffff  }
0x68: {  	[tilespmem:v24+s13+$0x0] =	vst.idx.add.f32.msk $0xffff, v15  }
.Ltmp0:
0x69: {  	[tilespmem:v5+s13+$0x0] =	vst.idx.add.f32.msk $0xffff, v6;
	(pc) =	sbr.rel @p0 .LBB2_3-.Ltmp0, $4  }
0x6a: {  	v5 =	vld.idx.msk [tilespmem:v20+s2+$0x0], $0xffff  }
0x6b: {  	[tilespmem:v2+s13+$0x0] =	vst.idx.add.f32.msk $0xffff, v11;
	v2 =	vmov v30  }
0x6c: {  	[tilespmem:v9+s13+$0x0] =	vst.idx.add.f32.msk $0xffff, v7  }
0x6d: {  	s25 =	sadd.s32 $0x40, s25;
	[tilespmem:v29+s13+$0x0] =	vst.idx.add.f32.msk $0xffff, v8  }
0x6e: {  	_ =	sdelay $0x3  }
0x6f: {  	v3 =	vld.idx.msk [tilespmem:v3+s2+$0x0], $0xffff  }
0x70: {  	v4 =	vld.idx.msk [tilespmem:v4+s2+$0x0], $0xffff;
	_ =	sdelay $0x2  }
0x71: {  	[tilespmem:v0+s13+$0x0] =	vst.idx.add.f32.msk $0xffff, v5  }
0x72: {  	[tilespmem:v1+s13+$0x0] =	vst.idx.add.f32.msk $0xffff, v3  }
0x73: {  	[tilespmem:v2+s13+$0x0] =	vst.idx.add.f32.msk $0xffff, v4  }
0x74: {  	_ =	swait.ge [sflag:s19], $0x1000  }
0x75: {  	[sflag:s19] =	ssyncset.done $0x0  }
0x76: {  	p0 =	seq.s32 s21, $0x13;
	[sflag:s19] =	ssyncadd.s32 $0xFFFFF000  }
0x77: {  	s22 =	sadd.s32 @!p0 s22, s9;
	_ =	swait.ge [sflag:s19], $0x1000  }
0x78: {  	s24 =	simm.s32 @!p0 $0x0;
	s22 =	sshrl.u32 @!p0 s22, $0x3;
	[sflag:s19] =	ssyncset.done $0x0  }
0x79: {  	s25 =	simm.s32 @!p0 $0x14000;
	s23 =	sadd.s32 @!p0 s3, s22;
	[sflag:s19] =	ssyncadd.s32 $0xFFFFF000  }
0x7a: {  	[tilespmem:s25], [sflag:$0x1] =	stream.linear.gather @!p0 [hbm4b:s23+s24], $0x1000, $0x38;
	[tilespmem:$0x18000] =	vst v63  }
0x7b: {  	s31 =	simm.s32 $0x16020;
	s22 =	sadd.s32 @!p0 s4, s22;
	s23 =	simm.s32 @!p0 $0x15000  }
0x7c: {  	[tilespmem:s23], [sflag:$0x1] =	stream.linear.gather @!p0 [hbm4b:s22+s24], $0x1000, $0x38;
	[tilespmem:$0x18000] =	vst v63  }
0x7d: {  	v0 =	vld [tilespmem:s31+$0x10]  }
0x7e: {  	v2 =	vld [tilespmem:s31+$0xFFFFFFE0]  }
0x7f: {  	v1 =	vld [tilespmem:s31+$0xFFFFFFF0];
	_ =	sdelay $0x1  }
0x80: {  	s22 =	simm.s32 $0x17020;
	v4 =	vld [tilespmem:s31+$0x0]  }
0x81: {  	v3 =	vld [tilespmem:s22+$0x10]  }
0x82: {  	v6 =	vld [tilespmem:s22+$0xFFFFFFE0]  }
0x83: {  	v9 =	vld [tilespmem:s22+$0xFFFFFFF0]  }
0x84: {  	v5 =	vld.idx.msk [tilespmem:v0+s2+$0x0], $0xffff  }
0x85: {  	v10 =	vld.idx.msk [tilespmem:v2+s2+$0x0], $0xffff  }
0x86: {  	v7 =	vld.idx.msk [tilespmem:v1+s2+$0x0], $0xffff  }
0x87: {  	v12 =	vld [tilespmem:s22+$0x0];
	v8 =	vadd.s32 $0x2800, v0  }
0x88: {  	v11 =	vadd.s32 $0x2800, v2;
	v13 =	vld.idx.msk [tilespmem:v4+s2+$0x0], $0xffff  }
0x89: {  	v57 =	vadd.s32 $0x2800, v1;
	[tilespmem:v3+s13+$0x0] =	vst.idx.add.f32.msk $0xffff, v5  }
0x8a: {  	[tilespmem:v6+s13+$0x0] =	vst.idx.add.f32.msk $0xffff, v10  }
0x8b: {  	v15 =	vadd.s32 $0x2800, v4;
	[tilespmem:v9+s13+$0x0] =	vst.idx.add.f32.msk $0xffff, v7  }
0x8c: {  	v56 =	vadd.s32 $0x2800, v3;
	v5 =	vld.idx.msk [tilespmem:v8+s2+$0x0], $0xffff  }
0x8d: {  	v7 =	vadd.s32 $0x2800, v6;
	v11 =	vld.idx.msk [tilespmem:v11+s2+$0x0], $0xffff  }
0x8e: {  	v59 =	vadd.s32 $0x2800, v9;
	v10 =	vld.idx.msk [tilespmem:v57+s2+$0x0], $0xffff  }
0x8f: {  	v14 =	vadd.s32 $0x5000, v0;
	[tilespmem:v12+s13+$0x0] =	vst.idx.add.f32.msk $0xffff, v13  }
0x90: {  	v16 =	vadd.s32 $0x2800, v12;
	v15 =	vld.idx.msk [tilespmem:v15+s2+$0x0], $0xffff  }
0x91: {  	v60 =	vadd.s32 $0x5000, v4;
	[tilespmem:v56+s13+$0x0] =	vst.idx.add.f32.msk $0xffff, v5  }
0x92: {  	v5 =	vadd.s32 $0x5000, v2;
	[tilespmem:v7+s13+$0x0] =	vst.idx.add.f32.msk $0xffff, v11  }
0x93: {  	v7 =	vadd.s32 $0x5000, v1;
	[tilespmem:v59+s13+$0x0] =	vst.idx.add.f32.msk $0xffff, v10  }
0x94: {  	v58 =	vadd.s32 $0x5000, v3;
	v8 =	vld.idx.msk [tilespmem:v14+s2+$0x0], $0xffff  }
0x95: {  	v0 =	vadd.s32 $0x7800, v0;
	[tilespmem:v16+s13+$0x0] =	vst.idx.add.f32.msk $0xffff, v15  }
0x96: {  	v63 =	vadd.s32 $0x5000, v12;
	v11 =	vld.idx.msk [tilespmem:v60+s2+$0x0], $0xffff  }
0x97: {  	v61 =	vadd.s32 $0x5000, v6;
	v5 =	vld.idx.msk [tilespmem:v5+s2+$0x0], $0xffff  }
0x98: {  	v62 =	vadd.s32 $0x5000, v9;
	v7 =	vld.idx.msk [tilespmem:v7+s2+$0x0], $0xffff  }
0x99: {  	v2 =	vadd.s32 $0x7800, v2;
	[tilespmem:v58+s13+$0x0] =	vst.idx.add.f32.msk $0xffff, v8  }
0x9a: {  	v3 =	vadd.s32 $0x7800, v3;
	v0 =	vld.idx.msk [tilespmem:v0+s2+$0x0], $0xffff  }
0x9b: {  	[tilespmem:v63+s13+$0x0] =	vst.idx.add.f32.msk $0xffff, v11  }
0x9c: {  	[tilespmem:v61+s13+$0x0] =	vst.idx.add.f32.msk $0xffff, v5  }
0x9d: {  	[tilespmem:v62+s13+$0x0] =	vst.idx.add.f32.msk $0xffff, v7  }
0x9e: {  	v4 =	vadd.s32 $0x7800, v4;
	v5 =	vld.idx.msk [tilespmem:v2+s2+$0x0], $0xffff;
	v2 =	vadd.s32 $0x7800, v6  }
0x9f: {  	s23 =	simm.s32 $0x0;
	s24 =	simm.s32 $0x16060;
	[tilespmem:v3+s13+$0x0] =	vst.idx.add.f32.msk $0xffff, v0;
	v3 =	vadd.s32 $0x7800, v1;
	v1 =	vadd.s32 $0x7800, v9;
	v0 =	vadd.s32 $0x7800, v12  }
.LBB2_5:
0xa0: {  	v6 =	vld [tilespmem:s24+$0x10];
	s23 =	sadd.s32 $0x40, s23  }
0xa1: {  	v7 =	vld [tilespmem:s24+$0xFFFFFFF0];
	p0 =	slt.u32 s23, $0xFC0  }
0xa2: {  	v8 =	vld [tilespmem:s24+$0x0]  }
0xa3: {  	v9 =	vld [tilespmem:s24+$0xFFFFFFE0]  }
0xa4: {  	v10 =	vld.idx.msk [tilespmem:v3+s2+$0x0], $0xffff  }
0xa5: {  	s22 =	sadd.s32 $0x40, s22;
	v11 =	vld.idx.msk [tilespmem:v4+s2+$0x0], $0xffff  }
0xa6: {  	v12 =	vadd.s32 $0x2800, v7;
	v13 =	vadd.s32 $0x5000, v7;
	v3 =	vadd.s32 $0x7800, v7;
	v14 =	vld [tilespmem:s22+$0x10]  }
0xa7: {  	v15 =	vld [tilespmem:s22+$0xFFFFFFE0];
	v16 =	vadd.s32 $0x2800, v8;
	v17 =	vadd.s32 $0x5000, v8;
	v4 =	vadd.s32 $0x7800, v8  }
0xa8: {  	v18 =	vadd.s32 $0x2800, v9;
	v19 =	vadd.s32 $0x5000, v9;
	v20 =	vadd.s32 $0x7800, v9;
	v21 =	vld.idx.msk [tilespmem:v6+s2+$0x0], $0xffff  }
0xa9: {  	v7 =	vld.idx.msk [tilespmem:v7+s2+$0x0], $0xffff  }
0xaa: {  	v22 =	vadd.s32 $0x2800, v6;
	v8 =	vld.idx.msk [tilespmem:v8+s2+$0x0], $0xffff  }
0xab: {  	v9 =	vld.idx.msk [tilespmem:v9+s2+$0x0], $0xffff  }
0xac: {  	v23 =	vadd.s32 $0x2800, v15;
	v24 =	vadd.s32 $0x5000, v15;
	v25 =	vadd.s32 $0x7800, v15;
	v26 =	vld [tilespmem:s22+$0xFFFFFFF0]  }
0xad: {  	v27 =	vld [tilespmem:s22+$0x0]  }
0xae: {  	[tilespmem:v14+s13+$0x0] =	vst.idx.add.f32.msk $0xffff, v21  }
0xaf: {  	v21 =	vld.idx.msk [tilespmem:v22+s2+$0x0], $0xffff  }
0xb0: {  	v22 =	vadd.s32 $0x2800, v14;
	[tilespmem:v2+s13+$0x0] =	vst.idx.add.f32.msk $0xffff, v5;
	v2 =	vmov v25  }
0xb1: {  	[tilespmem:v15+s13+$0x0] =	vst.idx.add.f32.msk $0xffff, v9;
	v5 =	vadd.s32 $0x2800, v26;
	v9 =	vadd.s32 $0x5000, v26;
	v15 =	vadd.s32 $0x5000, v6  }
0xb2: {  	v25 =	vadd.s32 $0x7800, v26;
	v18 =	vld.idx.msk [tilespmem:v18+s2+$0x0], $0xffff;
	v28 =	vadd.s32 $0x2800, v27;
	v29 =	vadd.s32 $0x5000, v27  }
0xb3: {  	v30 =	vadd.s32 $0x7800, v27;
	[tilespmem:v1+s13+$0x0] =	vst.idx.add.f32.msk $0xffff, v10;
	v1 =	vmov v25  }
0xb4: {  	[tilespmem:v26+s13+$0x0] =	vst.idx.add.f32.msk $0xffff, v7  }
0xb5: {  	[tilespmem:v22+s13+$0x0] =	vst.idx.add.f32.msk $0xffff, v21  }
0xb6: {  	v7 =	vld.idx.msk [tilespmem:v15+s2+$0x0], $0xffff  }
0xb7: {  	[tilespmem:v27+s13+$0x0] =	vst.idx.add.f32.msk $0xffff, v8;
	v8 =	vadd.s32 $0x5000, v14  }
0xb8: {  	v6 =	vadd.s32 $0x7800, v6;
	v10 =	vld.idx.msk [tilespmem:v12+s2+$0x0], $0xffff  }
0xb9: {  	v12 =	vld.idx.msk [tilespmem:v16+s2+$0x0], $0xffff  }
0xba: {  	[tilespmem:v23+s13+$0x0] =	vst.idx.add.f32.msk $0xffff, v18  }
0xbb: {  	v15 =	vld.idx.msk [tilespmem:v19+s2+$0x0], $0xffff  }
0xbc: {  	[tilespmem:v8+s13+$0x0] =	vst.idx.add.f32.msk $0xffff, v7  }
0xbd: {  	v6 =	vld.idx.msk [tilespmem:v6+s2+$0x0], $0xffff  }
0xbe: {  	[tilespmem:v5+s13+$0x0] =	vst.idx.add.f32.msk $0xffff, v10;
	v5 =	vadd.s32 $0x7800, v14  }
0xbf: {  	[tilespmem:v28+s13+$0x0] =	vst.idx.add.f32.msk $0xffff, v12  }
0xc0: {  	v7 =	vld.idx.msk [tilespmem:v13+s2+$0x0], $0xffff  }
0xc1: {  	v8 =	vld.idx.msk [tilespmem:v17+s2+$0x0], $0xffff  }
0xc2: {  	[tilespmem:v24+s13+$0x0] =	vst.idx.add.f32.msk $0xffff, v15  }
.Ltmp1:
0xc3: {  	[tilespmem:v5+s13+$0x0] =	vst.idx.add.f32.msk $0xffff, v6;
	(pc) =	sbr.rel @p0 .LBB2_5-.Ltmp1, $4  }
0xc4: {  	v5 =	vld.idx.msk [tilespmem:v20+s2+$0x0], $0xffff  }
0xc5: {  	[tilespmem:v0+s13+$0x0] =	vst.idx.add.f32.msk $0xffff, v11;
	v0 =	vmov v30  }
0xc6: {  	[tilespmem:v9+s13+$0x0] =	vst.idx.add.f32.msk $0xffff, v7  }
0xc7: {  	s24 =	sadd.s32 $0x40, s24;
	[tilespmem:v29+s13+$0x0] =	vst.idx.add.f32.msk $0xffff, v8  }
0xc8: {  	_ =	sdelay $0x3  }
0xc9: {  	v3 =	vld.idx.msk [tilespmem:v3+s2+$0x0], $0xffff;
	s21 =	sadd.s32 $0x1, s21  }
0xca: {  	v4 =	vld.idx.msk [tilespmem:v4+s2+$0x0], $0xffff;
	p0 =	sne.s32 s21, $0x14  }
.Ltmp2:
0xcb: {  	_ = 	snop;
	(pc) =	sbr.rel @p0 .LBB2_2-.Ltmp2, $4  }
0xcc: {  	_ = 	snop  }
0xcd: {  	[tilespmem:v2+s13+$0x0] =	vst.idx.add.f32.msk $0xffff, v5  }
0xce: {  	[tilespmem:v1+s13+$0x0] =	vst.idx.add.f32.msk $0xffff, v3  }
0xcf: {  	[tilespmem:v0+s13+$0x0] =	vst.idx.add.f32.msk $0xffff, v4  }
0xd0: {  	s20 =	sadd.s32 $0x1, s20  }
0xd1: {  	p0 =	sne.s32 s20, s11  }
.Ltmp3:
0xd2: {  	_ = 	snop;
	(pc) =	sbr.rel @p0 .LBB2_1-.Ltmp3, $4  }
0xd3: {  	[hbm4b:s10+s2] =	stream.linear.scatter [tilespmem:s13], [sflag:$0x3], $0xA000, $0x38;
	[tilespmem:$0x18000] =	vst v63  }
0xd4: {  	_ =	swait.ge [sflag:s12], $0xA000  }
0xd5: {  	[sflag:s12] =	ssyncset.done $0x0  }
0xd6: {  	[sflag:s12] =	ssyncadd.s32 $0xFFFF6000  }
0xd7: {  	_ =	sfence.sel $0x180000  }
0xd8: {  	[bflag:$0x0] =	sbarrier.arrive $0xFFFF  }
0xd9: {  	p0 =	sne.s32 s1, $0x0;
	_ =	strace $0x9000004A  }
0xda: {  	s0 =	sadd.s32 @!p0 $0x100000, s0;
	[bflag:$0x2] =	sbarrier.arrive $0xFFFF  }
0xdb: {  	[sflag:s0] =	ssyncadd.tile.s32 @!p0 $0x1;
	_ =	shalt  }
.Lfunc_end2:
_tile_overlayer_lowered:
.L_overlay_start_2:
0xdc: {  	(tag) =	ssettag $0x2  }
0xdd: {  	s0 =	rddreg [dreg:$0x0];
	s2 =	stileid.u32  }
0xde: {  	s1 =	rddreg [dreg:$0x1];
	p0 =	sne.s32 s2, $0x0  }
0xdf: {  	s3 =	rddreg [dreg:$0x2];
	[bflag:$0x3] =	sbarrier.arrive $0xFFFF;
	s2 =	simm.s32 @!p0 $0x1C03  }
0xe0: {  	[timem:s3], [sflag:s2] =	dma.local @!p0 [hbm:s0], s1  }
0xe1: {  	s0 =	simm.s32 @!p0 $0x3  }
0xe2: {  	_ =	swait.ge @!p0 [sflag:s0], s1  }
0xe3: {  	s1 =	ssub.s32 @!p0 $0x0, s1;
	[sflag:s0] =	ssyncset.done @!p0 $0x0  }
0xe4: {  	[sflag:s0] =	ssyncadd.s32 @!p0 s1  }
0xe5: {  	[bflag:$0x3] =	sbarrier.arrive $0xFFFF  }
0xe6: {  	_ =	shalt  }

// kernel: kernel.16.cloned.1.call-start
scs
__scs_entry_jumppad:
0x0: {  	(pc) =	sbr.rel $0x88, $3  }
0x1: {  	(tag) =	ssettag $0x0;
	lr =	simm.s32 $0x1  }
0x2: {  	[smem:$0x3F94] =	sst lr;
	_ =	strace $0xD0000000  }
0x3: {  	_ = 	snop  }
0x4: {  	_ = 	snop  }
0x5: {  	_ = 	snop  }
0x6: {  	_ = 	snop  }
0x7: {  	_ = 	snop  }
__scs_overlays_trampoline_lowered:
0x8: {  	[smem:$0x3FA3] =	sst s0  }
0x9: {  	[smem:$0x3FA4] =	sst s1  }
0xa: {  	[smem:$0x3FA5] =	sst s2  }
0xb: {  	[smem:$0x3FA6] =	sst s3  }
0xc: {  	[smem:$0x3FA7] =	sst s4  }
0xd: {  	[smem:$0x3FA8] =	sst s5  }
0xe: {  	[smem:$0x3FA9] =	sst s6  }
0xf: {  	[smem:$0x3FAA] =	sst s7  }
0x10: {  	[smem:$0x3FAB] =	sst s8  }
0x11: {  	[smem:$0x3FAC] =	sst s9;
	s0 =	simm.s32 @!p0 $0x0  }
0x12: {  	s1 =	sld [smem:$0x3F92];
	s0 =	simm.s32 @p0 $0x1  }
0x13: {  	[smem:$0x3FAD] =	sst s0;
	s0 =	simm.s32 @!p1 $0x0  }
0x14: {  	s2 =	sld [smem:$0x3F91];
	s0 =	simm.s32 @p1 $0x1  }
0x15: {  	[smem:$0x3FAE] =	sst s0;
	s0 =	simm.s32 @!p2 $0x0  }
0x16: {  	s3 =	sld [smem:$0x3FDB];
	s0 =	simm.s32 @p2 $0x1  }
0x17: {  	s4 =	simm.s32 $0x1BF5;
	[smem:$0x3FB0] =	sst s0  }
0x18: {  	s0 =	sld [smem:$0x3F93];
	_ =	swait.ge [sflag:s4], $0x0  }
0x19: {  	s7 =	sld [smem:$0x3F94]  }
0x1a: {  	s8 =	sadd.s32 $0xFFFFE003, lr  }
0x1b: {  	s9 =	sadd.s32 $0xFFFFFEF7, lr;
	s5 =	simm.s32 $0xFFFFFFFF;
	p2 =	slt.u32 s8, $0xFFFFF086  }
0x1c: {  	p1 =	slt.u32 s9, $0xF7A;
	s5 =	simm.s32 @!p2 $0x0  }
0x1d: {  	s5 =	simm.s32 @p1 $0x1;
	p0 =	seq.s32 s7, s2  }
0x1e: {  	s7 =	smul.u32 @!p0 $0xF7A, s2;
	p2 =	seq.s32 @!p0 s5, $0x0  }
0x1f: {  	s9 =	smul.u32 $0xF7A, s1;
	s8 =	simm.s32 @!p0 $0x1BF5;
	p2 =	por !p2, p0  }
0x20: {  	[sflag:s8] =	ssyncset.s32 @!p0 $0xFFFFF086;
	s6 =	sadd.s32 @!p0 s3, s7;
	s7 =	simm.s32 @!p0 $0x108  }
0x21: {  	s3 =	sadd.s32 s3, s9;
	s6 =	sadd.s32 @!p0 $0x88, s6;
	s7 =	simm.s32 @p2 $0x1082  }
0x22: {  	[simem:s7], [sflag:s8] =	dma.local @!p0 [hbm:s6], $0xF7A  }
0x23: {  	s9 =	sor.u32 $0xD0000000, s2;
	s6 =	simm.s32 $0x108;
	_ =	swait.ge @!p0 [sflag:s8], $0x0  }
0x24: {  	s3 =	sadd.s32 $0x88, s3;
	s6 =	simm.s32 @!p1 $0x1082;
	[sflag:s4] =	ssyncset.s32 $0xFFFFF086  }
0x25: {  	[simem:s6], [sflag:s4] =	dma.local [hbm:s3], $0xF7A  }
0x26: {  	[smem:$0x3F94] =	sst s1;
	(tag) =	ssettag s2;
	_ =	strace s9  }
0x27: {  	s1 =	sld [smem:$0x3FA4]  }
0x28: {  	s2 =	sld [smem:$0x3FA5]  }
0x29: {  	s4 =	sld [smem:$0x3FA7]  }
0x2a: {  	p0 =	seq.s32 s5, $0x0;
	s5 =	sld [smem:$0x3FA8]  }
0x2b: {  	s6 =	sld [smem:$0x3FA9]  }
0x2c: {  	s7 =	sld [smem:$0x3FAA]  }
0x2d: {  	s3 =	simm.s32 $0x108;
	s8 =	sld [smem:$0x3FAB]  }
0x2e: {  	s3 =	simm.s32 @!p0 $0x1082;
	s9 =	sld [smem:$0x3FAC]  }
0x2f: {  	lr =	sadd.s32 s0, s3;
	s0 =	sld [smem:$0x3FA3]  }
0x30: {  	s3 =	sld [smem:$0x3FA6]  }
0x31: {  	[smem:$0x3FAF] =	sst s10  }
0x32: {  	s10 =	sld [smem:$0x3FAD];
	_ =	sdelay $0x3  }
0x33: {  	p0 =	seq.s32 s10, $0x1;
	s10 =	sld [smem:$0x3FAF];
	_ =	sdelay $0x3  }
0x34: {  	[smem:$0x3FAF] =	sst s10  }
0x35: {  	s10 =	sld [smem:$0x3FAE];
	_ =	sdelay $0x3  }
0x36: {  	p1 =	seq.s32 s10, $0x1;
	s10 =	sld [smem:$0x3FAF];
	_ =	sdelay $0x3  }
0x37: {  	[smem:$0x3FAF] =	sst s10  }
0x38: {  	s10 =	sld [smem:$0x3FB0]  }
0x39: {  	_ = 	snop;
	(pc) =	sbr.ind lr, $3  }
0x3a: {  	_ = 	snop  }
0x3b: {  	_ = 	snop  }
0x3c: {  	p2 =	seq.s32 s10, $0x1;
	s10 =	sld [smem:$0x3FAF]  }
0x3d: {  	_ =	shalt  }
0x3e: {  	_ =	shalt  }
0x3f: {  	_ =	shalt  }
0x40: {  	_ =	shalt  }
0x41: {  	_ =	shalt  }
0x42: {  	_ =	shalt  }
0x43: {  	_ =	shalt  }
0x44: {  	_ =	shalt  }
0x45: {  	_ =	shalt  }
0x46: {  	_ =	shalt  }
0x47: {  	_ =	shalt  }
0x48: {  	_ =	shalt  }
0x49: {  	_ =	shalt  }
0x4a: {  	_ =	shalt  }
0x4b: {  	_ =	shalt  }
0x4c: {  	_ =	shalt  }
0x4d: {  	_ =	shalt  }
0x4e: {  	_ =	shalt  }
0x4f: {  	_ =	shalt  }
0x50: {  	_ =	shalt  }
0x51: {  	_ =	shalt  }
0x52: {  	_ =	shalt  }
0x53: {  	_ =	shalt  }
0x54: {  	_ =	shalt  }
0x55: {  	_ =	shalt  }
0x56: {  	_ =	shalt  }
0x57: {  	_ =	shalt  }
0x58: {  	_ =	shalt  }
0x59: {  	_ =	shalt  }
0x5a: {  	_ =	shalt  }
0x5b: {  	_ =	shalt  }
0x5c: {  	_ =	shalt  }
0x5d: {  	_ =	shalt  }
0x5e: {  	_ =	shalt  }
0x5f: {  	_ =	shalt  }
0x60: {  	_ =	shalt  }
0x61: {  	_ =	shalt  }
0x62: {  	_ =	shalt  }
0x63: {  	_ =	shalt  }
0x64: {  	_ =	shalt  }
0x65: {  	_ =	shalt  }
0x66: {  	_ =	shalt  }
0x67: {  	_ =	shalt  }
0x68: {  	_ =	shalt  }
0x69: {  	_ =	shalt  }
0x6a: {  	_ =	shalt  }
0x6b: {  	_ =	shalt  }
0x6c: {  	_ =	shalt  }
0x6d: {  	_ =	shalt  }
0x6e: {  	_ =	shalt  }
0x6f: {  	_ =	shalt  }
0x70: {  	_ =	shalt  }
0x71: {  	_ =	shalt  }
0x72: {  	_ =	shalt  }
0x73: {  	_ =	shalt  }
0x74: {  	_ =	shalt  }
0x75: {  	_ =	shalt  }
0x76: {  	_ =	shalt  }
0x77: {  	_ =	shalt  }
0x78: {  	_ =	shalt  }
0x79: {  	_ =	shalt  }
0x7a: {  	_ =	shalt  }
0x7b: {  	_ =	shalt  }
0x7c: {  	_ =	shalt  }
0x7d: {  	_ =	shalt  }
0x7e: {  	_ =	shalt  }
0x7f: {  	_ =	shalt  }
0x80: {  	_ =	shalt  }
0x81: {  	_ =	shalt  }
0x82: {  	_ =	shalt  }
0x83: {  	_ =	shalt  }
0x84: {  	_ =	shalt  }
0x85: {  	_ =	shalt  }
0x86: {  	_ =	shalt  }
0x87: {  	_ =	shalt  }
.Lfunc_end0:
.L_simem_size_0:
called_computation.2_lowered:
.L_overlay_start_0:
0x88: {  	s2 =	sld [smem:$0x3FD9]  }
0x89: {  	s3 =	sld [smem:$0x3FFE];
	_ =	sdelay $0x1  }
0x8a: {  	s1 =	srdreg.scid  }
0x8b: {  	s0 =	sand.u32 $0x1, s1  }
0x8c: {  	s16 =	sshll.u32 s0, $0xA;
	s2 =	sadd.s32 s3, s2  }
0x8d: {  	s2 =	sadd.s32 s2, s16  }
0x8e: {  	[smem:$0x3FBB] =	sst s2  }
0x8f: {  	_ = 	snop  }
0x90: {  	(tm) =	ssettm $0x1  }
0x91: {  	s17 =	sld [smem:$0x3FFB];
	_ =	sdelay $0x3  }
0x92: {  	_ =	strace s17  }
0x93: {  	s2 =	sld [smem:$0x3FFC];
	_ =	sdelay $0x3  }
0x94: {  	_ =	strace s2  }
0x95: {  	s2 =	sld [smem:$0x3FFD];
	_ =	sdelay $0x3  }
0x96: {  	_ =	strace s2  }
0x97: {  	_ =	strace $0x8FFFFFFF  }
0x98: {  	s18 =	sld [smem:$0x3FDB];
	_ =	sdelay $0x1  }
0x99: {  	s19 =	simm.s32 $_scs_section_size  }
0x9a: {  	s4 =	simm.s32 $_size__tile_overlayer_lowered;
	s5 =	simm.s32 $_tile_overlayer_lowered  }
0x9b: {  	s22 =	simm.s32 $0x1BFF;
	s21 =	sshll.u32 s5, $0x1;
	s2 =	sadd.s32 s19, s18  }
0x9c: {  	s6 =	simm.s32 $0x0;
	s20 =	sshll.u32 s4, $0x1;
	s4 =	sadd.s32 s21, s2  }
0x9d: {  	[timem:s6], [sflag:s22] =	dma.local [hbm:s4], s20  }
0x9e: {  	_ =	swait.ge [sflag:s22], s20  }
0x9f: {  	s3 =	ssub.s32 $0x0, s20;
	[sflag:s22] =	ssyncset.done $0x0  }
0xa0: {  	[sflag:s22] =	ssyncadd.s32 s3;
	_ =	sdelay $0x1  }
0xa1: {  	s23 =	simm.s32 $0x1B8B  }
0xa2: {  	_ =	swait.ge [sflag:s23], $0x1  }
0xa3: {  	[sflag:s23] =	ssyncset.done $0x0  }
0xa4: {  	s25 =	simm.s32 $0x1B8E;
	s24 =	sld [smem:$0x3FFE];
	[sflag:s23] =	ssyncadd.s32 $0xFFFFFFFF  }
0xa5: {  	s26 =	simm.s32 $execute0_lowered;
	[smem:$0x3FD2] =	sst s25  }
0xa6: {  	s4 =	sshll.u32 s26, $0x1;
	_ =	strace $0x8000004C;
	[dreg:$0x1] =	wrdreg $0xFFFFFFFF  }
0xa7: {  	s28 =	simm.s32 $_size_execute0_lowered;
	s2 =	sadd.s32 s2, s4;
	[dreg:$0x0] =	wrdreg $0x0  }
0xa8: {  	s4 =	sshll.u32 s28, $0x1;
	[dreg:$0x2] =	wrdreg s2  }
0xa9: {  	[dreg:$0x3] =	wrdreg s4  }
0xaa: {  	[dreg:$0x4] =	wrdreg $0xC0  }
0xab: {  	_ =	task [dreg:s6], $0x5FFFF  }
0xac: {  	[dreg:$0x1] =	wrdreg $0xFFFFFFFF  }
0xad: {  	[dreg:$0x0] =	wrdreg $0x60  }
0xae: {  	[dreg:$0x2] =	wrdreg s24  }
0xaf: {  	[dreg:$0x3] =	wrdreg $0x9  }
0xb0: {  	_ =	task.clear_ibuf [dreg:s6], $0x4FFFF;
	_ =	strace $0x9000004C  }
0xb1: {  	s29 =	simm.s32 $0x9;
	_ =	strace $0x8000004E  }
0xb2: {  	_ =	swait.ge [sflag:s29], $0x1  }
0xb3: {  	[sflag:s29] =	ssyncadd.s32 $0xFFFFFFFF  }
0xb4: {  	_ =	strace $0x9000004E  }
0xb5: {  	_ =	sfence  }
0xb6: {  	s30 =	sld [smem:$0x0];
	_ =	sdelay $0x2  }
0xb7: {  	s31 =	sshll.u32 s1, $0xD;
	s1 =	sshrl.u32 s1, $0x2  }
0xb8: {  	s3 =	sand.u32 $0x4000, s31;
	s1 =	sadd.s32 s1, s30  }
0xb9: {  	s0 =	sor.u32 s3, s0;
	s1 =	sshll.u32 s1, $0x11  }
0xba: {  	s0 =	sor.u32 s1, s0  }
0xbb: {  	s0 =	sadd.s32 $0x8F2B, s0  }
0xbc: {  	[sflag:s0] =	ssyncadd.remote.s32 $0x1  }
0xbd: {  	_ =	sfence.sel $0xFFFF  }
0xbe: {  	[dreg:$0x0] =	wrdreg $0xFFFFFFFF;
	(pc) =	sbr.abs _section_cstart, $3  }
0xbf: {  	[dreg:$0x1] =	wrdreg $0xFFFFFFFF  }
0xc0: {  	_ =	task.clear_ibuf [dreg:s6], $0x2FFFF;
	_ =	strace $0x9FFFFFFF  }
0xc1: {  	(tm) =	ssettm $0x7FFFFFFF  }
tec
execute0_lowered:
.L_overlay_start_1:
0x0: {  	(tag) =	ssettag $0x1  }
0x1: {  	s5 =	rddreg [dreg:$0x0]  }
0x2: {  	s0 =	rddreg [dreg:$0x1]  }
0x3: {  	s1 =	stileid.u32;
	s3 =	srdreg.scid;
	s2 =	simm.s32 $0x0  }
0x4: {  	s13 =	simm.s32 $0xA000;
	s14 =	simm.s32 $0x14000;
	s15 =	simm.s32 $0x15000  }
0x5: {  	s16 =	simm.s32 $0x1;
	s17 =	simm.s32 $0x16000;
	s18 =	simm.s32 $0x17000  }
0x6: {  	s19 =	simm.s32 $0x2;
	s20 =	simm.s32 $0x0;
	s4 =	smul.u32 $0xA000, s1  }
0x7: {  	s6 =	sand.u32 $0x1, s3;
	[smem:$0x7FF] =	sst s2;
	s3 =	sadd.s32 $0xCE00, s5  }
0x8: {  	s7 =	smul.u32 $0xA0000, s6;
	_ =	strace $0x8000004D;
	s9 =	ssub.s32 $0x2, s6  }
0x9: {  	s10 =	smul.u32 $0x28000, s6;
	s29 =	sshrl.u32 s4, $0x3;
	s30 =	sshrl.u32 s9, $0x1  }
0xa: {  	s8 =	sadd.s32 s29, s5;
	s4 =	sadd.s32 s4, s7;
	s12 =	ssub.s32 s9, s30  }
0xb: {  	s31 =	sshrl.u32 s10, $0x3;
	s9 =	sor.u32 $0x2000, s10;
	s7 =	sshrl.u32 s4, $0x3  }
0xc: {  	s4 =	sadd.s32 $0x2400, s5;
	s6 =	sadd.s32 s3, s31;
	s11 =	sadd.s32 s7, s5  }
0xd: {  	s5 =	sadd.s32 $0x16E00, s8;
	s7 =	sadd.s32 s4, s31;
	s8 =	sor.u32 $0x1000, s10  }
0xe: {  	s10 =	sadd.s32 $0x2AE00, s11;
	s11 =	smax.u32 s12, $0x1;
	s12 =	simm.s32 $0x3  }
.LBB2_1:
0xf: {  	[tilespmem:s2], [sflag:$0x3] =	stream.linear.gather [hbm4b:s5+s2], $0xA000, $0x38;
	[tilespmem:$0x18000] =	vst v63  }
0x10: {  	_ =	swait.ge [sflag:s12], $0xA000  }
0x11: {  	[sflag:s12] =	ssyncset.done $0x0  }
0x12: {  	[sflag:s12] =	ssyncadd.s32 $0xFFFF6000  }
0x13: {  	[tilespmem:s13], [sflag:$0x3] =	stream.linear.gather [hbm4b:s5+s2], $0xA000, $0x38;
	[tilespmem:$0x18000] =	vst v63  }
0x14: {  	_ =	swait.ge [sflag:s12], $0xA000  }
0x15: {  	[sflag:s12] =	ssyncset.done $0x0  }
0x16: {  	[sflag:s12] =	ssyncadd.s32 $0xFFFF6000  }
0x17: {  	[tilespmem:s14], [sflag:$0x1] =	stream.linear.gather [hbm4b:s6+s2], $0x1000, $0x38;
	[tilespmem:$0x18000] =	vst v63  }
0x18: {  	s21 =	simm.s32 $0x0  }
0x19: {  	[tilespmem:s15], [sflag:$0x1] =	stream.linear.gather [hbm4b:s7+s2], $0x1000, $0x38;
	[tilespmem:$0x18000] =	vst v63  }
.LBB2_2:
0x1a: {  	_ =	swait.ge [sflag:s16], $0x1000  }
0x1b: {  	[sflag:s16] =	ssyncset.done $0x0  }
0x1c: {  	s22 =	sshll.u32 s21, $0xD;
	[sflag:s16] =	ssyncadd.s32 $0xFFFFF000  }
0x1d: {  	s23 =	sadd.s32 s22, s8;
	_ =	swait.ge [sflag:s16], $0x1000  }
0x1e: {  	s23 =	sshrl.u32 s23, $0x3;
	[sflag:s16] =	ssyncset.done $0x0  }
0x1f: {  	s24 =	sadd.s32 s3, s23;
	[sflag:s16] =	ssyncadd.s32 $0xFFFFF000  }
0x20: {  	[tilespmem:s17], [sflag:$0x2] =	stream.linear.gather [hbm4b:s24+s2], $0x1000, $0x38;
	[tilespmem:$0x18000] =	vst v63  }
0x21: {  	s31 =	simm.s32 $0x14020;
	s23 =	sadd.s32 s4, s23  }
0x22: {  	[tilespmem:s18], [sflag:$0x2] =	stream.linear.gather [hbm4b:s23+s2], $0x1000, $0x38;
	[tilespmem:$0x18000] =	vst v63  }
0x23: {  	v0 =	vld [tilespmem:s31+$0x10]  }
0x24: {  	v2 =	vld [tilespmem:s31+$0xFFFFFFE0]  }
0x25: {  	v1 =	vld [tilespmem:s31+$0xFFFFFFF0];
	_ =	sdelay $0x1  }
0x26: {  	s23 =	simm.s32 $0x15020;
	v4 =	vld [tilespmem:s31+$0x0]  }
0x27: {  	v3 =	vld [tilespmem:s23+$0x10]  }
0x28: {  	v6 =	vld [tilespmem:s23+$0xFFFFFFE0]  }
0x29: {  	v9 =	vld [tilespmem:s23+$0xFFFFFFF0]  }
0x2a: {  	v5 =	vld.idx.msk [tilespmem:v0+s2+$0x0], $0xffff  }
0x2b: {  	v10 =	vld.idx.msk [tilespmem:v2+s2+$0x0], $0xffff  }
0x2c: {  	v7 =	vld.idx.msk [tilespmem:v1+s2+$0x0], $0xffff  }
0x2d: {  	v12 =	vld [tilespmem:s23+$0x0];
	v8 =	vadd.s32 $0x2800, v0  }
0x2e: {  	v11 =	vadd.s32 $0x2800, v2;
	v13 =	vld.idx.msk [tilespmem:v4+s2+$0x0], $0xffff  }
0x2f: {  	v57 =	vadd.s32 $0x2800, v1;
	[tilespmem:v3+s13+$0x0] =	vst.idx.add.f32.msk $0xffff, v5  }
0x30: {  	[tilespmem:v6+s13+$0x0] =	vst.idx.add.f32.msk $0xffff, v10  }
0x31: {  	v15 =	vadd.s32 $0x2800, v4;
	[tilespmem:v9+s13+$0x0] =	vst.idx.add.f32.msk $0xffff, v7  }
0x32: {  	v56 =	vadd.s32 $0x2800, v3;
	v5 =	vld.idx.msk [tilespmem:v8+s2+$0x0], $0xffff  }
0x33: {  	v7 =	vadd.s32 $0x2800, v6;
	v11 =	vld.idx.msk [tilespmem:v11+s2+$0x0], $0xffff  }
0x34: {  	v59 =	vadd.s32 $0x2800, v9;
	v10 =	vld.idx.msk [tilespmem:v57+s2+$0x0], $0xffff  }
0x35: {  	v14 =	vadd.s32 $0x5000, v0;
	[tilespmem:v12+s13+$0x0] =	vst.idx.add.f32.msk $0xffff, v13  }
0x36: {  	v16 =	vadd.s32 $0x2800, v12;
	v15 =	vld.idx.msk [tilespmem:v15+s2+$0x0], $0xffff  }
0x37: {  	v60 =	vadd.s32 $0x5000, v4;
	[tilespmem:v56+s13+$0x0] =	vst.idx.add.f32.msk $0xffff, v5  }
0x38: {  	v5 =	vadd.s32 $0x5000, v2;
	[tilespmem:v7+s13+$0x0] =	vst.idx.add.f32.msk $0xffff, v11  }
0x39: {  	v7 =	vadd.s32 $0x5000, v1;
	[tilespmem:v59+s13+$0x0] =	vst.idx.add.f32.msk $0xffff, v10  }
0x3a: {  	v58 =	vadd.s32 $0x5000, v3;
	v8 =	vld.idx.msk [tilespmem:v14+s2+$0x0], $0xffff  }
0x3b: {  	v0 =	vadd.s32 $0x7800, v0;
	[tilespmem:v16+s13+$0x0] =	vst.idx.add.f32.msk $0xffff, v15  }
0x3c: {  	v63 =	vadd.s32 $0x5000, v12;
	v11 =	vld.idx.msk [tilespmem:v60+s2+$0x0], $0xffff  }
0x3d: {  	v61 =	vadd.s32 $0x5000, v6;
	v5 =	vld.idx.msk [tilespmem:v5+s2+$0x0], $0xffff  }
0x3e: {  	v62 =	vadd.s32 $0x5000, v9;
	v7 =	vld.idx.msk [tilespmem:v7+s2+$0x0], $0xffff  }
0x3f: {  	v2 =	vadd.s32 $0x7800, v2;
	[tilespmem:v58+s13+$0x0] =	vst.idx.add.f32.msk $0xffff, v8  }
0x40: {  	v3 =	vadd.s32 $0x7800, v3;
	v0 =	vld.idx.msk [tilespmem:v0+s2+$0x0], $0xffff  }
0x41: {  	[tilespmem:v63+s13+$0x0] =	vst.idx.add.f32.msk $0xffff, v11  }
0x42: {  	[tilespmem:v61+s13+$0x0] =	vst.idx.add.f32.msk $0xffff, v5  }
0x43: {  	[tilespmem:v62+s13+$0x0] =	vst.idx.add.f32.msk $0xffff, v7  }
0x44: {  	v4 =	vadd.s32 $0x7800, v4;
	v5 =	vld.idx.msk [tilespmem:v2+s2+$0x0], $0xffff;
	v2 =	vadd.s32 $0x7800, v12  }
0x45: {  	s25 =	simm.s32 $0x14060;
	s24 =	simm.s32 $0x0;
	[tilespmem:v3+s13+$0x0] =	vst.idx.add.f32.msk $0xffff, v0;
	v3 =	vadd.s32 $0x7800, v1;
	v0 =	vadd.s32 $0x7800, v6;
	v1 =	vadd.s32 $0x7800, v9  }
.LBB2_3:
0x46: {  	v6 =	vld [tilespmem:s25+$0x10];
	s24 =	sadd.s32 $0x40, s24  }
0x47: {  	v7 =	vld [tilespmem:s25+$0xFFFFFFF0];
	p0 =	slt.u32 s24, $0xFC0  }
0x48: {  	v8 =	vld [tilespmem:s25+$0x0]  }
0x49: {  	v9 =	vld [tilespmem:s25+$0xFFFFFFE0]  }
0x4a: {  	v10 =	vld.idx.msk [tilespmem:v3+s2+$0x0], $0xffff  }
0x4b: {  	s23 =	sadd.s32 $0x40, s23;
	v11 =	vld.idx.msk [tilespmem:v4+s2+$0x0], $0xffff  }
0x4c: {  	v12 =	vadd.s32 $0x2800, v7;
	v13 =	vadd.s32 $0x5000, v7;
	v3 =	vadd.s32 $0x7800, v7;
	v14 =	vld [tilespmem:s23+$0x10]  }
0x4d: {  	v15 =	vld [tilespmem:s23+$0xFFFFFFE0];
	v16 =	vadd.s32 $0x2800, v8;
	v17 =	vadd.s32 $0x5000, v8;
	v4 =	vadd.s32 $0x7800, v8  }
0x4e: {  	v18 =	vadd.s32 $0x2800, v9;
	v19 =	vadd.s32 $0x5000, v9;
	v20 =	vadd.s32 $0x7800, v9;
	v21 =	vld.idx.msk [tilespmem:v6+s2+$0x0], $0xffff  }
0x4f: {  	v7 =	vld.idx.msk [tilespmem:v7+s2+$0x0], $0xffff  }
0x50: {  	v22 =	vadd.s32 $0x2800, v6;
	v8 =	vld.idx.msk [tilespmem:v8+s2+$0x0], $0xffff  }
0x51: {  	v9 =	vld.idx.msk [tilespmem:v9+s2+$0x0], $0xffff  }
0x52: {  	v23 =	vadd.s32 $0x2800, v15;
	v24 =	vadd.s32 $0x5000, v15;
	v25 =	vadd.s32 $0x7800, v15;
	v26 =	vld [tilespmem:s23+$0xFFFFFFF0]  }
0x53: {  	v27 =	vld [tilespmem:s23+$0x0]  }
0x54: {  	[tilespmem:v14+s13+$0x0] =	vst.idx.add.f32.msk $0xffff, v21  }
0x55: {  	v21 =	vld.idx.msk [tilespmem:v22+s2+$0x0], $0xffff  }
0x56: {  	v22 =	vadd.s32 $0x2800, v14;
	[tilespmem:v0+s13+$0x0] =	vst.idx.add.f32.msk $0xffff, v5;
	v0 =	vmov v25  }
0x57: {  	[tilespmem:v15+s13+$0x0] =	vst.idx.add.f32.msk $0xffff, v9;
	v5 =	vadd.s32 $0x2800, v26;
	v9 =	vadd.s32 $0x5000, v26;
	v15 =	vadd.s32 $0x5000, v6  }
0x58: {  	v25 =	vadd.s32 $0x7800, v26;
	v18 =	vld.idx.msk [tilespmem:v18+s2+$0x0], $0xffff;
	v28 =	vadd.s32 $0x2800, v27;
	v29 =	vadd.s32 $0x5000, v27  }
0x59: {  	v30 =	vadd.s32 $0x7800, v27;
	[tilespmem:v1+s13+$0x0] =	vst.idx.add.f32.msk $0xffff, v10;
	v1 =	vmov v25  }
0x5a: {  	[tilespmem:v26+s13+$0x0] =	vst.idx.add.f32.msk $0xffff, v7  }
0x5b: {  	[tilespmem:v22+s13+$0x0] =	vst.idx.add.f32.msk $0xffff, v21  }
0x5c: {  	v7 =	vld.idx.msk [tilespmem:v15+s2+$0x0], $0xffff  }
0x5d: {  	[tilespmem:v27+s13+$0x0] =	vst.idx.add.f32.msk $0xffff, v8;
	v8 =	vadd.s32 $0x5000, v14  }
0x5e: {  	v6 =	vadd.s32 $0x7800, v6;
	v10 =	vld.idx.msk [tilespmem:v12+s2+$0x0], $0xffff  }
0x5f: {  	v12 =	vld.idx.msk [tilespmem:v16+s2+$0x0], $0xffff  }
0x60: {  	[tilespmem:v23+s13+$0x0] =	vst.idx.add.f32.msk $0xffff, v18  }
0x61: {  	v15 =	vld.idx.msk [tilespmem:v19+s2+$0x0], $0xffff  }
0x62: {  	[tilespmem:v8+s13+$0x0] =	vst.idx.add.f32.msk $0xffff, v7  }
0x63: {  	v6 =	vld.idx.msk [tilespmem:v6+s2+$0x0], $0xffff  }
0x64: {  	[tilespmem:v5+s13+$0x0] =	vst.idx.add.f32.msk $0xffff, v10;
	v5 =	vadd.s32 $0x7800, v14  }
0x65: {  	[tilespmem:v28+s13+$0x0] =	vst.idx.add.f32.msk $0xffff, v12  }
0x66: {  	v7 =	vld.idx.msk [tilespmem:v13+s2+$0x0], $0xffff  }
0x67: {  	v8 =	vld.idx.msk [tilespmem:v17+s2+$0x0], $0xffff  }
0x68: {  	[tilespmem:v24+s13+$0x0] =	vst.idx.add.f32.msk $0xffff, v15  }
.Ltmp0:
0x69: {  	[tilespmem:v5+s13+$0x0] =	vst.idx.add.f32.msk $0xffff, v6;
	(pc) =	sbr.rel @p0 .LBB2_3-.Ltmp0, $4  }
0x6a: {  	v5 =	vld.idx.msk [tilespmem:v20+s2+$0x0], $0xffff  }
0x6b: {  	[tilespmem:v2+s13+$0x0] =	vst.idx.add.f32.msk $0xffff, v11;
	v2 =	vmov v30  }
0x6c: {  	[tilespmem:v9+s13+$0x0] =	vst.idx.add.f32.msk $0xffff, v7  }
0x6d: {  	s25 =	sadd.s32 $0x40, s25;
	[tilespmem:v29+s13+$0x0] =	vst.idx.add.f32.msk $0xffff, v8  }
0x6e: {  	_ =	sdelay $0x3  }
0x6f: {  	v3 =	vld.idx.msk [tilespmem:v3+s2+$0x0], $0xffff  }
0x70: {  	v4 =	vld.idx.msk [tilespmem:v4+s2+$0x0], $0xffff;
	_ =	sdelay $0x2  }
0x71: {  	[tilespmem:v0+s13+$0x0] =	vst.idx.add.f32.msk $0xffff, v5  }
0x72: {  	[tilespmem:v1+s13+$0x0] =	vst.idx.add.f32.msk $0xffff, v3  }
0x73: {  	[tilespmem:v2+s13+$0x0] =	vst.idx.add.f32.msk $0xffff, v4  }
0x74: {  	_ =	swait.ge [sflag:s19], $0x1000  }
0x75: {  	[sflag:s19] =	ssyncset.done $0x0  }
0x76: {  	p0 =	seq.s32 s21, $0x13;
	[sflag:s19] =	ssyncadd.s32 $0xFFFFF000  }
0x77: {  	s22 =	sadd.s32 @!p0 s22, s9;
	_ =	swait.ge [sflag:s19], $0x1000  }
0x78: {  	s24 =	simm.s32 @!p0 $0x0;
	s22 =	sshrl.u32 @!p0 s22, $0x3;
	[sflag:s19] =	ssyncset.done $0x0  }
0x79: {  	s25 =	simm.s32 @!p0 $0x14000;
	s23 =	sadd.s32 @!p0 s3, s22;
	[sflag:s19] =	ssyncadd.s32 $0xFFFFF000  }
0x7a: {  	[tilespmem:s25], [sflag:$0x1] =	stream.linear.gather @!p0 [hbm4b:s23+s24], $0x1000, $0x38;
	[tilespmem:$0x18000] =	vst v63  }
0x7b: {  	s31 =	simm.s32 $0x16020;
	s22 =	sadd.s32 @!p0 s4, s22;
	s23 =	simm.s32 @!p0 $0x15000  }
0x7c: {  	[tilespmem:s23], [sflag:$0x1] =	stream.linear.gather @!p0 [hbm4b:s22+s24], $0x1000, $0x38;
	[tilespmem:$0x18000] =	vst v63  }
0x7d: {  	v0 =	vld [tilespmem:s31+$0x10]  }
0x7e: {  	v2 =	vld [tilespmem:s31+$0xFFFFFFE0]  }
0x7f: {  	v1 =	vld [tilespmem:s31+$0xFFFFFFF0];
	_ =	sdelay $0x1  }
0x80: {  	s22 =	simm.s32 $0x17020;
	v4 =	vld [tilespmem:s31+$0x0]  }
0x81: {  	v3 =	vld [tilespmem:s22+$0x10]  }
0x82: {  	v6 =	vld [tilespmem:s22+$0xFFFFFFE0]  }
0x83: {  	v9 =	vld [tilespmem:s22+$0xFFFFFFF0]  }
0x84: {  	v5 =	vld.idx.msk [tilespmem:v0+s2+$0x0], $0xffff  }
0x85: {  	v10 =	vld.idx.msk [tilespmem:v2+s2+$0x0], $0xffff  }
0x86: {  	v7 =	vld.idx.msk [tilespmem:v1+s2+$0x0], $0xffff  }
0x87: {  	v12 =	vld [tilespmem:s22+$0x0];
	v8 =	vadd.s32 $0x2800, v0  }
0x88: {  	v11 =	vadd.s32 $0x2800, v2;
	v13 =	vld.idx.msk [tilespmem:v4+s2+$0x0], $0xffff  }
0x89: {  	v57 =	vadd.s32 $0x2800, v1;
	[tilespmem:v3+s13+$0x0] =	vst.idx.add.f32.msk $0xffff, v5  }
0x8a: {  	[tilespmem:v6+s13+$0x0] =	vst.idx.add.f32.msk $0xffff, v10  }
0x8b: {  	v15 =	vadd.s32 $0x2800, v4;
	[tilespmem:v9+s13+$0x0] =	vst.idx.add.f32.msk $0xffff, v7  }
0x8c: {  	v56 =	vadd.s32 $0x2800, v3;
	v5 =	vld.idx.msk [tilespmem:v8+s2+$0x0], $0xffff  }
0x8d: {  	v7 =	vadd.s32 $0x2800, v6;
	v11 =	vld.idx.msk [tilespmem:v11+s2+$0x0], $0xffff  }
0x8e: {  	v59 =	vadd.s32 $0x2800, v9;
	v10 =	vld.idx.msk [tilespmem:v57+s2+$0x0], $0xffff  }
0x8f: {  	v14 =	vadd.s32 $0x5000, v0;
	[tilespmem:v12+s13+$0x0] =	vst.idx.add.f32.msk $0xffff, v13  }
0x90: {  	v16 =	vadd.s32 $0x2800, v12;
	v15 =	vld.idx.msk [tilespmem:v15+s2+$0x0], $0xffff  }
0x91: {  	v60 =	vadd.s32 $0x5000, v4;
	[tilespmem:v56+s13+$0x0] =	vst.idx.add.f32.msk $0xffff, v5  }
0x92: {  	v5 =	vadd.s32 $0x5000, v2;
	[tilespmem:v7+s13+$0x0] =	vst.idx.add.f32.msk $0xffff, v11  }
0x93: {  	v7 =	vadd.s32 $0x5000, v1;
	[tilespmem:v59+s13+$0x0] =	vst.idx.add.f32.msk $0xffff, v10  }
0x94: {  	v58 =	vadd.s32 $0x5000, v3;
	v8 =	vld.idx.msk [tilespmem:v14+s2+$0x0], $0xffff  }
0x95: {  	v0 =	vadd.s32 $0x7800, v0;
	[tilespmem:v16+s13+$0x0] =	vst.idx.add.f32.msk $0xffff, v15  }
0x96: {  	v63 =	vadd.s32 $0x5000, v12;
	v11 =	vld.idx.msk [tilespmem:v60+s2+$0x0], $0xffff  }
0x97: {  	v61 =	vadd.s32 $0x5000, v6;
	v5 =	vld.idx.msk [tilespmem:v5+s2+$0x0], $0xffff  }
0x98: {  	v62 =	vadd.s32 $0x5000, v9;
	v7 =	vld.idx.msk [tilespmem:v7+s2+$0x0], $0xffff  }
0x99: {  	v2 =	vadd.s32 $0x7800, v2;
	[tilespmem:v58+s13+$0x0] =	vst.idx.add.f32.msk $0xffff, v8  }
0x9a: {  	v3 =	vadd.s32 $0x7800, v3;
	v0 =	vld.idx.msk [tilespmem:v0+s2+$0x0], $0xffff  }
0x9b: {  	[tilespmem:v63+s13+$0x0] =	vst.idx.add.f32.msk $0xffff, v11  }
0x9c: {  	[tilespmem:v61+s13+$0x0] =	vst.idx.add.f32.msk $0xffff, v5  }
0x9d: {  	[tilespmem:v62+s13+$0x0] =	vst.idx.add.f32.msk $0xffff, v7  }
0x9e: {  	v4 =	vadd.s32 $0x7800, v4;
	v5 =	vld.idx.msk [tilespmem:v2+s2+$0x0], $0xffff;
	v2 =	vadd.s32 $0x7800, v6  }
0x9f: {  	s23 =	simm.s32 $0x0;
	s24 =	simm.s32 $0x16060;
	[tilespmem:v3+s13+$0x0] =	vst.idx.add.f32.msk $0xffff, v0;
	v3 =	vadd.s32 $0x7800, v1;
	v1 =	vadd.s32 $0x7800, v9;
	v0 =	vadd.s32 $0x7800, v12  }
.LBB2_5:
0xa0: {  	v6 =	vld [tilespmem:s24+$0x10];
	s23 =	sadd.s32 $0x40, s23  }
0xa1: {  	v7 =	vld [tilespmem:s24+$0xFFFFFFF0];
	p0 =	slt.u32 s23, $0xFC0  }
0xa2: {  	v8 =	vld [tilespmem:s24+$0x0]  }
0xa3: {  	v9 =	vld [tilespmem:s24+$0xFFFFFFE0]  }
0xa4: {  	v10 =	vld.idx.msk [tilespmem:v3+s2+$0x0], $0xffff  }
0xa5: {  	s22 =	sadd.s32 $0x40, s22;
	v11 =	vld.idx.msk [tilespmem:v4+s2+$0x0], $0xffff  }
0xa6: {  	v12 =	vadd.s32 $0x2800, v7;
	v13 =	vadd.s32 $0x5000, v7;
	v3 =	vadd.s32 $0x7800, v7;
	v14 =	vld [tilespmem:s22+$0x10]  }
0xa7: {  	v15 =	vld [tilespmem:s22+$0xFFFFFFE0];
	v16 =	vadd.s32 $0x2800, v8;
	v17 =	vadd.s32 $0x5000, v8;
	v4 =	vadd.s32 $0x7800, v8  }
0xa8: {  	v18 =	vadd.s32 $0x2800, v9;
	v19 =	vadd.s32 $0x5000, v9;
	v20 =	vadd.s32 $0x7800, v9;
	v21 =	vld.idx.msk [tilespmem:v6+s2+$0x0], $0xffff  }
0xa9: {  	v7 =	vld.idx.msk [tilespmem:v7+s2+$0x0], $0xffff  }
0xaa: {  	v22 =	vadd.s32 $0x2800, v6;
	v8 =	vld.idx.msk [tilespmem:v8+s2+$0x0], $0xffff  }
0xab: {  	v9 =	vld.idx.msk [tilespmem:v9+s2+$0x0], $0xffff  }
0xac: {  	v23 =	vadd.s32 $0x2800, v15;
	v24 =	vadd.s32 $0x5000, v15;
	v25 =	vadd.s32 $0x7800, v15;
	v26 =	vld [tilespmem:s22+$0xFFFFFFF0]  }
0xad: {  	v27 =	vld [tilespmem:s22+$0x0]  }
0xae: {  	[tilespmem:v14+s13+$0x0] =	vst.idx.add.f32.msk $0xffff, v21  }
0xaf: {  	v21 =	vld.idx.msk [tilespmem:v22+s2+$0x0], $0xffff  }
0xb0: {  	v22 =	vadd.s32 $0x2800, v14;
	[tilespmem:v2+s13+$0x0] =	vst.idx.add.f32.msk $0xffff, v5;
	v2 =	vmov v25  }
0xb1: {  	[tilespmem:v15+s13+$0x0] =	vst.idx.add.f32.msk $0xffff, v9;
	v5 =	vadd.s32 $0x2800, v26;
	v9 =	vadd.s32 $0x5000, v26;
	v15 =	vadd.s32 $0x5000, v6  }
0xb2: {  	v25 =	vadd.s32 $0x7800, v26;
	v18 =	vld.idx.msk [tilespmem:v18+s2+$0x0], $0xffff;
	v28 =	vadd.s32 $0x2800, v27;
	v29 =	vadd.s32 $0x5000, v27  }
0xb3: {  	v30 =	vadd.s32 $0x7800, v27;
	[tilespmem:v1+s13+$0x0] =	vst.idx.add.f32.msk $0xffff, v10;
	v1 =	vmov v25  }
0xb4: {  	[tilespmem:v26+s13+$0x0] =	vst.idx.add.f32.msk $0xffff, v7  }
0xb5: {  	[tilespmem:v22+s13+$0x0] =	vst.idx.add.f32.msk $0xffff, v21  }
0xb6: {  	v7 =	vld.idx.msk [tilespmem:v15+s2+$0x0], $0xffff  }
0xb7: {  	[tilespmem:v27+s13+$0x0] =	vst.idx.add.f32.msk $0xffff, v8;
	v8 =	vadd.s32 $0x5000, v14  }
0xb8: {  	v6 =	vadd.s32 $0x7800, v6;
	v10 =	vld.idx.msk [tilespmem:v12+s2+$0x0], $0xffff  }
0xb9: {  	v12 =	vld.idx.msk [tilespmem:v16+s2+$0x0], $0xffff  }
0xba: {  	[tilespmem:v23+s13+$0x0] =	vst.idx.add.f32.msk $0xffff, v18  }
0xbb: {  	v15 =	vld.idx.msk [tilespmem:v19+s2+$0x0], $0xffff  }
0xbc: {  	[tilespmem:v8+s13+$0x0] =	vst.idx.add.f32.msk $0xffff, v7  }
0xbd: {  	v6 =	vld.idx.msk [tilespmem:v6+s2+$0x0], $0xffff  }
0xbe: {  	[tilespmem:v5+s13+$0x0] =	vst.idx.add.f32.msk $0xffff, v10;
	v5 =	vadd.s32 $0x7800, v14  }
0xbf: {  	[tilespmem:v28+s13+$0x0] =	vst.idx.add.f32.msk $0xffff, v12  }
0xc0: {  	v7 =	vld.idx.msk [tilespmem:v13+s2+$0x0], $0xffff  }
0xc1: {  	v8 =	vld.idx.msk [tilespmem:v17+s2+$0x0], $0xffff  }
0xc2: {  	[tilespmem:v24+s13+$0x0] =	vst.idx.add.f32.msk $0xffff, v15  }
.Ltmp1:
0xc3: {  	[tilespmem:v5+s13+$0x0] =	vst.idx.add.f32.msk $0xffff, v6;
	(pc) =	sbr.rel @p0 .LBB2_5-.Ltmp1, $4  }
0xc4: {  	v5 =	vld.idx.msk [tilespmem:v20+s2+$0x0], $0xffff  }
0xc5: {  	[tilespmem:v0+s13+$0x0] =	vst.idx.add.f32.msk $0xffff, v11;
	v0 =	vmov v30  }
0xc6: {  	[tilespmem:v9+s13+$0x0] =	vst.idx.add.f32.msk $0xffff, v7  }
0xc7: {  	s24 =	sadd.s32 $0x40, s24;
	[tilespmem:v29+s13+$0x0] =	vst.idx.add.f32.msk $0xffff, v8  }
0xc8: {  	_ =	sdelay $0x3  }
0xc9: {  	v3 =	vld.idx.msk [tilespmem:v3+s2+$0x0], $0xffff;
	s21 =	sadd.s32 $0x1, s21  }
0xca: {  	v4 =	vld.idx.msk [tilespmem:v4+s2+$0x0], $0xffff;
	p0 =	sne.s32 s21, $0x14  }
.Ltmp2:
0xcb: {  	_ = 	snop;
	(pc) =	sbr.rel @p0 .LBB2_2-.Ltmp2, $4  }
0xcc: {  	_ = 	snop  }
0xcd: {  	[tilespmem:v2+s13+$0x0] =	vst.idx.add.f32.msk $0xffff, v5  }
0xce: {  	[tilespmem:v1+s13+$0x0] =	vst.idx.add.f32.msk $0xffff, v3  }
0xcf: {  	[tilespmem:v0+s13+$0x0] =	vst.idx.add.f32.msk $0xffff, v4  }
0xd0: {  	s20 =	sadd.s32 $0x1, s20  }
0xd1: {  	p0 =	sne.s32 s20, s11  }
.Ltmp3:
0xd2: {  	_ = 	snop;
	(pc) =	sbr.rel @p0 .LBB2_1-.Ltmp3, $4  }
0xd3: {  	[hbm4b:s10+s2] =	stream.linear.scatter [tilespmem:s13], [sflag:$0x3], $0xA000, $0x38;
	[tilespmem:$0x18000] =	vst v63  }
0xd4: {  	_ =	swait.ge [sflag:s12], $0xA000  }
0xd5: {  	[sflag:s12] =	ssyncset.done $0x0  }
0xd6: {  	[sflag:s12] =	ssyncadd.s32 $0xFFFF6000  }
0xd7: {  	_ =	sfence.sel $0x180000  }
0xd8: {  	[bflag:$0x0] =	sbarrier.arrive $0xFFFF  }
0xd9: {  	p0 =	sne.s32 s1, $0x0;
	_ =	strace $0x9000004D  }
0xda: {  	s0 =	sadd.s32 @!p0 $0x100000, s0;
	[bflag:$0x2] =	sbarrier.arrive $0xFFFF  }
0xdb: {  	[sflag:s0] =	ssyncadd.tile.s32 @!p0 $0x1;
	_ =	shalt  }
.Lfunc_end2:
_tile_overlayer_lowered:
.L_overlay_start_2:
0xdc: {  	(tag) =	ssettag $0x2  }
0xdd: {  	s0 =	rddreg [dreg:$0x0];
	s2 =	stileid.u32  }
0xde: {  	s1 =	rddreg [dreg:$0x1];
	p0 =	sne.s32 s2, $0x0  }
0xdf: {  	s3 =	rddreg [dreg:$0x2];
	[bflag:$0x3] =	sbarrier.arrive $0xFFFF;
	s2 =	simm.s32 @!p0 $0x1C03  }
0xe0: {  	[timem:s3], [sflag:s2] =	dma.local @!p0 [hbm:s0], s1  }
0xe1: {  	s0 =	simm.s32 @!p0 $0x3  }
0xe2: {  	_ =	swait.ge @!p0 [sflag:s0], s1  }
0xe3: {  	s1 =	ssub.s32 @!p0 $0x0, s1;
	[sflag:s0] =	ssyncset.done @!p0 $0x0  }
0xe4: {  	[sflag:s0] =	ssyncadd.s32 @!p0 s1  }
0xe5: {  	[bflag:$0x3] =	sbarrier.arrive $0xFFFF  }
0xe6: {  	_ =	shalt  }

// kernel: kernel.19.cloned.1.call-start
scs
__scs_entry_jumppad:
0x0: {  	(pc) =	sbr.rel $0x88, $3  }
0x1: {  	(tag) =	ssettag $0x0;
	lr =	simm.s32 $0x1  }
0x2: {  	[smem:$0x3F94] =	sst lr;
	_ =	strace $0xD0000000  }
0x3: {  	_ = 	snop  }
0x4: {  	_ = 	snop  }
0x5: {  	_ = 	snop  }
0x6: {  	_ = 	snop  }
0x7: {  	_ = 	snop  }
__scs_overlays_trampoline_lowered:
0x8: {  	[smem:$0x3FA3] =	sst s0  }
0x9: {  	[smem:$0x3FA4] =	sst s1  }
0xa: {  	[smem:$0x3FA5] =	sst s2  }
0xb: {  	[smem:$0x3FA6] =	sst s3  }
0xc: {  	[smem:$0x3FA7] =	sst s4  }
0xd: {  	[smem:$0x3FA8] =	sst s5  }
0xe: {  	[smem:$0x3FA9] =	sst s6  }
0xf: {  	[smem:$0x3FAA] =	sst s7  }
0x10: {  	[smem:$0x3FAB] =	sst s8  }
0x11: {  	[smem:$0x3FAC] =	sst s9;
	s0 =	simm.s32 @!p0 $0x0  }
0x12: {  	s1 =	sld [smem:$0x3F92];
	s0 =	simm.s32 @p0 $0x1  }
0x13: {  	[smem:$0x3FAD] =	sst s0;
	s0 =	simm.s32 @!p1 $0x0  }
0x14: {  	s2 =	sld [smem:$0x3F91];
	s0 =	simm.s32 @p1 $0x1  }
0x15: {  	[smem:$0x3FAE] =	sst s0;
	s0 =	simm.s32 @!p2 $0x0  }
0x16: {  	s3 =	sld [smem:$0x3FDB];
	s0 =	simm.s32 @p2 $0x1  }
0x17: {  	s4 =	simm.s32 $0x1BF5;
	[smem:$0x3FB0] =	sst s0  }
0x18: {  	s0 =	sld [smem:$0x3F93];
	_ =	swait.ge [sflag:s4], $0x0  }
0x19: {  	s7 =	sld [smem:$0x3F94]  }
0x1a: {  	s8 =	sadd.s32 $0xFFFFE003, lr  }
0x1b: {  	s9 =	sadd.s32 $0xFFFFFEF7, lr;
	s5 =	simm.s32 $0xFFFFFFFF;
	p2 =	slt.u32 s8, $0xFFFFF086  }
0x1c: {  	p1 =	slt.u32 s9, $0xF7A;
	s5 =	simm.s32 @!p2 $0x0  }
0x1d: {  	s5 =	simm.s32 @p1 $0x1;
	p0 =	seq.s32 s7, s2  }
0x1e: {  	s7 =	smul.u32 @!p0 $0xF7A, s2;
	p2 =	seq.s32 @!p0 s5, $0x0  }
0x1f: {  	s9 =	smul.u32 $0xF7A, s1;
	s8 =	simm.s32 @!p0 $0x1BF5;
	p2 =	por !p2, p0  }
0x20: {  	[sflag:s8] =	ssyncset.s32 @!p0 $0xFFFFF086;
	s6 =	sadd.s32 @!p0 s3, s7;
	s7 =	simm.s32 @!p0 $0x108  }
0x21: {  	s3 =	sadd.s32 s3, s9;
	s6 =	sadd.s32 @!p0 $0x88, s6;
	s7 =	simm.s32 @p2 $0x1082  }
0x22: {  	[simem:s7], [sflag:s8] =	dma.local @!p0 [hbm:s6], $0xF7A  }
0x23: {  	s9 =	sor.u32 $0xD0000000, s2;
	s6 =	simm.s32 $0x108;
	_ =	swait.ge @!p0 [sflag:s8], $0x0  }
0x24: {  	s3 =	sadd.s32 $0x88, s3;
	s6 =	simm.s32 @!p1 $0x1082;
	[sflag:s4] =	ssyncset.s32 $0xFFFFF086  }
0x25: {  	[simem:s6], [sflag:s4] =	dma.local [hbm:s3], $0xF7A  }
0x26: {  	[smem:$0x3F94] =	sst s1;
	(tag) =	ssettag s2;
	_ =	strace s9  }
0x27: {  	s1 =	sld [smem:$0x3FA4]  }
0x28: {  	s2 =	sld [smem:$0x3FA5]  }
0x29: {  	s4 =	sld [smem:$0x3FA7]  }
0x2a: {  	p0 =	seq.s32 s5, $0x0;
	s5 =	sld [smem:$0x3FA8]  }
0x2b: {  	s6 =	sld [smem:$0x3FA9]  }
0x2c: {  	s7 =	sld [smem:$0x3FAA]  }
0x2d: {  	s3 =	simm.s32 $0x108;
	s8 =	sld [smem:$0x3FAB]  }
0x2e: {  	s3 =	simm.s32 @!p0 $0x1082;
	s9 =	sld [smem:$0x3FAC]  }
0x2f: {  	lr =	sadd.s32 s0, s3;
	s0 =	sld [smem:$0x3FA3]  }
0x30: {  	s3 =	sld [smem:$0x3FA6]  }
0x31: {  	[smem:$0x3FAF] =	sst s10  }
0x32: {  	s10 =	sld [smem:$0x3FAD];
	_ =	sdelay $0x3  }
0x33: {  	p0 =	seq.s32 s10, $0x1;
	s10 =	sld [smem:$0x3FAF];
	_ =	sdelay $0x3  }
0x34: {  	[smem:$0x3FAF] =	sst s10  }
0x35: {  	s10 =	sld [smem:$0x3FAE];
	_ =	sdelay $0x3  }
0x36: {  	p1 =	seq.s32 s10, $0x1;
	s10 =	sld [smem:$0x3FAF];
	_ =	sdelay $0x3  }
0x37: {  	[smem:$0x3FAF] =	sst s10  }
0x38: {  	s10 =	sld [smem:$0x3FB0]  }
0x39: {  	_ = 	snop;
	(pc) =	sbr.ind lr, $3  }
0x3a: {  	_ = 	snop  }
0x3b: {  	_ = 	snop  }
0x3c: {  	p2 =	seq.s32 s10, $0x1;
	s10 =	sld [smem:$0x3FAF]  }
0x3d: {  	_ =	shalt  }
0x3e: {  	_ =	shalt  }
0x3f: {  	_ =	shalt  }
0x40: {  	_ =	shalt  }
0x41: {  	_ =	shalt  }
0x42: {  	_ =	shalt  }
0x43: {  	_ =	shalt  }
0x44: {  	_ =	shalt  }
0x45: {  	_ =	shalt  }
0x46: {  	_ =	shalt  }
0x47: {  	_ =	shalt  }
0x48: {  	_ =	shalt  }
0x49: {  	_ =	shalt  }
0x4a: {  	_ =	shalt  }
0x4b: {  	_ =	shalt  }
0x4c: {  	_ =	shalt  }
0x4d: {  	_ =	shalt  }
0x4e: {  	_ =	shalt  }
0x4f: {  	_ =	shalt  }
0x50: {  	_ =	shalt  }
0x51: {  	_ =	shalt  }
0x52: {  	_ =	shalt  }
0x53: {  	_ =	shalt  }
0x54: {  	_ =	shalt  }
0x55: {  	_ =	shalt  }
0x56: {  	_ =	shalt  }
0x57: {  	_ =	shalt  }
0x58: {  	_ =	shalt  }
0x59: {  	_ =	shalt  }
0x5a: {  	_ =	shalt  }
0x5b: {  	_ =	shalt  }
0x5c: {  	_ =	shalt  }
0x5d: {  	_ =	shalt  }
0x5e: {  	_ =	shalt  }
0x5f: {  	_ =	shalt  }
0x60: {  	_ =	shalt  }
0x61: {  	_ =	shalt  }
0x62: {  	_ =	shalt  }
0x63: {  	_ =	shalt  }
0x64: {  	_ =	shalt  }
0x65: {  	_ =	shalt  }
0x66: {  	_ =	shalt  }
0x67: {  	_ =	shalt  }
0x68: {  	_ =	shalt  }
0x69: {  	_ =	shalt  }
0x6a: {  	_ =	shalt  }
0x6b: {  	_ =	shalt  }
0x6c: {  	_ =	shalt  }
0x6d: {  	_ =	shalt  }
0x6e: {  	_ =	shalt  }
0x6f: {  	_ =	shalt  }
0x70: {  	_ =	shalt  }
0x71: {  	_ =	shalt  }
0x72: {  	_ =	shalt  }
0x73: {  	_ =	shalt  }
0x74: {  	_ =	shalt  }
0x75: {  	_ =	shalt  }
0x76: {  	_ =	shalt  }
0x77: {  	_ =	shalt  }
0x78: {  	_ =	shalt  }
0x79: {  	_ =	shalt  }
0x7a: {  	_ =	shalt  }
0x7b: {  	_ =	shalt  }
0x7c: {  	_ =	shalt  }
0x7d: {  	_ =	shalt  }
0x7e: {  	_ =	shalt  }
0x7f: {  	_ =	shalt  }
0x80: {  	_ =	shalt  }
0x81: {  	_ =	shalt  }
0x82: {  	_ =	shalt  }
0x83: {  	_ =	shalt  }
0x84: {  	_ =	shalt  }
0x85: {  	_ =	shalt  }
0x86: {  	_ =	shalt  }
0x87: {  	_ =	shalt  }
.Lfunc_end0:
.L_simem_size_0:
called_computation.3_lowered:
.L_overlay_start_0:
0x88: {  	s2 =	sld [smem:$0x3FD9]  }
0x89: {  	s3 =	sld [smem:$0x3FFE];
	_ =	sdelay $0x1  }
0x8a: {  	s1 =	srdreg.scid  }
0x8b: {  	s0 =	sand.u32 $0x1, s1  }
0x8c: {  	s16 =	sshll.u32 s0, $0xA;
	s2 =	sadd.s32 s3, s2  }
0x8d: {  	s2 =	sadd.s32 s2, s16  }
0x8e: {  	[smem:$0x3FBB] =	sst s2  }
0x8f: {  	_ = 	snop  }
0x90: {  	(tm) =	ssettm $0x1  }
0x91: {  	s17 =	sld [smem:$0x3FFB];
	_ =	sdelay $0x3  }
0x92: {  	_ =	strace s17  }
0x93: {  	s2 =	sld [smem:$0x3FFC];
	_ =	sdelay $0x3  }
0x94: {  	_ =	strace s2  }
0x95: {  	s2 =	sld [smem:$0x3FFD];
	_ =	sdelay $0x3  }
0x96: {  	_ =	strace s2  }
0x97: {  	_ =	strace $0x8FFFFFFF  }
0x98: {  	s18 =	sld [smem:$0x3FDB];
	_ =	sdelay $0x1  }
0x99: {  	s19 =	simm.s32 $_scs_section_size  }
0x9a: {  	s4 =	simm.s32 $_size__tile_overlayer_lowered;
	s5 =	simm.s32 $_tile_overlayer_lowered  }
0x9b: {  	s22 =	simm.s32 $0x1BFF;
	s21 =	sshll.u32 s5, $0x1;
	s2 =	sadd.s32 s19, s18  }
0x9c: {  	s6 =	simm.s32 $0x0;
	s20 =	sshll.u32 s4, $0x1;
	s4 =	sadd.s32 s21, s2  }
0x9d: {  	[timem:s6], [sflag:s22] =	dma.local [hbm:s4], s20  }
0x9e: {  	_ =	swait.ge [sflag:s22], s20  }
0x9f: {  	s3 =	ssub.s32 $0x0, s20;
	[sflag:s22] =	ssyncset.done $0x0  }
0xa0: {  	[sflag:s22] =	ssyncadd.s32 s3;
	_ =	sdelay $0x1  }
0xa1: {  	s23 =	simm.s32 $0x1B8B  }
0xa2: {  	_ =	swait.ge [sflag:s23], $0x1  }
0xa3: {  	[sflag:s23] =	ssyncset.done $0x0  }
0xa4: {  	s25 =	simm.s32 $0x1B8E;
	s24 =	sld [smem:$0x3FFE];
	[sflag:s23] =	ssyncadd.s32 $0xFFFFFFFF  }
0xa5: {  	s26 =	simm.s32 $execute0_lowered;
	[smem:$0x3FD2] =	sst s25  }
0xa6: {  	s4 =	sshll.u32 s26, $0x1;
	_ =	strace $0x8000004F;
	[dreg:$0x1] =	wrdreg $0xFFFFFFFF  }
0xa7: {  	s28 =	simm.s32 $_size_execute0_lowered;
	s2 =	sadd.s32 s2, s4;
	[dreg:$0x0] =	wrdreg $0x0  }
0xa8: {  	s4 =	sshll.u32 s28, $0x1;
	[dreg:$0x2] =	wrdreg s2  }
0xa9: {  	[dreg:$0x3] =	wrdreg s4  }
0xaa: {  	[dreg:$0x4] =	wrdreg $0xC0  }
0xab: {  	_ =	task [dreg:s6], $0x5FFFF  }
0xac: {  	[dreg:$0x1] =	wrdreg $0xFFFFFFFF  }
0xad: {  	[dreg:$0x0] =	wrdreg $0x60  }
0xae: {  	[dreg:$0x2] =	wrdreg s24  }
0xaf: {  	[dreg:$0x3] =	wrdreg $0x9  }
0xb0: {  	_ =	task.clear_ibuf [dreg:s6], $0x4FFFF;
	_ =	strace $0x9000004F  }
0xb1: {  	s29 =	simm.s32 $0x9;
	_ =	strace $0x80000051  }
0xb2: {  	_ =	swait.ge [sflag:s29], $0x1  }
0xb3: {  	[sflag:s29] =	ssyncadd.s32 $0xFFFFFFFF  }
0xb4: {  	_ =	strace $0x90000051  }
0xb5: {  	_ =	sfence  }
0xb6: {  	s30 =	sld [smem:$0x0];
	_ =	sdelay $0x2  }
0xb7: {  	s31 =	sshll.u32 s1, $0xD;
	s1 =	sshrl.u32 s1, $0x2  }
0xb8: {  	s3 =	sand.u32 $0x4000, s31;
	s1 =	sadd.s32 s1, s30  }
0xb9: {  	s0 =	sor.u32 s3, s0;
	s1 =	sshll.u32 s1, $0x11  }
0xba: {  	s0 =	sor.u32 s1, s0  }
0xbb: {  	s0 =	sadd.s32 $0x8F2B, s0  }
0xbc: {  	[sflag:s0] =	ssyncadd.remote.s32 $0x1  }
0xbd: {  	_ =	sfence.sel $0xFFFF  }
0xbe: {  	[dreg:$0x0] =	wrdreg $0xFFFFFFFF;
	(pc) =	sbr.abs _section_cstart, $3  }
0xbf: {  	[dreg:$0x1] =	wrdreg $0xFFFFFFFF  }
0xc0: {  	_ =	task.clear_ibuf [dreg:s6], $0x2FFFF;
	_ =	strace $0x9FFFFFFF  }
0xc1: {  	(tm) =	ssettm $0x7FFFFFFF  }
tec
execute0_lowered:
.L_overlay_start_1:
0x0: {  	(tag) =	ssettag $0x1  }
0x1: {  	s1 =	srdreg.scid  }
0x2: {  	s0 =	stileid.u32;
	s5 =	rddreg [dreg:$0x0]  }
0x3: {  	s2 =	simm.s32 $0x0;
	s9 =	simm.s32 $0xA000;
	s10 =	simm.s32 $0x14000  }
0x4: {  	s11 =	simm.s32 $0x15000;
	s12 =	simm.s32 $0x1;
	s13 =	simm.s32 $0x16000  }
0x5: {  	s14 =	simm.s32 $0x17000;
	s15 =	simm.s32 $0x2;
	s3 =	sand.u32 $0x1, s1  }
0x6: {  	s6 =	sshll.u32 s0, $0x2;
	s1 =	rddreg [dreg:$0x1];
	s4 =	sshll.u32 s3, $0x6  }
0x7: {  	s16 =	simm.s32 $0x0;
	[smem:$0x7FF] =	sst s2;
	s4 =	sor.u32 s6, s4  }
0x8: {  	s7 =	ssub.s32 $0x2, s3;
	_ =	strace $0x80000050;
	s6 =	smul.u32 $0x500, s4  }
0x9: {  	s3 =	sadd.s32 $0xCE00, s5;
	s8 =	sshrl.u32 s7, $0x1;
	s4 =	sadd.s32 $0x2400, s5  }
0xa: {  	s7 =	ssub.s32 s7, s8;
	s8 =	simm.s32 $0x3;
	s6 =	sadd.s32 s6, s5  }
0xb: {  	s7 =	smax.u32 s7, $0x1;
	s5 =	sadd.s32 $0x16E00, s6;
	s6 =	sadd.s32 $0x3EE00, s6  }
.LBB2_1:
0xc: {  	[tilespmem:s2], [sflag:$0x3] =	stream.linear.gather [hbm4b:s5+s2], $0xA000, $0x38;
	[tilespmem:$0x18000] =	vst v63  }
0xd: {  	_ =	swait.ge [sflag:s8], $0xA000  }
0xe: {  	[sflag:s8] =	ssyncset.done $0x0  }
0xf: {  	[sflag:s8] =	ssyncadd.s32 $0xFFFF6000  }
0x10: {  	[tilespmem:s9], [sflag:$0x3] =	stream.linear.gather [hbm4b:s5+s2], $0xA000, $0x38;
	[tilespmem:$0x18000] =	vst v63  }
0x11: {  	_ =	swait.ge [sflag:s8], $0xA000  }
0x12: {  	[sflag:s8] =	ssyncset.done $0x0  }
0x13: {  	[sflag:s8] =	ssyncadd.s32 $0xFFFF6000  }
0x14: {  	[tilespmem:s10], [sflag:$0x1] =	stream.linear.gather [hbm4b:s3+s2], $0x1000, $0x38;
	[tilespmem:$0x18000] =	vst v63  }
0x15: {  	s17 =	simm.s32 $0x0  }
0x16: {  	[tilespmem:s11], [sflag:$0x1] =	stream.linear.gather [hbm4b:s4+s2], $0x1000, $0x38;
	[tilespmem:$0x18000] =	vst v63  }
.LBB2_2:
0x17: {  	_ =	swait.ge [sflag:s12], $0x1000  }
0x18: {  	[sflag:s12] =	ssyncset.done $0x0  }
0x19: {  	[sflag:s12] =	ssyncadd.s32 $0xFFFFF000  }
0x1a: {  	s18 =	sshll.u32 s17, $0xA;
	_ =	swait.ge [sflag:s12], $0x1000  }
0x1b: {  	s19 =	sor.u32 $0x200, s18;
	[sflag:s12] =	ssyncset.done $0x0  }
0x1c: {  	s20 =	sadd.s32 s3, s19;
	[sflag:s12] =	ssyncadd.s32 $0xFFFFF000  }
0x1d: {  	[tilespmem:s13], [sflag:$0x2] =	stream.linear.gather [hbm4b:s20+s2], $0x1000, $0x38;
	[tilespmem:$0x18000] =	vst v63  }
0x1e: {  	s31 =	simm.s32 $0x14020;
	s19 =	sadd.s32 s4, s19  }
0x1f: {  	[tilespmem:s14], [sflag:$0x2] =	stream.linear.gather [hbm4b:s19+s2], $0x1000, $0x38;
	[tilespmem:$0x18000] =	vst v63  }
0x20: {  	v0 =	vld [tilespmem:s31+$0x10]  }
0x21: {  	v2 =	vld [tilespmem:s31+$0xFFFFFFE0]  }
0x22: {  	v1 =	vld [tilespmem:s31+$0xFFFFFFF0];
	_ =	sdelay $0x1  }
0x23: {  	s19 =	simm.s32 $0x15020;
	v4 =	vld [tilespmem:s31+$0x0]  }
0x24: {  	v3 =	vld [tilespmem:s19+$0x10]  }
0x25: {  	v6 =	vld [tilespmem:s19+$0xFFFFFFE0]  }
0x26: {  	v9 =	vld [tilespmem:s19+$0xFFFFFFF0]  }
0x27: {  	v5 =	vld.idx.msk [tilespmem:v0+s2+$0x0], $0xffff  }
0x28: {  	v10 =	vld.idx.msk [tilespmem:v2+s2+$0x0], $0xffff  }
0x29: {  	v7 =	vld.idx.msk [tilespmem:v1+s2+$0x0], $0xffff  }
0x2a: {  	v12 =	vld [tilespmem:s19+$0x0];
	v8 =	vadd.s32 $0x2800, v0  }
0x2b: {  	v11 =	vadd.s32 $0x2800, v2;
	v13 =	vld.idx.msk [tilespmem:v4+s2+$0x0], $0xffff  }
0x2c: {  	v57 =	vadd.s32 $0x2800, v1;
	[tilespmem:v3+s9+$0x0] =	vst.idx.add.f32.msk $0xffff, v5  }
0x2d: {  	[tilespmem:v6+s9+$0x0] =	vst.idx.add.f32.msk $0xffff, v10  }
0x2e: {  	v15 =	vadd.s32 $0x2800, v4;
	[tilespmem:v9+s9+$0x0] =	vst.idx.add.f32.msk $0xffff, v7  }
0x2f: {  	v56 =	vadd.s32 $0x2800, v3;
	v5 =	vld.idx.msk [tilespmem:v8+s2+$0x0], $0xffff  }
0x30: {  	v7 =	vadd.s32 $0x2800, v6;
	v11 =	vld.idx.msk [tilespmem:v11+s2+$0x0], $0xffff  }
0x31: {  	v59 =	vadd.s32 $0x2800, v9;
	v10 =	vld.idx.msk [tilespmem:v57+s2+$0x0], $0xffff  }
0x32: {  	v14 =	vadd.s32 $0x5000, v0;
	[tilespmem:v12+s9+$0x0] =	vst.idx.add.f32.msk $0xffff, v13  }
0x33: {  	v16 =	vadd.s32 $0x2800, v12;
	v15 =	vld.idx.msk [tilespmem:v15+s2+$0x0], $0xffff  }
0x34: {  	v60 =	vadd.s32 $0x5000, v4;
	[tilespmem:v56+s9+$0x0] =	vst.idx.add.f32.msk $0xffff, v5  }
0x35: {  	v5 =	vadd.s32 $0x5000, v2;
	[tilespmem:v7+s9+$0x0] =	vst.idx.add.f32.msk $0xffff, v11  }
0x36: {  	v7 =	vadd.s32 $0x5000, v1;
	[tilespmem:v59+s9+$0x0] =	vst.idx.add.f32.msk $0xffff, v10  }
0x37: {  	v58 =	vadd.s32 $0x5000, v3;
	v8 =	vld.idx.msk [tilespmem:v14+s2+$0x0], $0xffff  }
0x38: {  	v0 =	vadd.s32 $0x7800, v0;
	[tilespmem:v16+s9+$0x0] =	vst.idx.add.f32.msk $0xffff, v15  }
0x39: {  	v63 =	vadd.s32 $0x5000, v12;
	v11 =	vld.idx.msk [tilespmem:v60+s2+$0x0], $0xffff  }
0x3a: {  	v61 =	vadd.s32 $0x5000, v6;
	v5 =	vld.idx.msk [tilespmem:v5+s2+$0x0], $0xffff  }
0x3b: {  	v62 =	vadd.s32 $0x5000, v9;
	v7 =	vld.idx.msk [tilespmem:v7+s2+$0x0], $0xffff  }
0x3c: {  	v2 =	vadd.s32 $0x7800, v2;
	[tilespmem:v58+s9+$0x0] =	vst.idx.add.f32.msk $0xffff, v8  }
0x3d: {  	v3 =	vadd.s32 $0x7800, v3;
	v0 =	vld.idx.msk [tilespmem:v0+s2+$0x0], $0xffff  }
0x3e: {  	[tilespmem:v63+s9+$0x0] =	vst.idx.add.f32.msk $0xffff, v11  }
0x3f: {  	[tilespmem:v61+s9+$0x0] =	vst.idx.add.f32.msk $0xffff, v5  }
0x40: {  	[tilespmem:v62+s9+$0x0] =	vst.idx.add.f32.msk $0xffff, v7  }
0x41: {  	v4 =	vadd.s32 $0x7800, v4;
	v5 =	vld.idx.msk [tilespmem:v2+s2+$0x0], $0xffff;
	v2 =	vadd.s32 $0x7800, v12  }
0x42: {  	s21 =	simm.s32 $0x14060;
	s20 =	simm.s32 $0x0;
	[tilespmem:v3+s9+$0x0] =	vst.idx.add.f32.msk $0xffff, v0;
	v3 =	vadd.s32 $0x7800, v1;
	v0 =	vadd.s32 $0x7800, v6;
	v1 =	vadd.s32 $0x7800, v9  }
.LBB2_3:
0x43: {  	v6 =	vld [tilespmem:s21+$0x10];
	s20 =	sadd.s32 $0x40, s20  }
0x44: {  	v7 =	vld [tilespmem:s21+$0xFFFFFFF0];
	p0 =	slt.u32 s20, $0xFC0  }
0x45: {  	v8 =	vld [tilespmem:s21+$0x0]  }
0x46: {  	v9 =	vld [tilespmem:s21+$0xFFFFFFE0]  }
0x47: {  	v10 =	vld.idx.msk [tilespmem:v3+s2+$0x0], $0xffff  }
0x48: {  	s19 =	sadd.s32 $0x40, s19;
	v11 =	vld.idx.msk [tilespmem:v4+s2+$0x0], $0xffff  }
0x49: {  	v12 =	vadd.s32 $0x2800, v7;
	v13 =	vadd.s32 $0x5000, v7;
	v3 =	vadd.s32 $0x7800, v7;
	v14 =	vld [tilespmem:s19+$0x10]  }
0x4a: {  	v15 =	vld [tilespmem:s19+$0xFFFFFFE0];
	v16 =	vadd.s32 $0x2800, v8;
	v17 =	vadd.s32 $0x5000, v8;
	v4 =	vadd.s32 $0x7800, v8  }
0x4b: {  	v18 =	vadd.s32 $0x2800, v9;
	v19 =	vadd.s32 $0x5000, v9;
	v20 =	vadd.s32 $0x7800, v9;
	v21 =	vld.idx.msk [tilespmem:v6+s2+$0x0], $0xffff  }
0x4c: {  	v7 =	vld.idx.msk [tilespmem:v7+s2+$0x0], $0xffff  }
0x4d: {  	v22 =	vadd.s32 $0x2800, v6;
	v8 =	vld.idx.msk [tilespmem:v8+s2+$0x0], $0xffff  }
0x4e: {  	v9 =	vld.idx.msk [tilespmem:v9+s2+$0x0], $0xffff  }
0x4f: {  	v23 =	vadd.s32 $0x2800, v15;
	v24 =	vadd.s32 $0x5000, v15;
	v25 =	vadd.s32 $0x7800, v15;
	v26 =	vld [tilespmem:s19+$0xFFFFFFF0]  }
0x50: {  	v27 =	vld [tilespmem:s19+$0x0]  }
0x51: {  	[tilespmem:v14+s9+$0x0] =	vst.idx.add.f32.msk $0xffff, v21  }
0x52: {  	v21 =	vld.idx.msk [tilespmem:v22+s2+$0x0], $0xffff  }
0x53: {  	v22 =	vadd.s32 $0x2800, v14;
	[tilespmem:v0+s9+$0x0] =	vst.idx.add.f32.msk $0xffff, v5;
	v0 =	vmov v25  }
0x54: {  	[tilespmem:v15+s9+$0x0] =	vst.idx.add.f32.msk $0xffff, v9;
	v5 =	vadd.s32 $0x2800, v26;
	v9 =	vadd.s32 $0x5000, v26;
	v15 =	vadd.s32 $0x5000, v6  }
0x55: {  	v25 =	vadd.s32 $0x7800, v26;
	v18 =	vld.idx.msk [tilespmem:v18+s2+$0x0], $0xffff;
	v28 =	vadd.s32 $0x2800, v27;
	v29 =	vadd.s32 $0x5000, v27  }
0x56: {  	v30 =	vadd.s32 $0x7800, v27;
	[tilespmem:v1+s9+$0x0] =	vst.idx.add.f32.msk $0xffff, v10;
	v1 =	vmov v25  }
0x57: {  	[tilespmem:v26+s9+$0x0] =	vst.idx.add.f32.msk $0xffff, v7  }
0x58: {  	[tilespmem:v22+s9+$0x0] =	vst.idx.add.f32.msk $0xffff, v21  }
0x59: {  	v7 =	vld.idx.msk [tilespmem:v15+s2+$0x0], $0xffff  }
0x5a: {  	[tilespmem:v27+s9+$0x0] =	vst.idx.add.f32.msk $0xffff, v8;
	v8 =	vadd.s32 $0x5000, v14  }
0x5b: {  	v6 =	vadd.s32 $0x7800, v6;
	v10 =	vld.idx.msk [tilespmem:v12+s2+$0x0], $0xffff  }
0x5c: {  	v12 =	vld.idx.msk [tilespmem:v16+s2+$0x0], $0xffff  }
0x5d: {  	[tilespmem:v23+s9+$0x0] =	vst.idx.add.f32.msk $0xffff, v18  }
0x5e: {  	v15 =	vld.idx.msk [tilespmem:v19+s2+$0x0], $0xffff  }
0x5f: {  	[tilespmem:v8+s9+$0x0] =	vst.idx.add.f32.msk $0xffff, v7  }
0x60: {  	v6 =	vld.idx.msk [tilespmem:v6+s2+$0x0], $0xffff  }
0x61: {  	[tilespmem:v5+s9+$0x0] =	vst.idx.add.f32.msk $0xffff, v10;
	v5 =	vadd.s32 $0x7800, v14  }
0x62: {  	[tilespmem:v28+s9+$0x0] =	vst.idx.add.f32.msk $0xffff, v12  }
0x63: {  	v7 =	vld.idx.msk [tilespmem:v13+s2+$0x0], $0xffff  }
0x64: {  	v8 =	vld.idx.msk [tilespmem:v17+s2+$0x0], $0xffff  }
0x65: {  	[tilespmem:v24+s9+$0x0] =	vst.idx.add.f32.msk $0xffff, v15  }
.Ltmp0:
0x66: {  	[tilespmem:v5+s9+$0x0] =	vst.idx.add.f32.msk $0xffff, v6;
	(pc) =	sbr.rel @p0 .LBB2_3-.Ltmp0, $4  }
0x67: {  	v5 =	vld.idx.msk [tilespmem:v20+s2+$0x0], $0xffff  }
0x68: {  	[tilespmem:v2+s9+$0x0] =	vst.idx.add.f32.msk $0xffff, v11;
	v2 =	vmov v30  }
0x69: {  	[tilespmem:v9+s9+$0x0] =	vst.idx.add.f32.msk $0xffff, v7  }
0x6a: {  	s21 =	sadd.s32 $0x40, s21;
	[tilespmem:v29+s9+$0x0] =	vst.idx.add.f32.msk $0xffff, v8  }
0x6b: {  	_ =	sdelay $0x3  }
0x6c: {  	v3 =	vld.idx.msk [tilespmem:v3+s2+$0x0], $0xffff  }
0x6d: {  	v4 =	vld.idx.msk [tilespmem:v4+s2+$0x0], $0xffff;
	_ =	sdelay $0x2  }
0x6e: {  	[tilespmem:v0+s9+$0x0] =	vst.idx.add.f32.msk $0xffff, v5  }
0x6f: {  	[tilespmem:v1+s9+$0x0] =	vst.idx.add.f32.msk $0xffff, v3  }
0x70: {  	[tilespmem:v2+s9+$0x0] =	vst.idx.add.f32.msk $0xffff, v4  }
0x71: {  	_ =	swait.ge [sflag:s15], $0x1000  }
0x72: {  	[sflag:s15] =	ssyncset.done $0x0  }
0x73: {  	[sflag:s15] =	ssyncadd.s32 $0xFFFFF000  }
0x74: {  	p0 =	seq.s32 s17, $0x27;
	_ =	swait.ge [sflag:s15], $0x1000  }
0x75: {  	s18 =	sadd.s32 @!p0 $0x400, s18;
	s20 =	simm.s32 @!p0 $0x0;
	[sflag:s15] =	ssyncset.done $0x0  }
0x76: {  	s21 =	simm.s32 @!p0 $0x14000;
	s19 =	sadd.s32 @!p0 s3, s18;
	[sflag:s15] =	ssyncadd.s32 $0xFFFFF000  }
0x77: {  	[tilespmem:s21], [sflag:$0x1] =	stream.linear.gather @!p0 [hbm4b:s19+s20], $0x1000, $0x38;
	[tilespmem:$0x18000] =	vst v63  }
0x78: {  	s31 =	simm.s32 $0x16020;
	s18 =	sadd.s32 @!p0 s4, s18;
	s19 =	simm.s32 @!p0 $0x15000  }
0x79: {  	[tilespmem:s19], [sflag:$0x1] =	stream.linear.gather @!p0 [hbm4b:s18+s20], $0x1000, $0x38;
	[tilespmem:$0x18000] =	vst v63  }
0x7a: {  	v0 =	vld [tilespmem:s31+$0x10]  }
0x7b: {  	v2 =	vld [tilespmem:s31+$0xFFFFFFE0]  }
0x7c: {  	v1 =	vld [tilespmem:s31+$0xFFFFFFF0];
	_ =	sdelay $0x1  }
0x7d: {  	s18 =	simm.s32 $0x17020;
	v4 =	vld [tilespmem:s31+$0x0]  }
0x7e: {  	v3 =	vld [tilespmem:s18+$0x10]  }
0x7f: {  	v6 =	vld [tilespmem:s18+$0xFFFFFFE0]  }
0x80: {  	v9 =	vld [tilespmem:s18+$0xFFFFFFF0]  }
0x81: {  	v5 =	vld.idx.msk [tilespmem:v0+s2+$0x0], $0xffff  }
0x82: {  	v10 =	vld.idx.msk [tilespmem:v2+s2+$0x0], $0xffff  }
0x83: {  	v7 =	vld.idx.msk [tilespmem:v1+s2+$0x0], $0xffff  }
0x84: {  	v12 =	vld [tilespmem:s18+$0x0];
	v8 =	vadd.s32 $0x2800, v0  }
0x85: {  	v11 =	vadd.s32 $0x2800, v2;
	v13 =	vld.idx.msk [tilespmem:v4+s2+$0x0], $0xffff  }
0x86: {  	v57 =	vadd.s32 $0x2800, v1;
	[tilespmem:v3+s9+$0x0] =	vst.idx.add.f32.msk $0xffff, v5  }
0x87: {  	[tilespmem:v6+s9+$0x0] =	vst.idx.add.f32.msk $0xffff, v10  }
0x88: {  	v15 =	vadd.s32 $0x2800, v4;
	[tilespmem:v9+s9+$0x0] =	vst.idx.add.f32.msk $0xffff, v7  }
0x89: {  	v56 =	vadd.s32 $0x2800, v3;
	v5 =	vld.idx.msk [tilespmem:v8+s2+$0x0], $0xffff  }
0x8a: {  	v7 =	vadd.s32 $0x2800, v6;
	v11 =	vld.idx.msk [tilespmem:v11+s2+$0x0], $0xffff  }
0x8b: {  	v59 =	vadd.s32 $0x2800, v9;
	v10 =	vld.idx.msk [tilespmem:v57+s2+$0x0], $0xffff  }
0x8c: {  	v14 =	vadd.s32 $0x5000, v0;
	[tilespmem:v12+s9+$0x0] =	vst.idx.add.f32.msk $0xffff, v13  }
0x8d: {  	v16 =	vadd.s32 $0x2800, v12;
	v15 =	vld.idx.msk [tilespmem:v15+s2+$0x0], $0xffff  }
0x8e: {  	v60 =	vadd.s32 $0x5000, v4;
	[tilespmem:v56+s9+$0x0] =	vst.idx.add.f32.msk $0xffff, v5  }
0x8f: {  	v5 =	vadd.s32 $0x5000, v2;
	[tilespmem:v7+s9+$0x0] =	vst.idx.add.f32.msk $0xffff, v11  }
0x90: {  	v7 =	vadd.s32 $0x5000, v1;
	[tilespmem:v59+s9+$0x0] =	vst.idx.add.f32.msk $0xffff, v10  }
0x91: {  	v58 =	vadd.s32 $0x5000, v3;
	v8 =	vld.idx.msk [tilespmem:v14+s2+$0x0], $0xffff  }
0x92: {  	v0 =	vadd.s32 $0x7800, v0;
	[tilespmem:v16+s9+$0x0] =	vst.idx.add.f32.msk $0xffff, v15  }
0x93: {  	v63 =	vadd.s32 $0x5000, v12;
	v11 =	vld.idx.msk [tilespmem:v60+s2+$0x0], $0xffff  }
0x94: {  	v61 =	vadd.s32 $0x5000, v6;
	v5 =	vld.idx.msk [tilespmem:v5+s2+$0x0], $0xffff  }
0x95: {  	v62 =	vadd.s32 $0x5000, v9;
	v7 =	vld.idx.msk [tilespmem:v7+s2+$0x0], $0xffff  }
0x96: {  	v2 =	vadd.s32 $0x7800, v2;
	[tilespmem:v58+s9+$0x0] =	vst.idx.add.f32.msk $0xffff, v8  }
0x97: {  	v3 =	vadd.s32 $0x7800, v3;
	v0 =	vld.idx.msk [tilespmem:v0+s2+$0x0], $0xffff  }
0x98: {  	[tilespmem:v63+s9+$0x0] =	vst.idx.add.f32.msk $0xffff, v11  }
0x99: {  	[tilespmem:v61+s9+$0x0] =	vst.idx.add.f32.msk $0xffff, v5  }
0x9a: {  	[tilespmem:v62+s9+$0x0] =	vst.idx.add.f32.msk $0xffff, v7  }
0x9b: {  	v4 =	vadd.s32 $0x7800, v4;
	v5 =	vld.idx.msk [tilespmem:v2+s2+$0x0], $0xffff;
	v2 =	vadd.s32 $0x7800, v6  }
0x9c: {  	s19 =	simm.s32 $0x0;
	s20 =	simm.s32 $0x16060;
	[tilespmem:v3+s9+$0x0] =	vst.idx.add.f32.msk $0xffff, v0;
	v3 =	vadd.s32 $0x7800, v1;
	v1 =	vadd.s32 $0x7800, v9;
	v0 =	vadd.s32 $0x7800, v12  }
.LBB2_5:
0x9d: {  	v6 =	vld [tilespmem:s20+$0x10];
	s19 =	sadd.s32 $0x40, s19  }
0x9e: {  	v7 =	vld [tilespmem:s20+$0xFFFFFFF0];
	p0 =	slt.u32 s19, $0xFC0  }
0x9f: {  	v8 =	vld [tilespmem:s20+$0x0]  }
0xa0: {  	v9 =	vld [tilespmem:s20+$0xFFFFFFE0]  }
0xa1: {  	v10 =	vld.idx.msk [tilespmem:v3+s2+$0x0], $0xffff  }
0xa2: {  	s18 =	sadd.s32 $0x40, s18;
	v11 =	vld.idx.msk [tilespmem:v4+s2+$0x0], $0xffff  }
0xa3: {  	v12 =	vadd.s32 $0x2800, v7;
	v13 =	vadd.s32 $0x5000, v7;
	v3 =	vadd.s32 $0x7800, v7;
	v14 =	vld [tilespmem:s18+$0x10]  }
0xa4: {  	v15 =	vld [tilespmem:s18+$0xFFFFFFE0];
	v16 =	vadd.s32 $0x2800, v8;
	v17 =	vadd.s32 $0x5000, v8;
	v4 =	vadd.s32 $0x7800, v8  }
0xa5: {  	v18 =	vadd.s32 $0x2800, v9;
	v19 =	vadd.s32 $0x5000, v9;
	v20 =	vadd.s32 $0x7800, v9;
	v21 =	vld.idx.msk [tilespmem:v6+s2+$0x0], $0xffff  }
0xa6: {  	v7 =	vld.idx.msk [tilespmem:v7+s2+$0x0], $0xffff  }
0xa7: {  	v22 =	vadd.s32 $0x2800, v6;
	v8 =	vld.idx.msk [tilespmem:v8+s2+$0x0], $0xffff  }
0xa8: {  	v9 =	vld.idx.msk [tilespmem:v9+s2+$0x0], $0xffff  }
0xa9: {  	v23 =	vadd.s32 $0x2800, v15;
	v24 =	vadd.s32 $0x5000, v15;
	v25 =	vadd.s32 $0x7800, v15;
	v26 =	vld [tilespmem:s18+$0xFFFFFFF0]  }
0xaa: {  	v27 =	vld [tilespmem:s18+$0x0]  }
0xab: {  	[tilespmem:v14+s9+$0x0] =	vst.idx.add.f32.msk $0xffff, v21  }
0xac: {  	v21 =	vld.idx.msk [tilespmem:v22+s2+$0x0], $0xffff  }
0xad: {  	v22 =	vadd.s32 $0x2800, v14;
	[tilespmem:v2+s9+$0x0] =	vst.idx.add.f32.msk $0xffff, v5;
	v2 =	vmov v25  }
0xae: {  	[tilespmem:v15+s9+$0x0] =	vst.idx.add.f32.msk $0xffff, v9;
	v5 =	vadd.s32 $0x2800, v26;
	v9 =	vadd.s32 $0x5000, v26;
	v15 =	vadd.s32 $0x5000, v6  }
0xaf: {  	v25 =	vadd.s32 $0x7800, v26;
	v18 =	vld.idx.msk [tilespmem:v18+s2+$0x0], $0xffff;
	v28 =	vadd.s32 $0x2800, v27;
	v29 =	vadd.s32 $0x5000, v27  }
0xb0: {  	v30 =	vadd.s32 $0x7800, v27;
	[tilespmem:v1+s9+$0x0] =	vst.idx.add.f32.msk $0xffff, v10;
	v1 =	vmov v25  }
0xb1: {  	[tilespmem:v26+s9+$0x0] =	vst.idx.add.f32.msk $0xffff, v7  }
0xb2: {  	[tilespmem:v22+s9+$0x0] =	vst.idx.add.f32.msk $0xffff, v21  }
0xb3: {  	v7 =	vld.idx.msk [tilespmem:v15+s2+$0x0], $0xffff  }
0xb4: {  	[tilespmem:v27+s9+$0x0] =	vst.idx.add.f32.msk $0xffff, v8;
	v8 =	vadd.s32 $0x5000, v14  }
0xb5: {  	v6 =	vadd.s32 $0x7800, v6;
	v10 =	vld.idx.msk [tilespmem:v12+s2+$0x0], $0xffff  }
0xb6: {  	v12 =	vld.idx.msk [tilespmem:v16+s2+$0x0], $0xffff  }
0xb7: {  	[tilespmem:v23+s9+$0x0] =	vst.idx.add.f32.msk $0xffff, v18  }
0xb8: {  	v15 =	vld.idx.msk [tilespmem:v19+s2+$0x0], $0xffff  }
0xb9: {  	[tilespmem:v8+s9+$0x0] =	vst.idx.add.f32.msk $0xffff, v7  }
0xba: {  	v6 =	vld.idx.msk [tilespmem:v6+s2+$0x0], $0xffff  }
0xbb: {  	[tilespmem:v5+s9+$0x0] =	vst.idx.add.f32.msk $0xffff, v10;
	v5 =	vadd.s32 $0x7800, v14  }
0xbc: {  	[tilespmem:v28+s9+$0x0] =	vst.idx.add.f32.msk $0xffff, v12  }
0xbd: {  	v7 =	vld.idx.msk [tilespmem:v13+s2+$0x0], $0xffff  }
0xbe: {  	v8 =	vld.idx.msk [tilespmem:v17+s2+$0x0], $0xffff  }
0xbf: {  	[tilespmem:v24+s9+$0x0] =	vst.idx.add.f32.msk $0xffff, v15  }
.Ltmp1:
0xc0: {  	[tilespmem:v5+s9+$0x0] =	vst.idx.add.f32.msk $0xffff, v6;
	(pc) =	sbr.rel @p0 .LBB2_5-.Ltmp1, $4  }
0xc1: {  	v5 =	vld.idx.msk [tilespmem:v20+s2+$0x0], $0xffff  }
0xc2: {  	[tilespmem:v0+s9+$0x0] =	vst.idx.add.f32.msk $0xffff, v11;
	v0 =	vmov v30  }
0xc3: {  	[tilespmem:v9+s9+$0x0] =	vst.idx.add.f32.msk $0xffff, v7  }
0xc4: {  	s20 =	sadd.s32 $0x40, s20;
	[tilespmem:v29+s9+$0x0] =	vst.idx.add.f32.msk $0xffff, v8  }
0xc5: {  	_ =	sdelay $0x3  }
0xc6: {  	v3 =	vld.idx.msk [tilespmem:v3+s2+$0x0], $0xffff;
	s17 =	sadd.s32 $0x1, s17  }
0xc7: {  	v4 =	vld.idx.msk [tilespmem:v4+s2+$0x0], $0xffff;
	p0 =	sne.s32 s17, $0x28  }
.Ltmp2:
0xc8: {  	_ = 	snop;
	(pc) =	sbr.rel @p0 .LBB2_2-.Ltmp2, $4  }
0xc9: {  	_ = 	snop  }
0xca: {  	[tilespmem:v2+s9+$0x0] =	vst.idx.add.f32.msk $0xffff, v5  }
0xcb: {  	[tilespmem:v1+s9+$0x0] =	vst.idx.add.f32.msk $0xffff, v3  }
0xcc: {  	[tilespmem:v0+s9+$0x0] =	vst.idx.add.f32.msk $0xffff, v4  }
0xcd: {  	s16 =	sadd.s32 $0x1, s16  }
0xce: {  	p0 =	sne.s32 s16, s7  }
.Ltmp3:
0xcf: {  	_ = 	snop;
	(pc) =	sbr.rel @p0 .LBB2_1-.Ltmp3, $4  }
0xd0: {  	[hbm4b:s6+s2] =	stream.linear.scatter [tilespmem:s9], [sflag:$0x3], $0xA000, $0x38;
	[tilespmem:$0x18000] =	vst v63  }
0xd1: {  	_ =	swait.ge [sflag:s8], $0xA000  }
0xd2: {  	[sflag:s8] =	ssyncset.done $0x0  }
0xd3: {  	[sflag:s8] =	ssyncadd.s32 $0xFFFF6000  }
0xd4: {  	_ =	sfence.sel $0x180000  }
0xd5: {  	[bflag:$0x0] =	sbarrier.arrive $0xFFFF  }
0xd6: {  	p0 =	sne.s32 s0, $0x0;
	_ =	strace $0x90000050  }
0xd7: {  	s0 =	sadd.s32 @!p0 $0x100000, s1;
	[bflag:$0x2] =	sbarrier.arrive $0xFFFF  }
0xd8: {  	[sflag:s0] =	ssyncadd.tile.s32 @!p0 $0x1;
	_ =	shalt  }
.Lfunc_end2:
_tile_overlayer_lowered:
.L_overlay_start_2:
0xd9: {  	(tag) =	ssettag $0x2  }
0xda: {  	s0 =	rddreg [dreg:$0x0];
	s2 =	stileid.u32  }
0xdb: {  	s1 =	rddreg [dreg:$0x1];
	p0 =	sne.s32 s2, $0x0  }
0xdc: {  	s3 =	rddreg [dreg:$0x2];
	[bflag:$0x3] =	sbarrier.arrive $0xFFFF;
	s2 =	simm.s32 @!p0 $0x1C03  }
0xdd: {  	[timem:s3], [sflag:s2] =	dma.local @!p0 [hbm:s0], s1  }
0xde: {  	s0 =	simm.s32 @!p0 $0x3  }
0xdf: {  	_ =	swait.ge @!p0 [sflag:s0], s1  }
0xe0: {  	s1 =	ssub.s32 @!p0 $0x0, s1;
	[sflag:s0] =	ssyncset.done @!p0 $0x0  }
0xe1: {  	[sflag:s0] =	ssyncadd.s32 @!p0 s1  }
0xe2: {  	[bflag:$0x3] =	sbarrier.arrive $0xFFFF  }
0xe3: {  	_ =	shalt  }

</sc_bundles>
